<compile_context>
chip_gen: v7x
topology: tpu7x:2x2x1
jax: 0.10.2.dev20260603
libtpu: 0.0.44.dev20260713+nightly
codegen_flags: <defaults>
</compile_context>

<pallas_src>
import functools

import jax
import jax.numpy as jnp
from jax import lax
from jax.experimental import pallas as pl
from jax.experimental.pallas import tpu as pltpu
from jax.experimental.pallas import tpu_sc as plsc

_N = 100000
_D = 128
_R = 14
_E = 40000
_L = 4

_BN = 128
_NB = 784
_NP = _NB * _BN
_W = 128
_NWT = 138
_KW = 8
_EPS = 32 * _NWT * _W
_ZROW = _NP * 15 - 16


def _h_mm_body(x_ref, w_ref, o_ref):
    o_ref[...] = jnp.dot(x_ref[...], w_ref[...],
                         preferred_element_type=jnp.float32)


def _h_matmul(x, wcat):
    bn = 512
    return pl.pallas_call(
        _h_mm_body,
        grid=(_NP // bn,),
        in_specs=[pl.BlockSpec((bn, _D), lambda i: (i, 0)),
                  pl.BlockSpec((_D, 15 * _D), lambda i: (0, 0))],
        out_specs=pl.BlockSpec((bn, 15 * _D), lambda i: (i, 0)),
        out_shape=jax.ShapeDtypeStruct((_NP, 15 * _D), jnp.float32),
    )(x, wcat)




def _gather_body(h15_h, src_h, m_h, idxw, rows, gsem, wsem):
    t = lax.axis_index("s") * 2 + lax.axis_index("c")
    base = t * (_NWT * _W)

    def start_g(wi):
        pltpu.sync_copy(src_h.at[pl.ds(base + wi * _W, _W)], idxw)
        pltpu.make_async_copy(
            h15_h.at[idxw],
            rows.at[pl.ds((wi % 2) * _W, _W), :], gsem).start()

    start_g(0)

    def body(wi, carry):
        buf = (wi % 2) * _W
        pltpu.make_async_copy(
            h15_h.at[idxw],
            rows.at[pl.ds(buf, _W), :], gsem).wait()
        pltpu.make_async_copy(
            rows.at[pl.ds(buf, _W), :],
            m_h.at[pl.ds(base + wi * _W, _W), pl.ds(0, _D)], wsem).start()

        @pl.when(wi >= 1)
        def _():
            pltpu.make_async_copy(
                rows.at[pl.ds(((wi + 1) % 2) * _W, _W), :],
                m_h.at[pl.ds(base + (wi - 1) * _W, _W), pl.ds(0, _D)],
                wsem).wait()

        @pl.when(wi + 1 < _NWT)
        def _():
            start_g(wi + 1)
        return carry

    lax.fori_loop(0, _NWT, body, 0)
    pltpu.make_async_copy(
        rows.at[pl.ds(((_NWT - 1) % 2) * _W, _W), :],
        m_h.at[pl.ds(base + (_NWT - 1) * _W, _W), pl.ds(0, _D)],
        wsem).wait()


def _sc_gather(hmat, src_sorted):
    h15 = hmat.reshape(_NP * 15, _D)
    f = pl.kernel(
        _gather_body,
        mesh=plsc.VectorSubcoreMesh(core_axis_name="c",
                                    subcore_axis_name="s"),
        out_type=jax.ShapeDtypeStruct((_EPS, _D), jnp.float32),
        scratch_types=[
            pltpu.VMEM((_W,), jnp.int32),
            pltpu.VMEM((2 * _W, _D), jnp.float32),
            pltpu.SemaphoreType.DMA,
            pltpu.SemaphoreType.DMA,
        ],
    )
    return f(h15, src_sorted)




def _assemble_body(fw_ref, nw_ref, hmat_ref, res_ref, w2_ref,
                   g1w_ref, g1b_ref, g2w_ref, g2b_ref, u2d_ref, m_ref,
                   o_ref, mwin, uwin, sem_m, sem_u):
    b = pl.program_id(0)
    fw = fw_ref[b]
    nw = nw_ref[b]
    rowids = b * _BN + lax.broadcasted_iota(jnp.int32, (_BN, 1), 0)
    acc0 = hmat_ref[...]

    nch = (nw + _KW - 1) // _KW

    def start(ci):
        mw = fw + ci * _KW
        pltpu.make_async_copy(
            u2d_ref.at[pl.ds(mw, _KW), :],
            uwin.at[pl.ds((ci % 2) * _KW, _KW), :], sem_u).start()
        pltpu.make_async_copy(
            m_ref.at[pl.ds(mw * _W, _KW * _W), :],
            mwin.at[pl.ds((ci % 2) * _KW * _W, _KW * _W), :], sem_m).start()

    @pl.when(nch > 0)
    def _():
        start(0)

    def body(ci, acc):
        mw = fw + ci * _KW
        pltpu.make_async_copy(
            u2d_ref.at[pl.ds(mw, _KW), :],
            uwin.at[pl.ds((ci % 2) * _KW, _KW), :], sem_u).wait()
        pltpu.make_async_copy(
            m_ref.at[pl.ds(mw * _W, _KW * _W), :],
            mwin.at[pl.ds((ci % 2) * _KW * _W, _KW * _W), :], sem_m).wait()

        @pl.when(ci + 1 < nch)
        def _():
            start(ci + 1)

        for k in range(_KW):
            p = (uwin[pl.ds((ci % 2) * _KW + k, 1), :]
                 == rowids).astype(jnp.float32)
            acc = acc + jnp.dot(
                p, mwin[pl.ds(((ci % 2) * _KW + k) * _W, _W), :],
                preferred_element_type=jnp.float32)
        return acc

    t = lax.fori_loop(0, nch, body, acc0)
    mu = jnp.mean(t, axis=-1, keepdims=True)
    var = jnp.mean((t - mu) ** 2, axis=-1, keepdims=True)
    x = (t - mu) * lax.rsqrt(var + 1e-5) * g1w_ref[...] + g1b_ref[...]
    x = jnp.maximum(x, 0.0)
    y = jnp.dot(x, w2_ref[...], preferred_element_type=jnp.float32)
    mu2 = jnp.mean(y, axis=-1, keepdims=True)
    var2 = jnp.mean((y - mu2) ** 2, axis=-1, keepdims=True)
    y = (y - mu2) * lax.rsqrt(var2 + 1e-5) * g2w_ref[...] + g2b_ref[...]
    o_ref[...] = jnp.maximum(y + res_ref[...], 0.0)


def _assemble(first_win, nwin, hmat, res, w2t, g1w, g1b, g2w, g2b,
              u2d, m):
    vec = pl.BlockSpec((1, _D), lambda i, *_: (0, 0))
    grid_spec = pltpu.PrefetchScalarGridSpec(
        num_scalar_prefetch=2,
        grid=(_NB,),
        in_specs=[
            pl.BlockSpec((_BN, _D), lambda i, *_: (i, 0)),
            pl.BlockSpec((_BN, _D), lambda i, *_: (i, 0)),
            pl.BlockSpec((_D, _D), lambda i, *_: (0, 0)),
            vec, vec, vec, vec,
            pl.BlockSpec(memory_space=pl.ANY),
            pl.BlockSpec(memory_space=pl.ANY),
        ],
        out_specs=pl.BlockSpec((_BN, _D), lambda i, *_: (i, 0)),
        scratch_shapes=[
            pltpu.VMEM((2 * _KW * _W, _D), jnp.float32),
            pltpu.VMEM((2 * _KW, _W), jnp.int32),
            pltpu.SemaphoreType.DMA,
            pltpu.SemaphoreType.DMA,
        ],
    )
    return pl.pallas_call(
        _assemble_body,
        grid_spec=grid_spec,
        out_shape=jax.ShapeDtypeStruct((_NP, _D), jnp.float32),
    )(first_win, nwin, hmat, res, w2t, g1w, g1b, g2w, g2b, u2d, m)




def kernel(feat, W_ctr, W_rel, gn1_w, gn1_b, W_ctr2, gn2_w, gn2_b,
           u_idx, v_idx):
    feat_p = jnp.pad(feat, ((0, _NP - _N), (0, 0)))
    wk_all = jnp.concatenate([W_ctr[:, None], W_rel], axis=1)
    wcat = wk_all.transpose(0, 3, 1, 2).reshape(_L, _D, 15 * _D)
    w2t = W_ctr2.transpose(0, 2, 1)

    u_flat = u_idx.reshape(-1)
    src_all = (v_idx * 15 + (jnp.arange(_R, dtype=jnp.int32) + 1)[:, None]
               ).reshape(-1)
    keys = jnp.sort((u_flat // _BN) * (1 << 20)
                    + jnp.arange(_R * _E, dtype=jnp.int32))
    pos = keys & ((1 << 20) - 1)
    u_sorted = jnp.concatenate(
        [u_flat[pos], jnp.full((_EPS - _R * _E,), _NP, jnp.int32)])
    src_sorted = jnp.concatenate(
        [src_all[pos],
         _ZROW + (jnp.arange(_EPS - _R * _E, dtype=jnp.int32) % 16)])
    u2d = u_sorted.reshape(_EPS // _W, _W)
    bounds = jnp.searchsorted(
        u_sorted, jnp.arange(_NB + 1, dtype=jnp.int32) * _BN).astype(
            jnp.int32)
    start, end = bounds[:-1], bounds[1:]
    first_win = start // _W
    nwin = jnp.where(end > start, (end + _W - 1) // _W - first_win, 0)

    res = feat_p
    x = feat_p
    for i in range(_L):
        h = _h_matmul(x, wcat[i])
        m = _sc_gather(h, src_sorted)
        x = _assemble(first_win, nwin, h, res,
                      w2t[i],
                      gn1_w[i][None, :], gn1_b[i][None, :],
                      gn2_w[i][None, :], gn2_b[i][None, :],
                      u2d, m)
        res = x
    return x[:_N]

# --- scband reference (transcript-rebuilt; emitter-appended) ---
"""Pipeline reference for scband-global-graph-net-32323923870245 (READ-ONLY COPY).

The authoritative reference and input builder live on the scoring server;
editing this copy changes nothing except your own understanding.
"""

import jax, jax.numpy as jnp
import numpy as np

N = 100000
D = 128
R = 14
E = 40000
L = 4


def setup_inputs(seed: int = 0) -> dict:
    key = jax.random.key(seed)
    ks = jax.random.split(key, 10)
    feat = jax.random.normal(ks[0], (N, D), dtype=jnp.float32)
    u_idx = jax.random.randint(ks[1], (R, E), 0, N, dtype=jnp.int32)
    v_idx = jax.random.randint(ks[2], (R, E), 0, N, dtype=jnp.int32)
    W_ctr = jax.random.normal(ks[3], (L, D, D), dtype=jnp.float32) * 0.05
    W_rel = jax.random.normal(ks[4], (L, R, D, D), dtype=jnp.float32) * 0.05
    gn1_w = jnp.ones((L, D), dtype=jnp.float32)
    gn1_b = jnp.zeros((L, D), dtype=jnp.float32)
    W_ctr2 = jax.random.normal(ks[5], (L, D, D), dtype=jnp.float32) * 0.05
    gn2_w = jnp.ones((L, D), dtype=jnp.float32)
    gn2_b = jnp.zeros((L, D), dtype=jnp.float32)
    return {"feat": feat, "W_ctr": W_ctr, "W_rel": W_rel, "gn1_w": gn1_w, "gn1_b": gn1_b,
            "W_ctr2": W_ctr2, "gn2_w": gn2_w, "gn2_b": gn2_b, "u_idx": u_idx, "v_idx": v_idx}


def _group_norm(x, w, b):
    # torch GroupNorm(1, D) on [N, D]: normalize over channel dim per row, then affine
    mu = jnp.mean(x, axis=-1, keepdims=True)
    var = jnp.var(x, axis=-1, keepdims=True)
    return (x - mu) / jnp.sqrt(var + 1e-5) * w + b


def reference(feat, W_ctr, W_rel, gn1_w, gn1_b, W_ctr2, gn2_w, gn2_b, u_idx, v_idx):
    res = feat
    for i in range(L):
        # temp = self.fuse['ctr'][i](feat)  (nn.Linear, no bias)
        temp = feat @ W_ctr[i].T
        # pre0..pre5, suc0..suc5, left, right relations: gather -> linear -> index_add_
        for r in range(R):
            msg = feat[v_idx[r]] @ W_rel[i, r].T
            temp = temp.at[u_idx[r]].add(msg)
        # feat = relu(GroupNorm(temp))
        x = jax.nn.relu(_group_norm(temp, gn1_w[i], gn1_b[i]))
        # feat = ctr2(feat): Linear(no bias) -> GroupNorm, act=False
        x = _group_norm(x @ W_ctr2[i].T, gn2_w[i], gn2_b[i])
        # feat += res; relu; res = feat
        x = jax.nn.relu(x + res)
        feat = x
        res = x
    return feat

if __name__ == "__main__":
    import jax
    _d = setup_inputs()
    print(jax.jit(kernel)(*tuple(_d.values())))

</pallas_src>

<mosaic_0001>
#map = affine_map<(d0, d1) -> (0, 0)>
#map1 = affine_map<(d0, d1) -> (0)>
module attributes {stable_mosaic.version = 14 : i64} {
  func.func @_gather_body(%arg0: i32, %arg1: i32, %arg2: memref<1505280x128xf32, #tpu.memory_space<hbm>>, %arg3: memref<565248xi32, #tpu.memory_space<hbm>>, %arg4: memref<565248x128xf32, #tpu.memory_space<hbm>>, %arg5: memref<128xi32, #tpu.memory_space<vmem>>, %arg6: memref<256x128xf32, #tpu.memory_space<vmem>>, %arg7: memref<!tpu.dma_semaphore, #tpu.memory_space<semaphore_mem>>, %arg8: memref<!tpu.dma_semaphore, #tpu.memory_space<semaphore_mem>>) attributes {dimension_semantics = [#tpu.dimension_semantics<core_parallel>, #tpu.dimension_semantics<subcore_parallel>], iteration_bounds = array<i64: 2, 16>, scalar_prefetch = 0 : i64, scratch_operands = 4 : i64, tpu.core_type = #tpu.core_type<sc_vector_subcore>, window_params = [{transform_indices = #map}, {transform_indices = #map1}, {transform_indices = #map}]} {
    %mul3A = arith.constant 2 : i32
    %mul3A_0 = arith.muli %arg1, %mul3A : i32
    %add3A = arith.addi %mul3A_0, %arg0 : i32
    %mul3A_1 = arith.constant 17664 : i32
    %mul3A_2 = arith.muli %add3A, %mul3A_1 : i32
    %add3A_3 = arith.constant 0 : i32
    %add3A_4 = arith.addi %mul3A_2, %add3A_3 : i32
    "tpu.region"() ({
      %run_scoped3A = tpu.sem_alloc : memref<!tpu.dma_semaphore, #tpu.memory_space<semaphore_mem>>
      %dma_start3A_26 = tpu.memref_slice %arg3[%add3A_4] : memref<565248xi32, #tpu.memory_space<hbm>> -> memref<128xi32, #tpu.memory_space<hbm>>
      %dma_start3A_27 = tpu.memref_slice %arg3[%add3A_4] : memref<565248xi32, #tpu.memory_space<hbm>> -> memref<128xi32, #tpu.memory_space<hbm>>
      tpu.enqueue_dma source(%dma_start3A_27 : memref<128xi32, #tpu.memory_space<hbm>>) target(%arg5 : memref<128xi32, #tpu.memory_space<vmem>>) target_semaphore(%run_scoped3A : memref<!tpu.dma_semaphore, #tpu.memory_space<semaphore_mem>>)
      %dma_wait3A_28 = tpu.memref_slice %arg3[%add3A_4] : memref<565248xi32, #tpu.memory_space<hbm>> -> memref<128xi32, #tpu.memory_space<hbm>>
      %dma_wait3A_29 = tpu.memref_slice %arg3[%add3A_4] : memref<565248xi32, #tpu.memory_space<hbm>> -> memref<128xi32, #tpu.memory_space<hbm>>
      tpu.wait_dma2 semaphore(%run_scoped3A : memref<!tpu.dma_semaphore, #tpu.memory_space<semaphore_mem>>) src(%dma_wait3A_29 : memref<128xi32, #tpu.memory_space<hbm>>) dst(%arg5 : memref<128xi32, #tpu.memory_space<vmem>>)
      tpu.yield
    }) : () -> ()
    %dma_start3A = arith.constant 0 : i32
    %dma_start3A_5 = arith.constant 0 : i32
    %dma_start3A_6 = tpu.memref_slice %arg6[%dma_start3A, %dma_start3A_5] : memref<256x128xf32, #tpu.memory_space<vmem>> -> memref<128x128xf32, #tpu.memory_space<vmem>>
    %dma_start3A_7 = arith.constant 0 : i32
    %dma_start3A_8 = arith.constant 0 : i32
    %dma_start3A_9 = tpu.memref_slice %arg2[%dma_start3A_7, %dma_start3A_8] : memref<1505280x128xf32, #tpu.memory_space<hbm>> -> memref<1505280x128xf32, #tpu.memory_space<hbm>>
    tpu.enqueue_indirect_dma source(%dma_start3A_9 : memref<1505280x128xf32, #tpu.memory_space<hbm>>) target(%dma_start3A_6 : memref<128x128xf32, #tpu.memory_space<vmem>>) offsets(%arg5 : memref<128xi32, #tpu.memory_space<vmem>>) semaphore(%arg7 : memref<!tpu.dma_semaphore, #tpu.memory_space<semaphore_mem>>)
    %scan3A = arith.constant 0 : i32
    %scan3A_10 = arith.constant 0 : i32
    %scan3A_11 = arith.constant 138 : i32
    %scan3A_12 = arith.addi %scan3A_10, %scan3A_11 : i32
    %scan3A_13 = arith.constant 1 : i32
    scf.for %scan3A_26 = %scan3A_10 to %scan3A_12 step %scan3A_13  : i32 {
      %jit3A = arith.constant 2 : i32
      %eq3A = arith.constant 0 : i32
      %eq3A_27 = arith.cmpi eq, %jit3A, %eq3A : i32
      %jit3A_28 = arith.constant 1 : i32
      %select_n3A = arith.select %eq3A_27, %jit3A_28, %jit3A : i32
      %rem3A = arith.remsi %scan3A_26, %select_n3A : i32
      %ne3A = arith.constant 0 : i32
      %ne3A_29 = arith.cmpi ne, %rem3A, %ne3A : i32
      %lt3A = arith.constant 0 : i32
      %lt3A_30 = arith.cmpi slt, %rem3A, %lt3A : i32
      %lt3A_31 = arith.constant 0 : i32
      %lt3A_32 = arith.cmpi slt, %select_n3A, %lt3A_31 : i32
      %ne3A_33 = arith.xori %lt3A_30, %lt3A_32 : i1
      %and3A = arith.andi %ne3A_33, %ne3A_29 : i1
      %add3A_34 = arith.addi %rem3A, %select_n3A : i32
      %select_n3A_35 = arith.select %and3A, %add3A_34, %rem3A : i32
      %mul3A_36 = arith.constant 128 : i32
      %mul3A_37 = arith.muli %select_n3A_35, %mul3A_36 : i32
      %dma_wait3A_38 = arith.constant 0 : i32
      %dma_wait3A_39 = tpu.memref_slice %arg6[%mul3A_37, %dma_wait3A_38] : memref<256x128xf32, #tpu.memory_space<vmem>> -> memref<128x128xf32, #tpu.memory_space<vmem>>
      %dma_wait3A_40 = arith.constant 0 : i32
      %dma_wait3A_41 = arith.constant 0 : i32
      %dma_wait3A_42 = tpu.memref_slice %arg2[%dma_wait3A_40, %dma_wait3A_41] : memref<1505280x128xf32, #tpu.memory_space<hbm>> -> memref<1505280x128xf32, #tpu.memory_space<hbm>>
      tpu.wait_indirect_dma semaphore(%arg7 : memref<!tpu.dma_semaphore, #tpu.memory_space<semaphore_mem>>) src(%dma_wait3A_42 : memref<1505280x128xf32, #tpu.memory_space<hbm>>) dst(%dma_wait3A_39 : memref<128x128xf32, #tpu.memory_space<vmem>>)
      %mul3A_43 = arith.constant 128 : i32
      %mul3A_44 = arith.muli %scan3A_26, %mul3A_43 : i32
      %add3A_45 = arith.addi %mul3A_2, %mul3A_44 : i32
      %dma_start3A_46 = arith.constant 0 : i32
      %dma_start3A_47 = tpu.memref_slice %arg6[%mul3A_37, %dma_start3A_46] : memref<256x128xf32, #tpu.memory_space<vmem>> -> memref<128x128xf32, #tpu.memory_space<vmem>>
      %dma_start3A_48 = arith.constant 0 : i32
      %dma_start3A_49 = tpu.memref_slice %arg4[%add3A_45, %dma_start3A_48] : memref<565248x128xf32, #tpu.memory_space<hbm>> -> memref<128x128xf32, #tpu.memory_space<hbm>>
      %dma_start3A_50 = arith.constant 0 : i32
      %dma_start3A_51 = tpu.memref_slice %arg4[%add3A_45, %dma_start3A_50] : memref<565248x128xf32, #tpu.memory_space<hbm>> -> memref<128x128xf32, #tpu.memory_space<hbm>>
      %dma_start3A_52 = arith.constant 0 : i32
      %dma_start3A_53 = tpu.memref_slice %arg6[%mul3A_37, %dma_start3A_52] : memref<256x128xf32, #tpu.memory_space<vmem>> -> memref<128x128xf32, #tpu.memory_space<vmem>>
      tpu.enqueue_dma source(%dma_start3A_53 : memref<128x128xf32, #tpu.memory_space<vmem>>) target(%dma_start3A_51 : memref<128x128xf32, #tpu.memory_space<hbm>>) target_semaphore(%arg8 : memref<!tpu.dma_semaphore, #tpu.memory_space<semaphore_mem>>)
      %ge3A = arith.constant 1 : i32
      %ge3A_54 = arith.cmpi sge, %scan3A_26, %ge3A : i32
      %convert_element_type3A = arith.extui %ge3A_54 : i1 to i32
      %cond3A = arith.constant 0 : i32
      %cond3A_55 = arith.cmpi ne, %convert_element_type3A, %cond3A : i32
      scf.if %cond3A_55 {
        %add3A_63 = arith.constant 1 : i32
        %add3A_64 = arith.addi %scan3A_26, %add3A_63 : i32
        %jit3A_65 = arith.constant 2 : i32
        %eq3A_66 = arith.constant 0 : i32
        %eq3A_67 = arith.cmpi eq, %jit3A_65, %eq3A_66 : i32
        %jit3A_68 = arith.constant 1 : i32
        %select_n3A_69 = arith.select %eq3A_67, %jit3A_68, %jit3A_65 : i32
        %rem3A_70 = arith.remsi %add3A_64, %select_n3A_69 : i32
        %ne3A_71 = arith.constant 0 : i32
        %ne3A_72 = arith.cmpi ne, %rem3A_70, %ne3A_71 : i32
        %lt3A_73 = arith.constant 0 : i32
        %lt3A_74 = arith.cmpi slt, %rem3A_70, %lt3A_73 : i32
        %lt3A_75 = arith.constant 0 : i32
        %lt3A_76 = arith.cmpi slt, %select_n3A_69, %lt3A_75 : i32
        %ne3A_77 = arith.xori %lt3A_74, %lt3A_76 : i1
        %and3A_78 = arith.andi %ne3A_77, %ne3A_72 : i1
        %add3A_79 = arith.addi %rem3A_70, %select_n3A_69 : i32
        %select_n3A_80 = arith.select %and3A_78, %add3A_79, %rem3A_70 : i32
        %mul3A_81 = arith.constant 128 : i32
        %mul3A_82 = arith.muli %select_n3A_80, %mul3A_81 : i32
        %sub3A = arith.constant 1 : i32
        %sub3A_83 = arith.subi %scan3A_26, %sub3A : i32
        %mul3A_84 = arith.constant 128 : i32
        %mul3A_85 = arith.muli %sub3A_83, %mul3A_84 : i32
        %add3A_86 = arith.addi %mul3A_2, %mul3A_85 : i32
        %dma_wait3A_87 = arith.constant 0 : i32
        %dma_wait3A_88 = tpu.memref_slice %arg6[%mul3A_82, %dma_wait3A_87] : memref<256x128xf32, #tpu.memory_space<vmem>> -> memref<128x128xf32, #tpu.memory_space<vmem>>
        %dma_wait3A_89 = arith.constant 0 : i32
        %dma_wait3A_90 = tpu.memref_slice %arg4[%add3A_86, %dma_wait3A_89] : memref<565248x128xf32, #tpu.memory_space<hbm>> -> memref<128x128xf32, #tpu.memory_space<hbm>>
        %dma_wait3A_91 = arith.constant 0 : i32
        %dma_wait3A_92 = tpu.memref_slice %arg4[%add3A_86, %dma_wait3A_91] : memref<565248x128xf32, #tpu.memory_space<hbm>> -> memref<128x128xf32, #tpu.memory_space<hbm>>
        %dma_wait3A_93 = arith.constant 0 : i32
        %dma_wait3A_94 = tpu.memref_slice %arg6[%mul3A_82, %dma_wait3A_93] : memref<256x128xf32, #tpu.memory_space<vmem>> -> memref<128x128xf32, #tpu.memory_space<vmem>>
        tpu.wait_dma2 semaphore(%arg8 : memref<!tpu.dma_semaphore, #tpu.memory_space<semaphore_mem>>) src(%dma_wait3A_94 : memref<128x128xf32, #tpu.memory_space<vmem>>) dst(%dma_wait3A_92 : memref<128x128xf32, #tpu.memory_space<hbm>>)
      } else {
      }
      %add3A_56 = arith.constant 1 : i32
      %add3A_57 = arith.addi %scan3A_26, %add3A_56 : i32
      %lt3A_58 = arith.constant 138 : i32
      %lt3A_59 = arith.cmpi slt, %add3A_57, %lt3A_58 : i32
      %convert_element_type3A_60 = arith.extui %lt3A_59 : i1 to i32
      %cond3A_61 = arith.constant 0 : i32
      %cond3A_62 = arith.cmpi ne, %convert_element_type3A_60, %cond3A_61 : i32
      scf.if %cond3A_62 {
        %add3A_63 = arith.constant 1 : i32
        %add3A_64 = arith.addi %scan3A_26, %add3A_63 : i32
        %mul3A_65 = arith.constant 128 : i32
        %mul3A_66 = arith.muli %add3A_64, %mul3A_65 : i32
        %add3A_67 = arith.addi %mul3A_2, %mul3A_66 : i32
        "tpu.region"() ({
          %run_scoped3A = tpu.sem_alloc : memref<!tpu.dma_semaphore, #tpu.memory_space<semaphore_mem>>
          %dma_start3A_91 = tpu.memref_slice %arg3[%add3A_67] : memref<565248xi32, #tpu.memory_space<hbm>> -> memref<128xi32, #tpu.memory_space<hbm>>
          %dma_start3A_92 = tpu.memref_slice %arg3[%add3A_67] : memref<565248xi32, #tpu.memory_space<hbm>> -> memref<128xi32, #tpu.memory_space<hbm>>
          tpu.enqueue_dma source(%dma_start3A_92 : memref<128xi32, #tpu.memory_space<hbm>>) target(%arg5 : memref<128xi32, #tpu.memory_space<vmem>>) target_semaphore(%run_scoped3A : memref<!tpu.dma_semaphore, #tpu.memory_space<semaphore_mem>>)
          %dma_wait3A_93 = tpu.memref_slice %arg3[%add3A_67] : memref<565248xi32, #tpu.memory_space<hbm>> -> memref<128xi32, #tpu.memory_space<hbm>>
          %dma_wait3A_94 = tpu.memref_slice %arg3[%add3A_67] : memref<565248xi32, #tpu.memory_space<hbm>> -> memref<128xi32, #tpu.memory_space<hbm>>
          tpu.wait_dma2 semaphore(%run_scoped3A : memref<!tpu.dma_semaphore, #tpu.memory_space<semaphore_mem>>) src(%dma_wait3A_94 : memref<128xi32, #tpu.memory_space<hbm>>) dst(%arg5 : memref<128xi32, #tpu.memory_space<vmem>>)
          tpu.yield
        }) : () -> ()
        %jit3A_68 = arith.constant 2 : i32
        %eq3A_69 = arith.constant 0 : i32
        %eq3A_70 = arith.cmpi eq, %jit3A_68, %eq3A_69 : i32
        %jit3A_71 = arith.constant 1 : i32
        %select_n3A_72 = arith.select %eq3A_70, %jit3A_71, %jit3A_68 : i32
        %rem3A_73 = arith.remsi %add3A_64, %select_n3A_72 : i32
        %ne3A_74 = arith.constant 0 : i32
        %ne3A_75 = arith.cmpi ne, %rem3A_73, %ne3A_74 : i32
        %lt3A_76 = arith.constant 0 : i32
        %lt3A_77 = arith.cmpi slt, %rem3A_73, %lt3A_76 : i32
        %lt3A_78 = arith.constant 0 : i32
        %lt3A_79 = arith.cmpi slt, %select_n3A_72, %lt3A_78 : i32
        %ne3A_80 = arith.xori %lt3A_77, %lt3A_79 : i1
        %and3A_81 = arith.andi %ne3A_80, %ne3A_75 : i1
        %add3A_82 = arith.addi %rem3A_73, %select_n3A_72 : i32
        %select_n3A_83 = arith.select %and3A_81, %add3A_82, %rem3A_73 : i32
        %mul3A_84 = arith.constant 128 : i32
        %mul3A_85 = arith.muli %select_n3A_83, %mul3A_84 : i32
        %dma_start3A_86 = arith.constant 0 : i32
        %dma_start3A_87 = tpu.memref_slice %arg6[%mul3A_85, %dma_start3A_86] : memref<256x128xf32, #tpu.memory_space<vmem>> -> memref<128x128xf32, #tpu.memory_space<vmem>>
        %dma_start3A_88 = arith.constant 0 : i32
        %dma_start3A_89 = arith.constant 0 : i32
        %dma_start3A_90 = tpu.memref_slice %arg2[%dma_start3A_88, %dma_start3A_89] : memref<1505280x128xf32, #tpu.memory_space<hbm>> -> memref<1505280x128xf32, #tpu.memory_space<hbm>>
        tpu.enqueue_indirect_dma source(%dma_start3A_90 : memref<1505280x128xf32, #tpu.memory_space<hbm>>) target(%dma_start3A_87 : memref<128x128xf32, #tpu.memory_space<vmem>>) offsets(%arg5 : memref<128xi32, #tpu.memory_space<vmem>>) semaphore(%arg7 : memref<!tpu.dma_semaphore, #tpu.memory_space<semaphore_mem>>)
      } else {
      }
    }
    %scan3A_14 = arith.constant 138 : i32
    %add3A_15 = arith.constant 17536 : i32
    %add3A_16 = arith.addi %mul3A_2, %add3A_15 : i32
    %dma_wait3A = arith.constant 128 : i32
    %dma_wait3A_17 = arith.constant 0 : i32
    %dma_wait3A_18 = tpu.memref_slice %arg6[%dma_wait3A, %dma_wait3A_17] : memref<256x128xf32, #tpu.memory_space<vmem>> -> memref<128x128xf32, #tpu.memory_space<vmem>>
    %dma_wait3A_19 = arith.constant 0 : i32
    %dma_wait3A_20 = tpu.memref_slice %arg4[%add3A_16, %dma_wait3A_19] : memref<565248x128xf32, #tpu.memory_space<hbm>> -> memref<128x128xf32, #tpu.memory_space<hbm>>
    %dma_wait3A_21 = arith.constant 0 : i32
    %dma_wait3A_22 = tpu.memref_slice %arg4[%add3A_16, %dma_wait3A_21] : memref<565248x128xf32, #tpu.memory_space<hbm>> -> memref<128x128xf32, #tpu.memory_space<hbm>>
    %dma_wait3A_23 = arith.constant 128 : i32
    %dma_wait3A_24 = arith.constant 0 : i32
    %dma_wait3A_25 = tpu.memref_slice %arg6[%dma_wait3A_23, %dma_wait3A_24] : memref<256x128xf32, #tpu.memory_space<vmem>> -> memref<128x128xf32, #tpu.memory_space<vmem>>
    tpu.wait_dma2 semaphore(%arg8 : memref<!tpu.dma_semaphore, #tpu.memory_space<semaphore_mem>>) src(%dma_wait3A_25 : memref<128x128xf32, #tpu.memory_space<vmem>>) dst(%dma_wait3A_22 : memref<128x128xf32, #tpu.memory_space<hbm>>)
    return
  }
}

#map = affine_map<(d0, d1) -> (0, 0)>
#map1 = affine_map<(d0, d1) -> (0)>
module attributes {stable_mosaic.version = 14 : i64} {
  func.func @_gather_body(%arg0: i32, %arg1: i32, %arg2: memref<1505280x128xf32, #tpu.memory_space<hbm>>, %arg3: memref<565248xi32, #tpu.memory_space<hbm>>, %arg4: memref<565248x128xf32, #tpu.memory_space<hbm>>, %arg5: memref<128xi32, #tpu.memory_space<vmem>>, %arg6: memref<256x128xf32, #tpu.memory_space<vmem>>, %arg7: memref<!tpu.dma_semaphore, #tpu.memory_space<semaphore_mem>>, %arg8: memref<!tpu.dma_semaphore, #tpu.memory_space<semaphore_mem>>) attributes {dimension_semantics = [#tpu.dimension_semantics<core_parallel>, #tpu.dimension_semantics<subcore_parallel>], iteration_bounds = array<i64: 2, 16>, scalar_prefetch = 0 : i64, scratch_operands = 4 : i64, tpu.core_type = #tpu.core_type<sc_vector_subcore>, window_params = [{transform_indices = #map}, {transform_indices = #map1}, {transform_indices = #map}]} {
    %mul3A = arith.constant 2 : i32
    %mul3A_0 = arith.muli %arg1, %mul3A : i32
    %add3A = arith.addi %mul3A_0, %arg0 : i32
    %mul3A_1 = arith.constant 17664 : i32
    %mul3A_2 = arith.muli %add3A, %mul3A_1 : i32
    %add3A_3 = arith.constant 0 : i32
    %add3A_4 = arith.addi %mul3A_2, %add3A_3 : i32
    "tpu.region"() ({
      %run_scoped3A = tpu.sem_alloc : memref<!tpu.dma_semaphore, #tpu.memory_space<semaphore_mem>>
      %dma_start3A_26 = tpu.memref_slice %arg3[%add3A_4] : memref<565248xi32, #tpu.memory_space<hbm>> -> memref<128xi32, #tpu.memory_space<hbm>>
      %dma_start3A_27 = tpu.memref_slice %arg3[%add3A_4] : memref<565248xi32, #tpu.memory_space<hbm>> -> memref<128xi32, #tpu.memory_space<hbm>>
      tpu.enqueue_dma source(%dma_start3A_27 : memref<128xi32, #tpu.memory_space<hbm>>) target(%arg5 : memref<128xi32, #tpu.memory_space<vmem>>) target_semaphore(%run_scoped3A : memref<!tpu.dma_semaphore, #tpu.memory_space<semaphore_mem>>)
      %dma_wait3A_28 = tpu.memref_slice %arg3[%add3A_4] : memref<565248xi32, #tpu.memory_space<hbm>> -> memref<128xi32, #tpu.memory_space<hbm>>
      %dma_wait3A_29 = tpu.memref_slice %arg3[%add3A_4] : memref<565248xi32, #tpu.memory_space<hbm>> -> memref<128xi32, #tpu.memory_space<hbm>>
      tpu.wait_dma2 semaphore(%run_scoped3A : memref<!tpu.dma_semaphore, #tpu.memory_space<semaphore_mem>>) src(%dma_wait3A_29 : memref<128xi32, #tpu.memory_space<hbm>>) dst(%arg5 : memref<128xi32, #tpu.memory_space<vmem>>)
      tpu.yield
    }) : () -> ()
    %dma_start3A = arith.constant 0 : i32
    %dma_start3A_5 = arith.constant 0 : i32
    %dma_start3A_6 = tpu.memref_slice %arg6[%dma_start3A, %dma_start3A_5] : memref<256x128xf32, #tpu.memory_space<vmem>> -> memref<128x128xf32, #tpu.memory_space<vmem>>
    %dma_start3A_7 = arith.constant 0 : i32
    %dma_start3A_8 = arith.constant 0 : i32
    %dma_start3A_9 = tpu.memref_slice %arg2[%dma_start3A_7, %dma_start3A_8] : memref<1505280x128xf32, #tpu.memory_space<hbm>> -> memref<1505280x128xf32, #tpu.memory_space<hbm>>
    tpu.enqueue_indirect_dma source(%dma_start3A_9 : memref<1505280x128xf32, #tpu.memory_space<hbm>>) target(%dma_start3A_6 : memref<128x128xf32, #tpu.memory_space<vmem>>) offsets(%arg5 : memref<128xi32, #tpu.memory_space<vmem>>) semaphore(%arg7 : memref<!tpu.dma_semaphore, #tpu.memory_space<semaphore_mem>>)
    %scan3A = arith.constant 0 : i32
    %scan3A_10 = arith.constant 0 : i32
    %scan3A_11 = arith.constant 138 : i32
    %scan3A_12 = arith.addi %scan3A_10, %scan3A_11 : i32
    %scan3A_13 = arith.constant 1 : i32
    scf.for %scan3A_26 = %scan3A_10 to %scan3A_12 step %scan3A_13  : i32 {
      %jit3A = arith.constant 2 : i32
      %eq3A = arith.constant 0 : i32
      %eq3A_27 = arith.cmpi eq, %jit3A, %eq3A : i32
      %jit3A_28 = arith.constant 1 : i32
      %select_n3A = arith.select %eq3A_27, %jit3A_28, %jit3A : i32
      %rem3A = arith.remsi %scan3A_26, %select_n3A : i32
      %ne3A = arith.constant 0 : i32
      %ne3A_29 = arith.cmpi ne, %rem3A, %ne3A : i32
      %lt3A = arith.constant 0 : i32
      %lt3A_30 = arith.cmpi slt, %rem3A, %lt3A : i32
      %lt3A_31 = arith.constant 0 : i32
      %lt3A_32 = arith.cmpi slt, %select_n3A, %lt3A_31 : i32
      %ne3A_33 = arith.xori %lt3A_30, %lt3A_32 : i1
      %and3A = arith.andi %ne3A_33, %ne3A_29 : i1
      %add3A_34 = arith.addi %rem3A, %select_n3A : i32
      %select_n3A_35 = arith.select %and3A, %add3A_34, %rem3A : i32
      %mul3A_36 = arith.constant 128 : i32
      %mul3A_37 = arith.muli %select_n3A_35, %mul3A_36 : i32
      %dma_wait3A_38 = arith.constant 0 : i32
      %dma_wait3A_39 = tpu.memref_slice %arg6[%mul3A_37, %dma_wait3A_38] : memref<256x128xf32, #tpu.memory_space<vmem>> -> memref<128x128xf32, #tpu.memory_space<vmem>>
      %dma_wait3A_40 = arith.constant 0 : i32
      %dma_wait3A_41 = arith.constant 0 : i32
      %dma_wait3A_42 = tpu.memref_slice %arg2[%dma_wait3A_40, %dma_wait3A_41] : memref<1505280x128xf32, #tpu.memory_space<hbm>> -> memref<1505280x128xf32, #tpu.memory_space<hbm>>
      tpu.wait_indirect_dma semaphore(%arg7 : memref<!tpu.dma_semaphore, #tpu.memory_space<semaphore_mem>>) src(%dma_wait3A_42 : memref<1505280x128xf32, #tpu.memory_space<hbm>>) dst(%dma_wait3A_39 : memref<128x128xf32, #tpu.memory_space<vmem>>)
      %mul3A_43 = arith.constant 128 : i32
      %mul3A_44 = arith.muli %scan3A_26, %mul3A_43 : i32
      %add3A_45 = arith.addi %mul3A_2, %mul3A_44 : i32
      %dma_start3A_46 = arith.constant 0 : i32
      %dma_start3A_47 = tpu.memref_slice %arg6[%mul3A_37, %dma_start3A_46] : memref<256x128xf32, #tpu.memory_space<vmem>> -> memref<128x128xf32, #tpu.memory_space<vmem>>
      %dma_start3A_48 = arith.constant 0 : i32
      %dma_start3A_49 = tpu.memref_slice %arg4[%add3A_45, %dma_start3A_48] : memref<565248x128xf32, #tpu.memory_space<hbm>> -> memref<128x128xf32, #tpu.memory_space<hbm>>
      %dma_start3A_50 = arith.constant 0 : i32
      %dma_start3A_51 = tpu.memref_slice %arg4[%add3A_45, %dma_start3A_50] : memref<565248x128xf32, #tpu.memory_space<hbm>> -> memref<128x128xf32, #tpu.memory_space<hbm>>
      %dma_start3A_52 = arith.constant 0 : i32
      %dma_start3A_53 = tpu.memref_slice %arg6[%mul3A_37, %dma_start3A_52] : memref<256x128xf32, #tpu.memory_space<vmem>> -> memref<128x128xf32, #tpu.memory_space<vmem>>
      tpu.enqueue_dma source(%dma_start3A_53 : memref<128x128xf32, #tpu.memory_space<vmem>>) target(%dma_start3A_51 : memref<128x128xf32, #tpu.memory_space<hbm>>) target_semaphore(%arg8 : memref<!tpu.dma_semaphore, #tpu.memory_space<semaphore_mem>>)
      %ge3A = arith.constant 1 : i32
      %ge3A_54 = arith.cmpi sge, %scan3A_26, %ge3A : i32
      %convert_element_type3A = arith.extui %ge3A_54 : i1 to i32
      %cond3A = arith.constant 0 : i32
      %cond3A_55 = arith.cmpi ne, %convert_element_type3A, %cond3A : i32
      scf.if %cond3A_55 {
        %add3A_63 = arith.constant 1 : i32
        %add3A_64 = arith.addi %scan3A_26, %add3A_63 : i32
        %jit3A_65 = arith.constant 2 : i32
        %eq3A_66 = arith.constant 0 : i32
        %eq3A_67 = arith.cmpi eq, %jit3A_65, %eq3A_66 : i32
        %jit3A_68 = arith.constant 1 : i32
        %select_n3A_69 = arith.select %eq3A_67, %jit3A_68, %jit3A_65 : i32
        %rem3A_70 = arith.remsi %add3A_64, %select_n3A_69 : i32
        %ne3A_71 = arith.constant 0 : i32
        %ne3A_72 = arith.cmpi ne, %rem3A_70, %ne3A_71 : i32
        %lt3A_73 = arith.constant 0 : i32
        %lt3A_74 = arith.cmpi slt, %rem3A_70, %lt3A_73 : i32
        %lt3A_75 = arith.constant 0 : i32
        %lt3A_76 = arith.cmpi slt, %select_n3A_69, %lt3A_75 : i32
        %ne3A_77 = arith.xori %lt3A_74, %lt3A_76 : i1
        %and3A_78 = arith.andi %ne3A_77, %ne3A_72 : i1
        %add3A_79 = arith.addi %rem3A_70, %select_n3A_69 : i32
        %select_n3A_80 = arith.select %and3A_78, %add3A_79, %rem3A_70 : i32
        %mul3A_81 = arith.constant 128 : i32
        %mul3A_82 = arith.muli %select_n3A_80, %mul3A_81 : i32
        %sub3A = arith.constant 1 : i32
        %sub3A_83 = arith.subi %scan3A_26, %sub3A : i32
        %mul3A_84 = arith.constant 128 : i32
        %mul3A_85 = arith.muli %sub3A_83, %mul3A_84 : i32
        %add3A_86 = arith.addi %mul3A_2, %mul3A_85 : i32
        %dma_wait3A_87 = arith.constant 0 : i32
        %dma_wait3A_88 = tpu.memref_slice %arg6[%mul3A_82, %dma_wait3A_87] : memref<256x128xf32, #tpu.memory_space<vmem>> -> memref<128x128xf32, #tpu.memory_space<vmem>>
        %dma_wait3A_89 = arith.constant 0 : i32
        %dma_wait3A_90 = tpu.memref_slice %arg4[%add3A_86, %dma_wait3A_89] : memref<565248x128xf32, #tpu.memory_space<hbm>> -> memref<128x128xf32, #tpu.memory_space<hbm>>
        %dma_wait3A_91 = arith.constant 0 : i32
        %dma_wait3A_92 = tpu.memref_slice %arg4[%add3A_86, %dma_wait3A_91] : memref<565248x128xf32, #tpu.memory_space<hbm>> -> memref<128x128xf32, #tpu.memory_space<hbm>>
        %dma_wait3A_93 = arith.constant 0 : i32
        %dma_wait3A_94 = tpu.memref_slice %arg6[%mul3A_82, %dma_wait3A_93] : memref<256x128xf32, #tpu.memory_space<vmem>> -> memref<128x128xf32, #tpu.memory_space<vmem>>
        tpu.wait_dma2 semaphore(%arg8 : memref<!tpu.dma_semaphore, #tpu.memory_space<semaphore_mem>>) src(%dma_wait3A_94 : memref<128x128xf32, #tpu.memory_space<vmem>>) dst(%dma_wait3A_92 : memref<128x128xf32, #tpu.memory_space<hbm>>)
      } else {
      }
      %add3A_56 = arith.constant 1 : i32
      %add3A_57 = arith.addi %scan3A_26, %add3A_56 : i32
      %lt3A_58 = arith.constant 138 : i32
      %lt3A_59 = arith.cmpi slt, %add3A_57, %lt3A_58 : i32
      %convert_element_type3A_60 = arith.extui %lt3A_59 : i1 to i32
      %cond3A_61 = arith.constant 0 : i32
      %cond3A_62 = arith.cmpi ne, %convert_element_type3A_60, %cond3A_61 : i32
      scf.if %cond3A_62 {
        %add3A_63 = arith.constant 1 : i32
        %add3A_64 = arith.addi %scan3A_26, %add3A_63 : i32
        %mul3A_65 = arith.constant 128 : i32
        %mul3A_66 = arith.muli %add3A_64, %mul3A_65 : i32
        %add3A_67 = arith.addi %mul3A_2, %mul3A_66 : i32
        "tpu.region"() ({
          %run_scoped3A = tpu.sem_alloc : memref<!tpu.dma_semaphore, #tpu.memory_space<semaphore_mem>>
          %dma_start3A_91 = tpu.memref_slice %arg3[%add3A_67] : memref<565248xi32, #tpu.memory_space<hbm>> -> memref<128xi32, #tpu.memory_space<hbm>>
          %dma_start3A_92 = tpu.memref_slice %arg3[%add3A_67] : memref<565248xi32, #tpu.memory_space<hbm>> -> memref<128xi32, #tpu.memory_space<hbm>>
          tpu.enqueue_dma source(%dma_start3A_92 : memref<128xi32, #tpu.memory_space<hbm>>) target(%arg5 : memref<128xi32, #tpu.memory_space<vmem>>) target_semaphore(%run_scoped3A : memref<!tpu.dma_semaphore, #tpu.memory_space<semaphore_mem>>)
          %dma_wait3A_93 = tpu.memref_slice %arg3[%add3A_67] : memref<565248xi32, #tpu.memory_space<hbm>> -> memref<128xi32, #tpu.memory_space<hbm>>
          %dma_wait3A_94 = tpu.memref_slice %arg3[%add3A_67] : memref<565248xi32, #tpu.memory_space<hbm>> -> memref<128xi32, #tpu.memory_space<hbm>>
          tpu.wait_dma2 semaphore(%run_scoped3A : memref<!tpu.dma_semaphore, #tpu.memory_space<semaphore_mem>>) src(%dma_wait3A_94 : memref<128xi32, #tpu.memory_space<hbm>>) dst(%arg5 : memref<128xi32, #tpu.memory_space<vmem>>)
          tpu.yield
        }) : () -> ()
        %jit3A_68 = arith.constant 2 : i32
        %eq3A_69 = arith.constant 0 : i32
        %eq3A_70 = arith.cmpi eq, %jit3A_68, %eq3A_69 : i32
        %jit3A_71 = arith.constant 1 : i32
        %select_n3A_72 = arith.select %eq3A_70, %jit3A_71, %jit3A_68 : i32
        %rem3A_73 = arith.remsi %add3A_64, %select_n3A_72 : i32
        %ne3A_74 = arith.constant 0 : i32
        %ne3A_75 = arith.cmpi ne, %rem3A_73, %ne3A_74 : i32
        %lt3A_76 = arith.constant 0 : i32
        %lt3A_77 = arith.cmpi slt, %rem3A_73, %lt3A_76 : i32
        %lt3A_78 = arith.constant 0 : i32
        %lt3A_79 = arith.cmpi slt, %select_n3A_72, %lt3A_78 : i32
        %ne3A_80 = arith.xori %lt3A_77, %lt3A_79 : i1
        %and3A_81 = arith.andi %ne3A_80, %ne3A_75 : i1
        %add3A_82 = arith.addi %rem3A_73, %select_n3A_72 : i32
        %select_n3A_83 = arith.select %and3A_81, %add3A_82, %rem3A_73 : i32
        %mul3A_84 = arith.constant 128 : i32
        %mul3A_85 = arith.muli %select_n3A_83, %mul3A_84 : i32
        %dma_start3A_86 = arith.constant 0 : i32
        %dma_start3A_87 = tpu.memref_slice %arg6[%mul3A_85, %dma_start3A_86] : memref<256x128xf32, #tpu.memory_space<vmem>> -> memref<128x128xf32, #tpu.memory_space<vmem>>
        %dma_start3A_88 = arith.constant 0 : i32
        %dma_start3A_89 = arith.constant 0 : i32
        %dma_start3A_90 = tpu.memref_slice %arg2[%dma_start3A_88, %dma_start3A_89] : memref<1505280x128xf32, #tpu.memory_space<hbm>> -> memref<1505280x128xf32, #tpu.memory_space<hbm>>
        tpu.enqueue_indirect_dma source(%dma_start3A_90 : memref<1505280x128xf32, #tpu.memory_space<hbm>>) target(%dma_start3A_87 : memref<128x128xf32, #tpu.memory_space<vmem>>) offsets(%arg5 : memref<128xi32, #tpu.memory_space<vmem>>) semaphore(%arg7 : memref<!tpu.dma_semaphore, #tpu.memory_space<semaphore_mem>>)
      } else {
      }
    }
    %scan3A_14 = arith.constant 138 : i32
    %add3A_15 = arith.constant 17536 : i32
    %add3A_16 = arith.addi %mul3A_2, %add3A_15 : i32
    %dma_wait3A = arith.constant 128 : i32
    %dma_wait3A_17 = arith.constant 0 : i32
    %dma_wait3A_18 = tpu.memref_slice %arg6[%dma_wait3A, %dma_wait3A_17] : memref<256x128xf32, #tpu.memory_space<vmem>> -> memref<128x128xf32, #tpu.memory_space<vmem>>
    %dma_wait3A_19 = arith.constant 0 : i32
    %dma_wait3A_20 = tpu.memref_slice %arg4[%add3A_16, %dma_wait3A_19] : memref<565248x128xf32, #tpu.memory_space<hbm>> -> memref<128x128xf32, #tpu.memory_space<hbm>>
    %dma_wait3A_21 = arith.constant 0 : i32
    %dma_wait3A_22 = tpu.memref_slice %arg4[%add3A_16, %dma_wait3A_21] : memref<565248x128xf32, #tpu.memory_space<hbm>> -> memref<128x128xf32, #tpu.memory_space<hbm>>
    %dma_wait3A_23 = arith.constant 128 : i32
    %dma_wait3A_24 = arith.constant 0 : i32
    %dma_wait3A_25 = tpu.memref_slice %arg6[%dma_wait3A_23, %dma_wait3A_24] : memref<256x128xf32, #tpu.memory_space<vmem>> -> memref<128x128xf32, #tpu.memory_space<vmem>>
    tpu.wait_dma2 semaphore(%arg8 : memref<!tpu.dma_semaphore, #tpu.memory_space<semaphore_mem>>) src(%dma_wait3A_25 : memref<128x128xf32, #tpu.memory_space<vmem>>) dst(%dma_wait3A_22 : memref<128x128xf32, #tpu.memory_space<hbm>>)
    return
  }
}

#map = affine_map<(d0, d1) -> (0, 0)>
#map1 = affine_map<(d0, d1) -> (0)>
module attributes {stable_mosaic.version = 14 : i64} {
  func.func @_gather_body(%arg0: i32, %arg1: i32, %arg2: memref<1505280x128xf32, #tpu.memory_space<hbm>>, %arg3: memref<565248xi32, #tpu.memory_space<hbm>>, %arg4: memref<565248x128xf32, #tpu.memory_space<hbm>>, %arg5: memref<128xi32, #tpu.memory_space<vmem>>, %arg6: memref<256x128xf32, #tpu.memory_space<vmem>>, %arg7: memref<!tpu.dma_semaphore, #tpu.memory_space<semaphore_mem>>, %arg8: memref<!tpu.dma_semaphore, #tpu.memory_space<semaphore_mem>>) attributes {dimension_semantics = [#tpu.dimension_semantics<core_parallel>, #tpu.dimension_semantics<subcore_parallel>], iteration_bounds = array<i64: 2, 16>, scalar_prefetch = 0 : i64, scratch_operands = 4 : i64, tpu.core_type = #tpu.core_type<sc_vector_subcore>, window_params = [{transform_indices = #map}, {transform_indices = #map1}, {transform_indices = #map}]} {
    %mul3A = arith.constant 2 : i32
    %mul3A_0 = arith.muli %arg1, %mul3A : i32
    %add3A = arith.addi %mul3A_0, %arg0 : i32
    %mul3A_1 = arith.constant 17664 : i32
    %mul3A_2 = arith.muli %add3A, %mul3A_1 : i32
    %add3A_3 = arith.constant 0 : i32
    %add3A_4 = arith.addi %mul3A_2, %add3A_3 : i32
    "tpu.region"() ({
      %run_scoped3A = tpu.sem_alloc : memref<!tpu.dma_semaphore, #tpu.memory_space<semaphore_mem>>
      %dma_start3A_26 = tpu.memref_slice %arg3[%add3A_4] : memref<565248xi32, #tpu.memory_space<hbm>> -> memref<128xi32, #tpu.memory_space<hbm>>
      %dma_start3A_27 = tpu.memref_slice %arg3[%add3A_4] : memref<565248xi32, #tpu.memory_space<hbm>> -> memref<128xi32, #tpu.memory_space<hbm>>
      tpu.enqueue_dma source(%dma_start3A_27 : memref<128xi32, #tpu.memory_space<hbm>>) target(%arg5 : memref<128xi32, #tpu.memory_space<vmem>>) target_semaphore(%run_scoped3A : memref<!tpu.dma_semaphore, #tpu.memory_space<semaphore_mem>>)
      %dma_wait3A_28 = tpu.memref_slice %arg3[%add3A_4] : memref<565248xi32, #tpu.memory_space<hbm>> -> memref<128xi32, #tpu.memory_space<hbm>>
      %dma_wait3A_29 = tpu.memref_slice %arg3[%add3A_4] : memref<565248xi32, #tpu.memory_space<hbm>> -> memref<128xi32, #tpu.memory_space<hbm>>
      tpu.wait_dma2 semaphore(%run_scoped3A : memref<!tpu.dma_semaphore, #tpu.memory_space<semaphore_mem>>) src(%dma_wait3A_29 : memref<128xi32, #tpu.memory_space<hbm>>) dst(%arg5 : memref<128xi32, #tpu.memory_space<vmem>>)
      tpu.yield
    }) : () -> ()
    %dma_start3A = arith.constant 0 : i32
    %dma_start3A_5 = arith.constant 0 : i32
    %dma_start3A_6 = tpu.memref_slice %arg6[%dma_start3A, %dma_start3A_5] : memref<256x128xf32, #tpu.memory_space<vmem>> -> memref<128x128xf32, #tpu.memory_space<vmem>>
    %dma_start3A_7 = arith.constant 0 : i32
    %dma_start3A_8 = arith.constant 0 : i32
    %dma_start3A_9 = tpu.memref_slice %arg2[%dma_start3A_7, %dma_start3A_8] : memref<1505280x128xf32, #tpu.memory_space<hbm>> -> memref<1505280x128xf32, #tpu.memory_space<hbm>>
    tpu.enqueue_indirect_dma source(%dma_start3A_9 : memref<1505280x128xf32, #tpu.memory_space<hbm>>) target(%dma_start3A_6 : memref<128x128xf32, #tpu.memory_space<vmem>>) offsets(%arg5 : memref<128xi32, #tpu.memory_space<vmem>>) semaphore(%arg7 : memref<!tpu.dma_semaphore, #tpu.memory_space<semaphore_mem>>)
    %scan3A = arith.constant 0 : i32
    %scan3A_10 = arith.constant 0 : i32
    %scan3A_11 = arith.constant 138 : i32
    %scan3A_12 = arith.addi %scan3A_10, %scan3A_11 : i32
    %scan3A_13 = arith.constant 1 : i32
    scf.for %scan3A_26 = %scan3A_10 to %scan3A_12 step %scan3A_13  : i32 {
      %jit3A = arith.constant 2 : i32
      %eq3A = arith.constant 0 : i32
      %eq3A_27 = arith.cmpi eq, %jit3A, %eq3A : i32
      %jit3A_28 = arith.constant 1 : i32
      %select_n3A = arith.select %eq3A_27, %jit3A_28, %jit3A : i32
      %rem3A = arith.remsi %scan3A_26, %select_n3A : i32
      %ne3A = arith.constant 0 : i32
      %ne3A_29 = arith.cmpi ne, %rem3A, %ne3A : i32
      %lt3A = arith.constant 0 : i32
      %lt3A_30 = arith.cmpi slt, %rem3A, %lt3A : i32
      %lt3A_31 = arith.constant 0 : i32
      %lt3A_32 = arith.cmpi slt, %select_n3A, %lt3A_31 : i32
      %ne3A_33 = arith.xori %lt3A_30, %lt3A_32 : i1
      %and3A = arith.andi %ne3A_33, %ne3A_29 : i1
      %add3A_34 = arith.addi %rem3A, %select_n3A : i32
      %select_n3A_35 = arith.select %and3A, %add3A_34, %rem3A : i32
      %mul3A_36 = arith.constant 128 : i32
      %mul3A_37 = arith.muli %select_n3A_35, %mul3A_36 : i32
      %dma_wait3A_38 = arith.constant 0 : i32
      %dma_wait3A_39 = tpu.memref_slice %arg6[%mul3A_37, %dma_wait3A_38] : memref<256x128xf32, #tpu.memory_space<vmem>> -> memref<128x128xf32, #tpu.memory_space<vmem>>
      %dma_wait3A_40 = arith.constant 0 : i32
      %dma_wait3A_41 = arith.constant 0 : i32
      %dma_wait3A_42 = tpu.memref_slice %arg2[%dma_wait3A_40, %dma_wait3A_41] : memref<1505280x128xf32, #tpu.memory_space<hbm>> -> memref<1505280x128xf32, #tpu.memory_space<hbm>>
      tpu.wait_indirect_dma semaphore(%arg7 : memref<!tpu.dma_semaphore, #tpu.memory_space<semaphore_mem>>) src(%dma_wait3A_42 : memref<1505280x128xf32, #tpu.memory_space<hbm>>) dst(%dma_wait3A_39 : memref<128x128xf32, #tpu.memory_space<vmem>>)
      %mul3A_43 = arith.constant 128 : i32
      %mul3A_44 = arith.muli %scan3A_26, %mul3A_43 : i32
      %add3A_45 = arith.addi %mul3A_2, %mul3A_44 : i32
      %dma_start3A_46 = arith.constant 0 : i32
      %dma_start3A_47 = tpu.memref_slice %arg6[%mul3A_37, %dma_start3A_46] : memref<256x128xf32, #tpu.memory_space<vmem>> -> memref<128x128xf32, #tpu.memory_space<vmem>>
      %dma_start3A_48 = arith.constant 0 : i32
      %dma_start3A_49 = tpu.memref_slice %arg4[%add3A_45, %dma_start3A_48] : memref<565248x128xf32, #tpu.memory_space<hbm>> -> memref<128x128xf32, #tpu.memory_space<hbm>>
      %dma_start3A_50 = arith.constant 0 : i32
      %dma_start3A_51 = tpu.memref_slice %arg4[%add3A_45, %dma_start3A_50] : memref<565248x128xf32, #tpu.memory_space<hbm>> -> memref<128x128xf32, #tpu.memory_space<hbm>>
      %dma_start3A_52 = arith.constant 0 : i32
      %dma_start3A_53 = tpu.memref_slice %arg6[%mul3A_37, %dma_start3A_52] : memref<256x128xf32, #tpu.memory_space<vmem>> -> memref<128x128xf32, #tpu.memory_space<vmem>>
      tpu.enqueue_dma source(%dma_start3A_53 : memref<128x128xf32, #tpu.memory_space<vmem>>) target(%dma_start3A_51 : memref<128x128xf32, #tpu.memory_space<hbm>>) target_semaphore(%arg8 : memref<!tpu.dma_semaphore, #tpu.memory_space<semaphore_mem>>)
      %ge3A = arith.constant 1 : i32
      %ge3A_54 = arith.cmpi sge, %scan3A_26, %ge3A : i32
      %convert_element_type3A = arith.extui %ge3A_54 : i1 to i32
      %cond3A = arith.constant 0 : i32
      %cond3A_55 = arith.cmpi ne, %convert_element_type3A, %cond3A : i32
      scf.if %cond3A_55 {
        %add3A_63 = arith.constant 1 : i32
        %add3A_64 = arith.addi %scan3A_26, %add3A_63 : i32
        %jit3A_65 = arith.constant 2 : i32
        %eq3A_66 = arith.constant 0 : i32
        %eq3A_67 = arith.cmpi eq, %jit3A_65, %eq3A_66 : i32
        %jit3A_68 = arith.constant 1 : i32
        %select_n3A_69 = arith.select %eq3A_67, %jit3A_68, %jit3A_65 : i32
        %rem3A_70 = arith.remsi %add3A_64, %select_n3A_69 : i32
        %ne3A_71 = arith.constant 0 : i32
        %ne3A_72 = arith.cmpi ne, %rem3A_70, %ne3A_71 : i32
        %lt3A_73 = arith.constant 0 : i32
        %lt3A_74 = arith.cmpi slt, %rem3A_70, %lt3A_73 : i32
        %lt3A_75 = arith.constant 0 : i32
        %lt3A_76 = arith.cmpi slt, %select_n3A_69, %lt3A_75 : i32
        %ne3A_77 = arith.xori %lt3A_74, %lt3A_76 : i1
        %and3A_78 = arith.andi %ne3A_77, %ne3A_72 : i1
        %add3A_79 = arith.addi %rem3A_70, %select_n3A_69 : i32
        %select_n3A_80 = arith.select %and3A_78, %add3A_79, %rem3A_70 : i32
        %mul3A_81 = arith.constant 128 : i32
        %mul3A_82 = arith.muli %select_n3A_80, %mul3A_81 : i32
        %sub3A = arith.constant 1 : i32
        %sub3A_83 = arith.subi %scan3A_26, %sub3A : i32
        %mul3A_84 = arith.constant 128 : i32
        %mul3A_85 = arith.muli %sub3A_83, %mul3A_84 : i32
        %add3A_86 = arith.addi %mul3A_2, %mul3A_85 : i32
        %dma_wait3A_87 = arith.constant 0 : i32
        %dma_wait3A_88 = tpu.memref_slice %arg6[%mul3A_82, %dma_wait3A_87] : memref<256x128xf32, #tpu.memory_space<vmem>> -> memref<128x128xf32, #tpu.memory_space<vmem>>
        %dma_wait3A_89 = arith.constant 0 : i32
        %dma_wait3A_90 = tpu.memref_slice %arg4[%add3A_86, %dma_wait3A_89] : memref<565248x128xf32, #tpu.memory_space<hbm>> -> memref<128x128xf32, #tpu.memory_space<hbm>>
        %dma_wait3A_91 = arith.constant 0 : i32
        %dma_wait3A_92 = tpu.memref_slice %arg4[%add3A_86, %dma_wait3A_91] : memref<565248x128xf32, #tpu.memory_space<hbm>> -> memref<128x128xf32, #tpu.memory_space<hbm>>
        %dma_wait3A_93 = arith.constant 0 : i32
        %dma_wait3A_94 = tpu.memref_slice %arg6[%mul3A_82, %dma_wait3A_93] : memref<256x128xf32, #tpu.memory_space<vmem>> -> memref<128x128xf32, #tpu.memory_space<vmem>>
        tpu.wait_dma2 semaphore(%arg8 : memref<!tpu.dma_semaphore, #tpu.memory_space<semaphore_mem>>) src(%dma_wait3A_94 : memref<128x128xf32, #tpu.memory_space<vmem>>) dst(%dma_wait3A_92 : memref<128x128xf32, #tpu.memory_space<hbm>>)
      } else {
      }
      %add3A_56 = arith.constant 1 : i32
      %add3A_57 = arith.addi %scan3A_26, %add3A_56 : i32
      %lt3A_58 = arith.constant 138 : i32
      %lt3A_59 = arith.cmpi slt, %add3A_57, %lt3A_58 : i32
      %convert_element_type3A_60 = arith.extui %lt3A_59 : i1 to i32
      %cond3A_61 = arith.constant 0 : i32
      %cond3A_62 = arith.cmpi ne, %convert_element_type3A_60, %cond3A_61 : i32
      scf.if %cond3A_62 {
        %add3A_63 = arith.constant 1 : i32
        %add3A_64 = arith.addi %scan3A_26, %add3A_63 : i32
        %mul3A_65 = arith.constant 128 : i32
        %mul3A_66 = arith.muli %add3A_64, %mul3A_65 : i32
        %add3A_67 = arith.addi %mul3A_2, %mul3A_66 : i32
        "tpu.region"() ({
          %run_scoped3A = tpu.sem_alloc : memref<!tpu.dma_semaphore, #tpu.memory_space<semaphore_mem>>
          %dma_start3A_91 = tpu.memref_slice %arg3[%add3A_67] : memref<565248xi32, #tpu.memory_space<hbm>> -> memref<128xi32, #tpu.memory_space<hbm>>
          %dma_start3A_92 = tpu.memref_slice %arg3[%add3A_67] : memref<565248xi32, #tpu.memory_space<hbm>> -> memref<128xi32, #tpu.memory_space<hbm>>
          tpu.enqueue_dma source(%dma_start3A_92 : memref<128xi32, #tpu.memory_space<hbm>>) target(%arg5 : memref<128xi32, #tpu.memory_space<vmem>>) target_semaphore(%run_scoped3A : memref<!tpu.dma_semaphore, #tpu.memory_space<semaphore_mem>>)
          %dma_wait3A_93 = tpu.memref_slice %arg3[%add3A_67] : memref<565248xi32, #tpu.memory_space<hbm>> -> memref<128xi32, #tpu.memory_space<hbm>>
          %dma_wait3A_94 = tpu.memref_slice %arg3[%add3A_67] : memref<565248xi32, #tpu.memory_space<hbm>> -> memref<128xi32, #tpu.memory_space<hbm>>
          tpu.wait_dma2 semaphore(%run_scoped3A : memref<!tpu.dma_semaphore, #tpu.memory_space<semaphore_mem>>) src(%dma_wait3A_94 : memref<128xi32, #tpu.memory_space<hbm>>) dst(%arg5 : memref<128xi32, #tpu.memory_space<vmem>>)
          tpu.yield
        }) : () -> ()
        %jit3A_68 = arith.constant 2 : i32
        %eq3A_69 = arith.constant 0 : i32
        %eq3A_70 = arith.cmpi eq, %jit3A_68, %eq3A_69 : i32
        %jit3A_71 = arith.constant 1 : i32
        %select_n3A_72 = arith.select %eq3A_70, %jit3A_71, %jit3A_68 : i32
        %rem3A_73 = arith.remsi %add3A_64, %select_n3A_72 : i32
        %ne3A_74 = arith.constant 0 : i32
        %ne3A_75 = arith.cmpi ne, %rem3A_73, %ne3A_74 : i32
        %lt3A_76 = arith.constant 0 : i32
        %lt3A_77 = arith.cmpi slt, %rem3A_73, %lt3A_76 : i32
        %lt3A_78 = arith.constant 0 : i32
        %lt3A_79 = arith.cmpi slt, %select_n3A_72, %lt3A_78 : i32
        %ne3A_80 = arith.xori %lt3A_77, %lt3A_79 : i1
        %and3A_81 = arith.andi %ne3A_80, %ne3A_75 : i1
        %add3A_82 = arith.addi %rem3A_73, %select_n3A_72 : i32
        %select_n3A_83 = arith.select %and3A_81, %add3A_82, %rem3A_73 : i32
        %mul3A_84 = arith.constant 128 : i32
        %mul3A_85 = arith.muli %select_n3A_83, %mul3A_84 : i32
        %dma_start3A_86 = arith.constant 0 : i32
        %dma_start3A_87 = tpu.memref_slice %arg6[%mul3A_85, %dma_start3A_86] : memref<256x128xf32, #tpu.memory_space<vmem>> -> memref<128x128xf32, #tpu.memory_space<vmem>>
        %dma_start3A_88 = arith.constant 0 : i32
        %dma_start3A_89 = arith.constant 0 : i32
        %dma_start3A_90 = tpu.memref_slice %arg2[%dma_start3A_88, %dma_start3A_89] : memref<1505280x128xf32, #tpu.memory_space<hbm>> -> memref<1505280x128xf32, #tpu.memory_space<hbm>>
        tpu.enqueue_indirect_dma source(%dma_start3A_90 : memref<1505280x128xf32, #tpu.memory_space<hbm>>) target(%dma_start3A_87 : memref<128x128xf32, #tpu.memory_space<vmem>>) offsets(%arg5 : memref<128xi32, #tpu.memory_space<vmem>>) semaphore(%arg7 : memref<!tpu.dma_semaphore, #tpu.memory_space<semaphore_mem>>)
      } else {
      }
    }
    %scan3A_14 = arith.constant 138 : i32
    %add3A_15 = arith.constant 17536 : i32
    %add3A_16 = arith.addi %mul3A_2, %add3A_15 : i32
    %dma_wait3A = arith.constant 128 : i32
    %dma_wait3A_17 = arith.constant 0 : i32
    %dma_wait3A_18 = tpu.memref_slice %arg6[%dma_wait3A, %dma_wait3A_17] : memref<256x128xf32, #tpu.memory_space<vmem>> -> memref<128x128xf32, #tpu.memory_space<vmem>>
    %dma_wait3A_19 = arith.constant 0 : i32
    %dma_wait3A_20 = tpu.memref_slice %arg4[%add3A_16, %dma_wait3A_19] : memref<565248x128xf32, #tpu.memory_space<hbm>> -> memref<128x128xf32, #tpu.memory_space<hbm>>
    %dma_wait3A_21 = arith.constant 0 : i32
    %dma_wait3A_22 = tpu.memref_slice %arg4[%add3A_16, %dma_wait3A_21] : memref<565248x128xf32, #tpu.memory_space<hbm>> -> memref<128x128xf32, #tpu.memory_space<hbm>>
    %dma_wait3A_23 = arith.constant 128 : i32
    %dma_wait3A_24 = arith.constant 0 : i32
    %dma_wait3A_25 = tpu.memref_slice %arg6[%dma_wait3A_23, %dma_wait3A_24] : memref<256x128xf32, #tpu.memory_space<vmem>> -> memref<128x128xf32, #tpu.memory_space<vmem>>
    tpu.wait_dma2 semaphore(%arg8 : memref<!tpu.dma_semaphore, #tpu.memory_space<semaphore_mem>>) src(%dma_wait3A_25 : memref<128x128xf32, #tpu.memory_space<vmem>>) dst(%dma_wait3A_22 : memref<128x128xf32, #tpu.memory_space<hbm>>)
    return
  }
}

#map = affine_map<(d0, d1) -> (0, 0)>
#map1 = affine_map<(d0, d1) -> (0)>
module attributes {stable_mosaic.version = 14 : i64} {
  func.func @_gather_body(%arg0: i32, %arg1: i32, %arg2: memref<1505280x128xf32, #tpu.memory_space<hbm>>, %arg3: memref<565248xi32, #tpu.memory_space<hbm>>, %arg4: memref<565248x128xf32, #tpu.memory_space<hbm>>, %arg5: memref<128xi32, #tpu.memory_space<vmem>>, %arg6: memref<256x128xf32, #tpu.memory_space<vmem>>, %arg7: memref<!tpu.dma_semaphore, #tpu.memory_space<semaphore_mem>>, %arg8: memref<!tpu.dma_semaphore, #tpu.memory_space<semaphore_mem>>) attributes {dimension_semantics = [#tpu.dimension_semantics<core_parallel>, #tpu.dimension_semantics<subcore_parallel>], iteration_bounds = array<i64: 2, 16>, scalar_prefetch = 0 : i64, scratch_operands = 4 : i64, tpu.core_type = #tpu.core_type<sc_vector_subcore>, window_params = [{transform_indices = #map}, {transform_indices = #map1}, {transform_indices = #map}]} {
    %mul3A = arith.constant 2 : i32
    %mul3A_0 = arith.muli %arg1, %mul3A : i32
    %add3A = arith.addi %mul3A_0, %arg0 : i32
    %mul3A_1 = arith.constant 17664 : i32
    %mul3A_2 = arith.muli %add3A, %mul3A_1 : i32
    %add3A_3 = arith.constant 0 : i32
    %add3A_4 = arith.addi %mul3A_2, %add3A_3 : i32
    "tpu.region"() ({
      %run_scoped3A = tpu.sem_alloc : memref<!tpu.dma_semaphore, #tpu.memory_space<semaphore_mem>>
      %dma_start3A_26 = tpu.memref_slice %arg3[%add3A_4] : memref<565248xi32, #tpu.memory_space<hbm>> -> memref<128xi32, #tpu.memory_space<hbm>>
      %dma_start3A_27 = tpu.memref_slice %arg3[%add3A_4] : memref<565248xi32, #tpu.memory_space<hbm>> -> memref<128xi32, #tpu.memory_space<hbm>>
      tpu.enqueue_dma source(%dma_start3A_27 : memref<128xi32, #tpu.memory_space<hbm>>) target(%arg5 : memref<128xi32, #tpu.memory_space<vmem>>) target_semaphore(%run_scoped3A : memref<!tpu.dma_semaphore, #tpu.memory_space<semaphore_mem>>)
      %dma_wait3A_28 = tpu.memref_slice %arg3[%add3A_4] : memref<565248xi32, #tpu.memory_space<hbm>> -> memref<128xi32, #tpu.memory_space<hbm>>
      %dma_wait3A_29 = tpu.memref_slice %arg3[%add3A_4] : memref<565248xi32, #tpu.memory_space<hbm>> -> memref<128xi32, #tpu.memory_space<hbm>>
      tpu.wait_dma2 semaphore(%run_scoped3A : memref<!tpu.dma_semaphore, #tpu.memory_space<semaphore_mem>>) src(%dma_wait3A_29 : memref<128xi32, #tpu.memory_space<hbm>>) dst(%arg5 : memref<128xi32, #tpu.memory_space<vmem>>)
      tpu.yield
    }) : () -> ()
    %dma_start3A = arith.constant 0 : i32
    %dma_start3A_5 = arith.constant 0 : i32
    %dma_start3A_6 = tpu.memref_slice %arg6[%dma_start3A, %dma_start3A_5] : memref<256x128xf32, #tpu.memory_space<vmem>> -> memref<128x128xf32, #tpu.memory_space<vmem>>
    %dma_start3A_7 = arith.constant 0 : i32
    %dma_start3A_8 = arith.constant 0 : i32
    %dma_start3A_9 = tpu.memref_slice %arg2[%dma_start3A_7, %dma_start3A_8] : memref<1505280x128xf32, #tpu.memory_space<hbm>> -> memref<1505280x128xf32, #tpu.memory_space<hbm>>
    tpu.enqueue_indirect_dma source(%dma_start3A_9 : memref<1505280x128xf32, #tpu.memory_space<hbm>>) target(%dma_start3A_6 : memref<128x128xf32, #tpu.memory_space<vmem>>) offsets(%arg5 : memref<128xi32, #tpu.memory_space<vmem>>) semaphore(%arg7 : memref<!tpu.dma_semaphore, #tpu.memory_space<semaphore_mem>>)
    %scan3A = arith.constant 0 : i32
    %scan3A_10 = arith.constant 0 : i32
    %scan3A_11 = arith.constant 138 : i32
    %scan3A_12 = arith.addi %scan3A_10, %scan3A_11 : i32
    %scan3A_13 = arith.constant 1 : i32
    scf.for %scan3A_26 = %scan3A_10 to %scan3A_12 step %scan3A_13  : i32 {
      %jit3A = arith.constant 2 : i32
      %eq3A = arith.constant 0 : i32
      %eq3A_27 = arith.cmpi eq, %jit3A, %eq3A : i32
      %jit3A_28 = arith.constant 1 : i32
      %select_n3A = arith.select %eq3A_27, %jit3A_28, %jit3A : i32
      %rem3A = arith.remsi %scan3A_26, %select_n3A : i32
      %ne3A = arith.constant 0 : i32
      %ne3A_29 = arith.cmpi ne, %rem3A, %ne3A : i32
      %lt3A = arith.constant 0 : i32
      %lt3A_30 = arith.cmpi slt, %rem3A, %lt3A : i32
      %lt3A_31 = arith.constant 0 : i32
      %lt3A_32 = arith.cmpi slt, %select_n3A, %lt3A_31 : i32
      %ne3A_33 = arith.xori %lt3A_30, %lt3A_32 : i1
      %and3A = arith.andi %ne3A_33, %ne3A_29 : i1
      %add3A_34 = arith.addi %rem3A, %select_n3A : i32
      %select_n3A_35 = arith.select %and3A, %add3A_34, %rem3A : i32
      %mul3A_36 = arith.constant 128 : i32
      %mul3A_37 = arith.muli %select_n3A_35, %mul3A_36 : i32
      %dma_wait3A_38 = arith.constant 0 : i32
      %dma_wait3A_39 = tpu.memref_slice %arg6[%mul3A_37, %dma_wait3A_38] : memref<256x128xf32, #tpu.memory_space<vmem>> -> memref<128x128xf32, #tpu.memory_space<vmem>>
      %dma_wait3A_40 = arith.constant 0 : i32
      %dma_wait3A_41 = arith.constant 0 : i32
      %dma_wait3A_42 = tpu.memref_slice %arg2[%dma_wait3A_40, %dma_wait3A_41] : memref<1505280x128xf32, #tpu.memory_space<hbm>> -> memref<1505280x128xf32, #tpu.memory_space<hbm>>
      tpu.wait_indirect_dma semaphore(%arg7 : memref<!tpu.dma_semaphore, #tpu.memory_space<semaphore_mem>>) src(%dma_wait3A_42 : memref<1505280x128xf32, #tpu.memory_space<hbm>>) dst(%dma_wait3A_39 : memref<128x128xf32, #tpu.memory_space<vmem>>)
      %mul3A_43 = arith.constant 128 : i32
      %mul3A_44 = arith.muli %scan3A_26, %mul3A_43 : i32
      %add3A_45 = arith.addi %mul3A_2, %mul3A_44 : i32
      %dma_start3A_46 = arith.constant 0 : i32
      %dma_start3A_47 = tpu.memref_slice %arg6[%mul3A_37, %dma_start3A_46] : memref<256x128xf32, #tpu.memory_space<vmem>> -> memref<128x128xf32, #tpu.memory_space<vmem>>
      %dma_start3A_48 = arith.constant 0 : i32
      %dma_start3A_49 = tpu.memref_slice %arg4[%add3A_45, %dma_start3A_48] : memref<565248x128xf32, #tpu.memory_space<hbm>> -> memref<128x128xf32, #tpu.memory_space<hbm>>
      %dma_start3A_50 = arith.constant 0 : i32
      %dma_start3A_51 = tpu.memref_slice %arg4[%add3A_45, %dma_start3A_50] : memref<565248x128xf32, #tpu.memory_space<hbm>> -> memref<128x128xf32, #tpu.memory_space<hbm>>
      %dma_start3A_52 = arith.constant 0 : i32
      %dma_start3A_53 = tpu.memref_slice %arg6[%mul3A_37, %dma_start3A_52] : memref<256x128xf32, #tpu.memory_space<vmem>> -> memref<128x128xf32, #tpu.memory_space<vmem>>
      tpu.enqueue_dma source(%dma_start3A_53 : memref<128x128xf32, #tpu.memory_space<vmem>>) target(%dma_start3A_51 : memref<128x128xf32, #tpu.memory_space<hbm>>) target_semaphore(%arg8 : memref<!tpu.dma_semaphore, #tpu.memory_space<semaphore_mem>>)
      %ge3A = arith.constant 1 : i32
      %ge3A_54 = arith.cmpi sge, %scan3A_26, %ge3A : i32
      %convert_element_type3A = arith.extui %ge3A_54 : i1 to i32
      %cond3A = arith.constant 0 : i32
      %cond3A_55 = arith.cmpi ne, %convert_element_type3A, %cond3A : i32
      scf.if %cond3A_55 {
        %add3A_63 = arith.constant 1 : i32
        %add3A_64 = arith.addi %scan3A_26, %add3A_63 : i32
        %jit3A_65 = arith.constant 2 : i32
        %eq3A_66 = arith.constant 0 : i32
        %eq3A_67 = arith.cmpi eq, %jit3A_65, %eq3A_66 : i32
        %jit3A_68 = arith.constant 1 : i32
        %select_n3A_69 = arith.select %eq3A_67, %jit3A_68, %jit3A_65 : i32
        %rem3A_70 = arith.remsi %add3A_64, %select_n3A_69 : i32
        %ne3A_71 = arith.constant 0 : i32
        %ne3A_72 = arith.cmpi ne, %rem3A_70, %ne3A_71 : i32
        %lt3A_73 = arith.constant 0 : i32
        %lt3A_74 = arith.cmpi slt, %rem3A_70, %lt3A_73 : i32
        %lt3A_75 = arith.constant 0 : i32
        %lt3A_76 = arith.cmpi slt, %select_n3A_69, %lt3A_75 : i32
        %ne3A_77 = arith.xori %lt3A_74, %lt3A_76 : i1
        %and3A_78 = arith.andi %ne3A_77, %ne3A_72 : i1
        %add3A_79 = arith.addi %rem3A_70, %select_n3A_69 : i32
        %select_n3A_80 = arith.select %and3A_78, %add3A_79, %rem3A_70 : i32
        %mul3A_81 = arith.constant 128 : i32
        %mul3A_82 = arith.muli %select_n3A_80, %mul3A_81 : i32
        %sub3A = arith.constant 1 : i32
        %sub3A_83 = arith.subi %scan3A_26, %sub3A : i32
        %mul3A_84 = arith.constant 128 : i32
        %mul3A_85 = arith.muli %sub3A_83, %mul3A_84 : i32
        %add3A_86 = arith.addi %mul3A_2, %mul3A_85 : i32
        %dma_wait3A_87 = arith.constant 0 : i32
        %dma_wait3A_88 = tpu.memref_slice %arg6[%mul3A_82, %dma_wait3A_87] : memref<256x128xf32, #tpu.memory_space<vmem>> -> memref<128x128xf32, #tpu.memory_space<vmem>>
        %dma_wait3A_89 = arith.constant 0 : i32
        %dma_wait3A_90 = tpu.memref_slice %arg4[%add3A_86, %dma_wait3A_89] : memref<565248x128xf32, #tpu.memory_space<hbm>> -> memref<128x128xf32, #tpu.memory_space<hbm>>
        %dma_wait3A_91 = arith.constant 0 : i32
        %dma_wait3A_92 = tpu.memref_slice %arg4[%add3A_86, %dma_wait3A_91] : memref<565248x128xf32, #tpu.memory_space<hbm>> -> memref<128x128xf32, #tpu.memory_space<hbm>>
        %dma_wait3A_93 = arith.constant 0 : i32
        %dma_wait3A_94 = tpu.memref_slice %arg6[%mul3A_82, %dma_wait3A_93] : memref<256x128xf32, #tpu.memory_space<vmem>> -> memref<128x128xf32, #tpu.memory_space<vmem>>
        tpu.wait_dma2 semaphore(%arg8 : memref<!tpu.dma_semaphore, #tpu.memory_space<semaphore_mem>>) src(%dma_wait3A_94 : memref<128x128xf32, #tpu.memory_space<vmem>>) dst(%dma_wait3A_92 : memref<128x128xf32, #tpu.memory_space<hbm>>)
      } else {
      }
      %add3A_56 = arith.constant 1 : i32
      %add3A_57 = arith.addi %scan3A_26, %add3A_56 : i32
      %lt3A_58 = arith.constant 138 : i32
      %lt3A_59 = arith.cmpi slt, %add3A_57, %lt3A_58 : i32
      %convert_element_type3A_60 = arith.extui %lt3A_59 : i1 to i32
      %cond3A_61 = arith.constant 0 : i32
      %cond3A_62 = arith.cmpi ne, %convert_element_type3A_60, %cond3A_61 : i32
      scf.if %cond3A_62 {
        %add3A_63 = arith.constant 1 : i32
        %add3A_64 = arith.addi %scan3A_26, %add3A_63 : i32
        %mul3A_65 = arith.constant 128 : i32
        %mul3A_66 = arith.muli %add3A_64, %mul3A_65 : i32
        %add3A_67 = arith.addi %mul3A_2, %mul3A_66 : i32
        "tpu.region"() ({
          %run_scoped3A = tpu.sem_alloc : memref<!tpu.dma_semaphore, #tpu.memory_space<semaphore_mem>>
          %dma_start3A_91 = tpu.memref_slice %arg3[%add3A_67] : memref<565248xi32, #tpu.memory_space<hbm>> -> memref<128xi32, #tpu.memory_space<hbm>>
          %dma_start3A_92 = tpu.memref_slice %arg3[%add3A_67] : memref<565248xi32, #tpu.memory_space<hbm>> -> memref<128xi32, #tpu.memory_space<hbm>>
          tpu.enqueue_dma source(%dma_start3A_92 : memref<128xi32, #tpu.memory_space<hbm>>) target(%arg5 : memref<128xi32, #tpu.memory_space<vmem>>) target_semaphore(%run_scoped3A : memref<!tpu.dma_semaphore, #tpu.memory_space<semaphore_mem>>)
          %dma_wait3A_93 = tpu.memref_slice %arg3[%add3A_67] : memref<565248xi32, #tpu.memory_space<hbm>> -> memref<128xi32, #tpu.memory_space<hbm>>
          %dma_wait3A_94 = tpu.memref_slice %arg3[%add3A_67] : memref<565248xi32, #tpu.memory_space<hbm>> -> memref<128xi32, #tpu.memory_space<hbm>>
          tpu.wait_dma2 semaphore(%run_scoped3A : memref<!tpu.dma_semaphore, #tpu.memory_space<semaphore_mem>>) src(%dma_wait3A_94 : memref<128xi32, #tpu.memory_space<hbm>>) dst(%arg5 : memref<128xi32, #tpu.memory_space<vmem>>)
          tpu.yield
        }) : () -> ()
        %jit3A_68 = arith.constant 2 : i32
        %eq3A_69 = arith.constant 0 : i32
        %eq3A_70 = arith.cmpi eq, %jit3A_68, %eq3A_69 : i32
        %jit3A_71 = arith.constant 1 : i32
        %select_n3A_72 = arith.select %eq3A_70, %jit3A_71, %jit3A_68 : i32
        %rem3A_73 = arith.remsi %add3A_64, %select_n3A_72 : i32
        %ne3A_74 = arith.constant 0 : i32
        %ne3A_75 = arith.cmpi ne, %rem3A_73, %ne3A_74 : i32
        %lt3A_76 = arith.constant 0 : i32
        %lt3A_77 = arith.cmpi slt, %rem3A_73, %lt3A_76 : i32
        %lt3A_78 = arith.constant 0 : i32
        %lt3A_79 = arith.cmpi slt, %select_n3A_72, %lt3A_78 : i32
        %ne3A_80 = arith.xori %lt3A_77, %lt3A_79 : i1
        %and3A_81 = arith.andi %ne3A_80, %ne3A_75 : i1
        %add3A_82 = arith.addi %rem3A_73, %select_n3A_72 : i32
        %select_n3A_83 = arith.select %and3A_81, %add3A_82, %rem3A_73 : i32
        %mul3A_84 = arith.constant 128 : i32
        %mul3A_85 = arith.muli %select_n3A_83, %mul3A_84 : i32
        %dma_start3A_86 = arith.constant 0 : i32
        %dma_start3A_87 = tpu.memref_slice %arg6[%mul3A_85, %dma_start3A_86] : memref<256x128xf32, #tpu.memory_space<vmem>> -> memref<128x128xf32, #tpu.memory_space<vmem>>
        %dma_start3A_88 = arith.constant 0 : i32
        %dma_start3A_89 = arith.constant 0 : i32
        %dma_start3A_90 = tpu.memref_slice %arg2[%dma_start3A_88, %dma_start3A_89] : memref<1505280x128xf32, #tpu.memory_space<hbm>> -> memref<1505280x128xf32, #tpu.memory_space<hbm>>
        tpu.enqueue_indirect_dma source(%dma_start3A_90 : memref<1505280x128xf32, #tpu.memory_space<hbm>>) target(%dma_start3A_87 : memref<128x128xf32, #tpu.memory_space<vmem>>) offsets(%arg5 : memref<128xi32, #tpu.memory_space<vmem>>) semaphore(%arg7 : memref<!tpu.dma_semaphore, #tpu.memory_space<semaphore_mem>>)
      } else {
      }
    }
    %scan3A_14 = arith.constant 138 : i32
    %add3A_15 = arith.constant 17536 : i32
    %add3A_16 = arith.addi %mul3A_2, %add3A_15 : i32
    %dma_wait3A = arith.constant 128 : i32
    %dma_wait3A_17 = arith.constant 0 : i32
    %dma_wait3A_18 = tpu.memref_slice %arg6[%dma_wait3A, %dma_wait3A_17] : memref<256x128xf32, #tpu.memory_space<vmem>> -> memref<128x128xf32, #tpu.memory_space<vmem>>
    %dma_wait3A_19 = arith.constant 0 : i32
    %dma_wait3A_20 = tpu.memref_slice %arg4[%add3A_16, %dma_wait3A_19] : memref<565248x128xf32, #tpu.memory_space<hbm>> -> memref<128x128xf32, #tpu.memory_space<hbm>>
    %dma_wait3A_21 = arith.constant 0 : i32
    %dma_wait3A_22 = tpu.memref_slice %arg4[%add3A_16, %dma_wait3A_21] : memref<565248x128xf32, #tpu.memory_space<hbm>> -> memref<128x128xf32, #tpu.memory_space<hbm>>
    %dma_wait3A_23 = arith.constant 128 : i32
    %dma_wait3A_24 = arith.constant 0 : i32
    %dma_wait3A_25 = tpu.memref_slice %arg6[%dma_wait3A_23, %dma_wait3A_24] : memref<256x128xf32, #tpu.memory_space<vmem>> -> memref<128x128xf32, #tpu.memory_space<vmem>>
    tpu.wait_dma2 semaphore(%arg8 : memref<!tpu.dma_semaphore, #tpu.memory_space<semaphore_mem>>) src(%dma_wait3A_25 : memref<128x128xf32, #tpu.memory_space<vmem>>) dst(%dma_wait3A_22 : memref<128x128xf32, #tpu.memory_space<hbm>>)
    return
  }
}

module attributes {stable_mosaic.version = 14 : i64} {
  func.func @_h_mm_body(%arg0: i32, %arg1: memref<512x128xf32, #tpu.memory_space<vmem>>, %arg2: memref<128x1920xf32, #tpu.memory_space<vmem>>, %arg3: memref<512x1920xf32, #tpu.memory_space<vmem>>) attributes {dimension_semantics = [#tpu.dimension_semantics<arbitrary>], iteration_bounds = array<i64: 196>, scalar_prefetch = 0 : i64, scratch_operands = 0 : i64, tpu.core_type = #tpu.core_type<tc>, window_params = [{transform_indices = @transform_0, window_bounds = array<i64: 512, 128>}, {pipeline_mode = #tpu.pipeline_mode<synchronous>, transform_indices = @transform_1, window_bounds = array<i64: 128, 1920>}, {transform_indices = @transform_2, window_bounds = array<i64: 512, 1920>}]} {
    %get3A = arith.constant 0 : index
    %get3A_0 = arith.constant 0 : index
    %get3A_1 = vector.load %arg1[%get3A, %get3A_0] : memref<512x128xf32, #tpu.memory_space<vmem>>, vector<512x128xf32>
    %get3A_2 = arith.constant 0 : index
    %get3A_3 = arith.constant 0 : index
    %get3A_4 = vector.load %arg2[%get3A_2, %get3A_3] : memref<128x1920xf32, #tpu.memory_space<vmem>>, vector<128x1920xf32>
    %dot_general3A = arith.constant dense<0.000000e+00> : vector<512x1920xf32>
    %dot_general3A_5 = tpu.matmul %get3A_1, %get3A_4, %dot_general3A {dimension_numbers = #tpu.dot_dimension_numbers<[1], [0], [0], [1], [0, 0, 1, 1], [], []>, transpose_lhs_hint = false} : vector<512x128xf32>, vector<128x1920xf32>, vector<512x1920xf32> -> vector<512x1920xf32>
    %swap3A = arith.constant 0 : index
    %swap3A_6 = arith.constant 0 : index
    %swap3A_7 = vector.load %arg3[%swap3A, %swap3A_6] : memref<512x1920xf32, #tpu.memory_space<vmem>>, vector<512x1920xf32>
    tpu.vector_store %arg3[%swap3A, %swap3A_6], %dot_general3A_5 {strides = array<i32>} : memref<512x1920xf32, #tpu.memory_space<vmem>>, vector<512x1920xf32>,
    return
  }
  func.func @transform_0(%arg0: i32) -> (i32, i32) {
    %c0_i32 = arith.constant 0 : i32
    %c0_i32_0 = arith.constant 0 : i32
    return %arg0, %c0_i32 : i32, i32
  }
  func.func @transform_1(%arg0: i32) -> (i32, i32) {
    %c0_i32 = arith.constant 0 : i32
    %c0_i32_0 = arith.constant 0 : i32
    %c0_i32_1 = arith.constant 0 : i32
    return %c0_i32, %c0_i32_0 : i32, i32
  }
  func.func @transform_2(%arg0: i32) -> (i32, i32) {
    %c0_i32 = arith.constant 0 : i32
    %c0_i32_0 = arith.constant 0 : i32
    return %arg0, %c0_i32 : i32, i32
  }
}

module attributes {stable_mosaic.version = 14 : i64} {
  func.func @_assemble_body(%arg0: i32, %arg1: memref<784xi32, #tpu.memory_space<smem>>, %arg2: memref<784xi32, #tpu.memory_space<smem>>, %arg3: memref<128x128xf32, #tpu.memory_space<vmem>>, %arg4: memref<128x128xf32, #tpu.memory_space<vmem>>, %arg5: memref<128x128xf32, #tpu.memory_space<vmem>>, %arg6: memref<1x128xf32, #tpu.memory_space<vmem>>, %arg7: memref<1x128xf32, #tpu.memory_space<vmem>>, %arg8: memref<1x128xf32, #tpu.memory_space<vmem>>, %arg9: memref<1x128xf32, #tpu.memory_space<vmem>>, %arg10: memref<4416x128xi32, #tpu.memory_space<any>>, %arg11: memref<565248x128xf32, #tpu.memory_space<any>>, %arg12: memref<128x128xf32, #tpu.memory_space<vmem>>, %arg13: memref<2048x128xf32, #tpu.memory_space<vmem>>, %arg14: memref<16x128xi32, #tpu.memory_space<vmem>>, %arg15: memref<!tpu.dma_semaphore, #tpu.memory_space<semaphore_mem>>, %arg16: memref<!tpu.dma_semaphore, #tpu.memory_space<semaphore_mem>>) attributes {dimension_semantics = [#tpu.dimension_semantics<arbitrary>], iteration_bounds = array<i64: 784>, scalar_prefetch = 2 : i64, scratch_operands = 4 : i64, tpu.core_type = #tpu.core_type<tc>, window_params = [{transform_indices = @transform_0, window_bounds = array<i64: 128, 128>}, {transform_indices = @transform_1, window_bounds = array<i64: 128, 128>}, {pipeline_mode = #tpu.pipeline_mode<synchronous>, transform_indices = @transform_2, window_bounds = array<i64: 128, 128>}, {pipeline_mode = #tpu.pipeline_mode<synchronous>, transform_indices = @transform_3, window_bounds = array<i64: 1, 128>}, {pipeline_mode = #tpu.pipeline_mode<synchronous>, transform_indices = @transform_4, window_bounds = array<i64: 1, 128>}, {pipeline_mode = #tpu.pipeline_mode<synchronous>, transform_indices = @transform_5, window_bounds = array<i64: 1, 128>}, {pipeline_mode = #tpu.pipeline_mode<synchronous>, transform_indices = @transform_6, window_bounds = array<i64: 1, 128>}, {}, {}, {transform_indices = @transform_9, window_bounds = array<i64: 128, 128>}]} {
    %get3A = arith.index_cast %arg0 : i32 to index
    %get3A_0 = memref.load %arg1[%get3A] : memref<784xi32, #tpu.memory_space<smem>>
    %get3A_1 = arith.index_cast %arg0 : i32 to index
    %get3A_2 = memref.load %arg2[%get3A_1] : memref<784xi32, #tpu.memory_space<smem>>
    %mul3A = arith.constant 128 : i32
    %mul3A_3 = arith.muli %arg0, %mul3A : i32
    %iota3A = tpu.iota {dimensions = array<i32: 0>} : vector<128x1xi32>
    %add3A = vector.broadcast %mul3A_3 : i32 to vector<128x1xi32>
    %add3A_4 = arith.addi %add3A, %iota3A : vector<128x1xi32>
    %get3A_5 = arith.constant 0 : index
    %get3A_6 = arith.constant 0 : index
    %get3A_7 = vector.load %arg3[%get3A_5, %get3A_6] : memref<128x128xf32, #tpu.memory_space<vmem>>, vector<128x128xf32>
    %add3A_8 = arith.constant 8 : i32
    %add3A_9 = arith.addi %get3A_2, %add3A_8 : i32
    %sub3A = arith.constant 1 : i32
    %sub3A_10 = arith.subi %add3A_9, %sub3A : i32
    %jit3A = arith.constant 8 : i32
    %div3A = arith.divsi %sub3A_10, %jit3A : i32
    %sign3A = arith.constant 0 : i32
    %sign3A_11 = arith.cmpi sgt, %sub3A_10, %sign3A : i32
    %sign3A_12 = arith.extui %sign3A_11 : i1 to i32
    %sign3A_13 = arith.constant 0 : i32
    %sign3A_14 = arith.cmpi slt, %sub3A_10, %sign3A_13 : i32
    %sign3A_15 = arith.extui %sign3A_14 : i1 to i32
    %sign3A_16 = arith.subi %sign3A_12, %sign3A_15 : i32
    %sign3A_17 = arith.constant 0 : i32
    %sign3A_18 = arith.cmpi sgt, %jit3A, %sign3A_17 : i32
    %sign3A_19 = arith.extui %sign3A_18 : i1 to i32
    %sign3A_20 = arith.constant 0 : i32
    %sign3A_21 = arith.cmpi slt, %jit3A, %sign3A_20 : i32
    %sign3A_22 = arith.extui %sign3A_21 : i1 to i32
    %sign3A_23 = arith.subi %sign3A_19, %sign3A_22 : i32
    %ne3A = arith.cmpi ne, %sign3A_16, %sign3A_23 : i32
    %rem3A = arith.remsi %sub3A_10, %jit3A : i32
    %ne3A_24 = arith.constant 0 : i32
    %ne3A_25 = arith.cmpi ne, %rem3A, %ne3A_24 : i32
    %and3A = arith.andi %ne3A, %ne3A_25 : i1
    %sub3A_26 = arith.constant 1 : i32
    %sub3A_27 = arith.subi %div3A, %sub3A_26 : i32
    %select_n3A = arith.select %and3A, %sub3A_27, %div3A : i32
    %gt3A = arith.constant 0 : i32
    %gt3A_28 = arith.cmpi sgt, %select_n3A, %gt3A : i32
    %convert_element_type3A = arith.extui %gt3A_28 : i1 to i32
    %cond3A = arith.constant 0 : i32
    %cond3A_29 = arith.cmpi ne, %convert_element_type3A, %cond3A : i32
    scf.if %cond3A_29 {
      %add3A_117 = arith.constant 0 : i32
      %add3A_118 = arith.addi %get3A_0, %add3A_117 : i32
      %dma_start3A = arith.constant 0 : i32
      %dma_start3A_119 = arith.constant 0 : i32
      %dma_start3A_120 = tpu.memref_slice %arg14[%dma_start3A, %dma_start3A_119] : memref<16x128xi32, #tpu.memory_space<vmem>> -> memref<8x128xi32, #tpu.memory_space<vmem>>
      %dma_start3A_121 = arith.constant 0 : i32
      %dma_start3A_122 = tpu.memref_slice %arg10[%add3A_118, %dma_start3A_121] : memref<4416x128xi32, #tpu.memory_space<any>> -> memref<8x128xi32, #tpu.memory_space<any>>
      tpu.enqueue_dma source(%dma_start3A_122 : memref<8x128xi32, #tpu.memory_space<any>>) target(%dma_start3A_120 : memref<8x128xi32, #tpu.memory_space<vmem>>) target_semaphore(%arg16 : memref<!tpu.dma_semaphore, #tpu.memory_space<semaphore_mem>>)
      %mul3A_123 = arith.constant 128 : i32
      %mul3A_124 = arith.muli %add3A_118, %mul3A_123 : i32
      %dma_start3A_125 = arith.constant 0 : i32
      %dma_start3A_126 = arith.constant 0 : i32
      %dma_start3A_127 = tpu.memref_slice %arg13[%dma_start3A_125, %dma_start3A_126] : memref<2048x128xf32, #tpu.memory_space<vmem>> -> memref<1024x128xf32, #tpu.memory_space<vmem>>
      %dma_start3A_128 = arith.constant 0 : i32
      %dma_start3A_129 = tpu.memref_slice %arg11[%mul3A_124, %dma_start3A_128] : memref<565248x128xf32, #tpu.memory_space<any>> -> memref<1024x128xf32, #tpu.memory_space<any>>
      tpu.enqueue_dma source(%dma_start3A_129 : memref<1024x128xf32, #tpu.memory_space<any>>) target(%dma_start3A_127 : memref<1024x128xf32, #tpu.memory_space<vmem>>) target_semaphore(%arg15 : memref<!tpu.dma_semaphore, #tpu.memory_space<semaphore_mem>>)
    } else {
    }
    %while3A = arith.constant 0 : i32
    %while3A_30 = arith.subi %select_n3A, %while3A : i32
    %while3A_31 = arith.addi %while3A, %while3A_30 : i32
    %while3A_32 = arith.constant 1 : i32
    %while3A_33 = arith.divsi %while3A_30, %while3A_32 : i32
    %while3A_34 = arith.muli %while3A_33, %while3A_32 : i32
    %while3A_35 = arith.addi %while3A, %while3A_34 : i32
    %while3A_36 = arith.constant 1 : i32
    %while3A_37 = scf.for %while3A_117 = %while3A to %while3A_35 step %while3A_36 iter_args(%while3A_118 = %get3A_7) -> (vector<128x128xf32>)  : i32 {
      %mul3A_119 = arith.constant 8 : i32
      %mul3A_120 = arith.muli %while3A_117, %mul3A_119 : i32
      %add3A_121 = arith.addi %get3A_0, %mul3A_120 : i32
      %jit3A_122 = arith.constant 2 : i32
      %eq3A = arith.constant 0 : i32
      %eq3A_123 = arith.cmpi eq, %jit3A_122, %eq3A : i32
      %jit3A_124 = arith.constant 1 : i32
      %select_n3A_125 = arith.select %eq3A_123, %jit3A_124, %jit3A_122 : i32
      %rem3A_126 = arith.remsi %while3A_117, %select_n3A_125 : i32
      %ne3A_127 = arith.constant 0 : i32
      %ne3A_128 = arith.cmpi ne, %rem3A_126, %ne3A_127 : i32
      %lt3A = arith.constant 0 : i32
      %lt3A_129 = arith.cmpi slt, %rem3A_126, %lt3A : i32
      %lt3A_130 = arith.constant 0 : i32
      %lt3A_131 = arith.cmpi slt, %select_n3A_125, %lt3A_130 : i32
      %ne3A_132 = arith.xori %lt3A_129, %lt3A_131 : i1
      %and3A_133 = arith.andi %ne3A_132, %ne3A_128 : i1
      %add3A_134 = arith.addi %rem3A_126, %select_n3A_125 : i32
      %select_n3A_135 = arith.select %and3A_133, %add3A_134, %rem3A_126 : i32
      %mul3A_136 = arith.constant 8 : i32
      %mul3A_137 = arith.muli %select_n3A_135, %mul3A_136 : i32
      %dma_wait3A = arith.constant 0 : i32
      %dma_wait3A_138 = tpu.memref_slice %arg14[%mul3A_137, %dma_wait3A] : memref<16x128xi32, #tpu.memory_space<vmem>> -> memref<8x128xi32, #tpu.memory_space<vmem>>
      %dma_wait3A_139 = arith.constant 0 : i32
      %dma_wait3A_140 = tpu.memref_slice %arg10[%add3A_121, %dma_wait3A_139] : memref<4416x128xi32, #tpu.memory_space<any>> -> memref<8x128xi32, #tpu.memory_space<any>>
      tpu.wait_dma2 semaphore(%arg16 : memref<!tpu.dma_semaphore, #tpu.memory_space<semaphore_mem>>) src(%dma_wait3A_140 : memref<8x128xi32, #tpu.memory_space<any>>) dst(%dma_wait3A_138 : memref<8x128xi32, #tpu.memory_space<vmem>>)
      %mul3A_141 = arith.constant 128 : i32
      %mul3A_142 = arith.muli %add3A_121, %mul3A_141 : i32
      %jit3A_143 = arith.constant 2 : i32
      %eq3A_144 = arith.constant 0 : i32
      %eq3A_145 = arith.cmpi eq, %jit3A_143, %eq3A_144 : i32
      %jit3A_146 = arith.constant 1 : i32
      %select_n3A_147 = arith.select %eq3A_145, %jit3A_146, %jit3A_143 : i32
      %rem3A_148 = arith.remsi %while3A_117, %select_n3A_147 : i32
      %ne3A_149 = arith.constant 0 : i32
      %ne3A_150 = arith.cmpi ne, %rem3A_148, %ne3A_149 : i32
      %lt3A_151 = arith.constant 0 : i32
      %lt3A_152 = arith.cmpi slt, %rem3A_148, %lt3A_151 : i32
      %lt3A_153 = arith.constant 0 : i32
      %lt3A_154 = arith.cmpi slt, %select_n3A_147, %lt3A_153 : i32
      %ne3A_155 = arith.xori %lt3A_152, %lt3A_154 : i1
      %and3A_156 = arith.andi %ne3A_155, %ne3A_150 : i1
      %add3A_157 = arith.addi %rem3A_148, %select_n3A_147 : i32
      %select_n3A_158 = arith.select %and3A_156, %add3A_157, %rem3A_148 : i32
      %mul3A_159 = arith.constant 8 : i32
      %mul3A_160 = arith.muli %select_n3A_158, %mul3A_159 : i32
      %mul3A_161 = arith.constant 128 : i32
      %mul3A_162 = arith.muli %mul3A_160, %mul3A_161 : i32
      %dma_wait3A_163 = arith.constant 0 : i32
      %dma_wait3A_164 = tpu.memref_slice %arg13[%mul3A_162, %dma_wait3A_163] : memref<2048x128xf32, #tpu.memory_space<vmem>> -> memref<1024x128xf32, #tpu.memory_space<vmem>>
      %dma_wait3A_165 = arith.constant 0 : i32
      %dma_wait3A_166 = tpu.memref_slice %arg11[%mul3A_142, %dma_wait3A_165] : memref<565248x128xf32, #tpu.memory_space<any>> -> memref<1024x128xf32, #tpu.memory_space<any>>
      tpu.wait_dma2 semaphore(%arg15 : memref<!tpu.dma_semaphore, #tpu.memory_space<semaphore_mem>>) src(%dma_wait3A_166 : memref<1024x128xf32, #tpu.memory_space<any>>) dst(%dma_wait3A_164 : memref<1024x128xf32, #tpu.memory_space<vmem>>)
      %add3A_167 = arith.constant 1 : i32
      %add3A_168 = arith.addi %while3A_117, %add3A_167 : i32
      %lt3A_169 = arith.cmpi slt, %add3A_168, %select_n3A : i32
      %convert_element_type3A_170 = arith.extui %lt3A_169 : i1 to i32
      %cond3A_171 = arith.constant 0 : i32
      %cond3A_172 = arith.cmpi ne, %convert_element_type3A_170, %cond3A_171 : i32
      scf.if %cond3A_172 {
        %add3A_621 = arith.constant 1 : i32
        %add3A_622 = arith.addi %while3A_117, %add3A_621 : i32
        %mul3A_623 = arith.constant 8 : i32
        %mul3A_624 = arith.muli %add3A_622, %mul3A_623 : i32
        %add3A_625 = arith.addi %get3A_0, %mul3A_624 : i32
        %jit3A_626 = arith.constant 2 : i32
        %eq3A_627 = arith.constant 0 : i32
        %eq3A_628 = arith.cmpi eq, %jit3A_626, %eq3A_627 : i32
        %jit3A_629 = arith.constant 1 : i32
        %select_n3A_630 = arith.select %eq3A_628, %jit3A_629, %jit3A_626 : i32
        %rem3A_631 = arith.remsi %add3A_622, %select_n3A_630 : i32
        %ne3A_632 = arith.constant 0 : i32
        %ne3A_633 = arith.cmpi ne, %rem3A_631, %ne3A_632 : i32
        %lt3A_634 = arith.constant 0 : i32
        %lt3A_635 = arith.cmpi slt, %rem3A_631, %lt3A_634 : i32
        %lt3A_636 = arith.constant 0 : i32
        %lt3A_637 = arith.cmpi slt, %select_n3A_630, %lt3A_636 : i32
        %ne3A_638 = arith.xori %lt3A_635, %lt3A_637 : i1
        %and3A_639 = arith.andi %ne3A_638, %ne3A_633 : i1
        %add3A_640 = arith.addi %rem3A_631, %select_n3A_630 : i32
        %select_n3A_641 = arith.select %and3A_639, %add3A_640, %rem3A_631 : i32
        %mul3A_642 = arith.constant 8 : i32
        %mul3A_643 = arith.muli %select_n3A_641, %mul3A_642 : i32
        %dma_start3A = arith.constant 0 : i32
        %dma_start3A_644 = tpu.memref_slice %arg14[%mul3A_643, %dma_start3A] : memref<16x128xi32, #tpu.memory_space<vmem>> -> memref<8x128xi32, #tpu.memory_space<vmem>>
        %dma_start3A_645 = arith.constant 0 : i32
        %dma_start3A_646 = tpu.memref_slice %arg10[%add3A_625, %dma_start3A_645] : memref<4416x128xi32, #tpu.memory_space<any>> -> memref<8x128xi32, #tpu.memory_space<any>>
        tpu.enqueue_dma source(%dma_start3A_646 : memref<8x128xi32, #tpu.memory_space<any>>) target(%dma_start3A_644 : memref<8x128xi32, #tpu.memory_space<vmem>>) target_semaphore(%arg16 : memref<!tpu.dma_semaphore, #tpu.memory_space<semaphore_mem>>)
        %mul3A_647 = arith.constant 128 : i32
        %mul3A_648 = arith.muli %add3A_625, %mul3A_647 : i32
        %jit3A_649 = arith.constant 2 : i32
        %eq3A_650 = arith.constant 0 : i32
        %eq3A_651 = arith.cmpi eq, %jit3A_649, %eq3A_650 : i32
        %jit3A_652 = arith.constant 1 : i32
        %select_n3A_653 = arith.select %eq3A_651, %jit3A_652, %jit3A_649 : i32
        %rem3A_654 = arith.remsi %add3A_622, %select_n3A_653 : i32
        %ne3A_655 = arith.constant 0 : i32
        %ne3A_656 = arith.cmpi ne, %rem3A_654, %ne3A_655 : i32
        %lt3A_657 = arith.constant 0 : i32
        %lt3A_658 = arith.cmpi slt, %rem3A_654, %lt3A_657 : i32
        %lt3A_659 = arith.constant 0 : i32
        %lt3A_660 = arith.cmpi slt, %select_n3A_653, %lt3A_659 : i32
        %ne3A_661 = arith.xori %lt3A_658, %lt3A_660 : i1
        %and3A_662 = arith.andi %ne3A_661, %ne3A_656 : i1
        %add3A_663 = arith.addi %rem3A_654, %select_n3A_653 : i32
        %select_n3A_664 = arith.select %and3A_662, %add3A_663, %rem3A_654 : i32
        %mul3A_665 = arith.constant 8 : i32
        %mul3A_666 = arith.muli %select_n3A_664, %mul3A_665 : i32
        %mul3A_667 = arith.constant 128 : i32
        %mul3A_668 = arith.muli %mul3A_666, %mul3A_667 : i32
        %dma_start3A_669 = arith.constant 0 : i32
        %dma_start3A_670 = tpu.memref_slice %arg13[%mul3A_668, %dma_start3A_669] : memref<2048x128xf32, #tpu.memory_space<vmem>> -> memref<1024x128xf32, #tpu.memory_space<vmem>>
        %dma_start3A_671 = arith.constant 0 : i32
        %dma_start3A_672 = tpu.memref_slice %arg11[%mul3A_648, %dma_start3A_671] : memref<565248x128xf32, #tpu.memory_space<any>> -> memref<1024x128xf32, #tpu.memory_space<any>>
        tpu.enqueue_dma source(%dma_start3A_672 : memref<1024x128xf32, #tpu.memory_space<any>>) target(%dma_start3A_670 : memref<1024x128xf32, #tpu.memory_space<vmem>>) target_semaphore(%arg15 : memref<!tpu.dma_semaphore, #tpu.memory_space<semaphore_mem>>)
      } else {
      }
      %jit3A_173 = arith.constant 2 : i32
      %eq3A_174 = arith.constant 0 : i32
      %eq3A_175 = arith.cmpi eq, %jit3A_173, %eq3A_174 : i32
      %jit3A_176 = arith.constant 1 : i32
      %select_n3A_177 = arith.select %eq3A_175, %jit3A_176, %jit3A_173 : i32
      %rem3A_178 = arith.remsi %while3A_117, %select_n3A_177 : i32
      %ne3A_179 = arith.constant 0 : i32
      %ne3A_180 = arith.cmpi ne, %rem3A_178, %ne3A_179 : i32
      %lt3A_181 = arith.constant 0 : i32
      %lt3A_182 = arith.cmpi slt, %rem3A_178, %lt3A_181 : i32
      %lt3A_183 = arith.constant 0 : i32
      %lt3A_184 = arith.cmpi slt, %select_n3A_177, %lt3A_183 : i32
      %ne3A_185 = arith.xori %lt3A_182, %lt3A_184 : i1
      %and3A_186 = arith.andi %ne3A_185, %ne3A_180 : i1
      %add3A_187 = arith.addi %rem3A_178, %select_n3A_177 : i32
      %select_n3A_188 = arith.select %and3A_186, %add3A_187, %rem3A_178 : i32
      %mul3A_189 = arith.constant 8 : i32
      %mul3A_190 = arith.muli %select_n3A_188, %mul3A_189 : i32
      %add3A_191 = arith.constant 0 : i32
      %add3A_192 = arith.addi %mul3A_190, %add3A_191 : i32
      %get3A_193 = arith.index_cast %add3A_192 : i32 to index
      %get3A_194 = arith.constant 0 : index
      %get3A_195 = vector.load %arg14[%get3A_193, %get3A_194] : memref<16x128xi32, #tpu.memory_space<vmem>>, vector<1x128xi32>
      %eq3A_196 = vector.broadcast %get3A_195 : vector<1x128xi32> to vector<128x128xi32>
      %eq3A_197 = vector.broadcast %add3A_4 : vector<128x1xi32> to vector<128x128xi32>
      %eq3A_198 = arith.cmpi eq, %eq3A_196, %eq3A_197 : vector<128x128xi32>
      %convert_element_type3A_199 = arith.extui %eq3A_198 : vector<128x128xi1> to vector<128x128xi32>
      %convert_element_type3A_200 = arith.sitofp %convert_element_type3A_199 : vector<128x128xi32> to vector<128x128xf32>
      %jit3A_201 = arith.constant 2 : i32
      %eq3A_202 = arith.constant 0 : i32
      %eq3A_203 = arith.cmpi eq, %jit3A_201, %eq3A_202 : i32
      %jit3A_204 = arith.constant 1 : i32
      %select_n3A_205 = arith.select %eq3A_203, %jit3A_204, %jit3A_201 : i32
      %rem3A_206 = arith.remsi %while3A_117, %select_n3A_205 : i32
      %ne3A_207 = arith.constant 0 : i32
      %ne3A_208 = arith.cmpi ne, %rem3A_206, %ne3A_207 : i32
      %lt3A_209 = arith.constant 0 : i32
      %lt3A_210 = arith.cmpi slt, %rem3A_206, %lt3A_209 : i32
      %lt3A_211 = arith.constant 0 : i32
      %lt3A_212 = arith.cmpi slt, %select_n3A_205, %lt3A_211 : i32
      %ne3A_213 = arith.xori %lt3A_210, %lt3A_212 : i1
      %and3A_214 = arith.andi %ne3A_213, %ne3A_208 : i1
      %add3A_215 = arith.addi %rem3A_206, %select_n3A_205 : i32
      %select_n3A_216 = arith.select %and3A_214, %add3A_215, %rem3A_206 : i32
      %mul3A_217 = arith.constant 8 : i32
      %mul3A_218 = arith.muli %select_n3A_216, %mul3A_217 : i32
      %add3A_219 = arith.constant 0 : i32
      %add3A_220 = arith.addi %mul3A_218, %add3A_219 : i32
      %mul3A_221 = arith.constant 128 : i32
      %mul3A_222 = arith.muli %add3A_220, %mul3A_221 : i32
      %get3A_223 = arith.index_cast %mul3A_222 : i32 to index
      %get3A_224 = arith.constant 0 : index
      %get3A_225 = vector.load %arg13[%get3A_223, %get3A_224] : memref<2048x128xf32, #tpu.memory_space<vmem>>, vector<128x128xf32>
      %dot_general3A_226 = arith.constant dense<0.000000e+00> : vector<128x128xf32>
      %dot_general3A_227 = tpu.matmul %convert_element_type3A_200, %get3A_225, %dot_general3A_226 {dimension_numbers = #tpu.dot_dimension_numbers<[1], [0], [0], [1], [0, 0, 1, 1], [], []>, transpose_lhs_hint = false} : vector<128x128xf32>, vector<128x128xf32>, vector<128x128xf32> -> vector<128x128xf32>
      %add3A_228 = arith.addf %while3A_118, %dot_general3A_227 : vector<128x128xf32>
      %jit3A_229 = arith.constant 2 : i32
      %eq3A_230 = arith.constant 0 : i32
      %eq3A_231 = arith.cmpi eq, %jit3A_229, %eq3A_230 : i32
      %jit3A_232 = arith.constant 1 : i32
      %select_n3A_233 = arith.select %eq3A_231, %jit3A_232, %jit3A_229 : i32
      %rem3A_234 = arith.remsi %while3A_117, %select_n3A_233 : i32
      %ne3A_235 = arith.constant 0 : i32
      %ne3A_236 = arith.cmpi ne, %rem3A_234, %ne3A_235 : i32
      %lt3A_237 = arith.constant 0 : i32
      %lt3A_238 = arith.cmpi slt, %rem3A_234, %lt3A_237 : i32
      %lt3A_239 = arith.constant 0 : i32
      %lt3A_240 = arith.cmpi slt, %select_n3A_233, %lt3A_239 : i32
      %ne3A_241 = arith.xori %lt3A_238, %lt3A_240 : i1
      %and3A_242 = arith.andi %ne3A_241, %ne3A_236 : i1
      %add3A_243 = arith.addi %rem3A_234, %select_n3A_233 : i32
      %select_n3A_244 = arith.select %and3A_242, %add3A_243, %rem3A_234 : i32
      %mul3A_245 = arith.constant 8 : i32
      %mul3A_246 = arith.muli %select_n3A_244, %mul3A_245 : i32
      %add3A_247 = arith.constant 1 : i32
      %add3A_248 = arith.addi %mul3A_246, %add3A_247 : i32
      %get3A_249 = arith.index_cast %add3A_248 : i32 to index
      %get3A_250 = arith.constant 0 : index
      %get3A_251 = vector.load %arg14[%get3A_249, %get3A_250] : memref<16x128xi32, #tpu.memory_space<vmem>>, vector<1x128xi32>
      %eq3A_252 = vector.broadcast %get3A_251 : vector<1x128xi32> to vector<128x128xi32>
      %eq3A_253 = vector.broadcast %add3A_4 : vector<128x1xi32> to vector<128x128xi32>
      %eq3A_254 = arith.cmpi eq, %eq3A_252, %eq3A_253 : vector<128x128xi32>
      %convert_element_type3A_255 = arith.extui %eq3A_254 : vector<128x128xi1> to vector<128x128xi32>
      %convert_element_type3A_256 = arith.sitofp %convert_element_type3A_255 : vector<128x128xi32> to vector<128x128xf32>
      %jit3A_257 = arith.constant 2 : i32
      %eq3A_258 = arith.constant 0 : i32
      %eq3A_259 = arith.cmpi eq, %jit3A_257, %eq3A_258 : i32
      %jit3A_260 = arith.constant 1 : i32
      %select_n3A_261 = arith.select %eq3A_259, %jit3A_260, %jit3A_257 : i32
      %rem3A_262 = arith.remsi %while3A_117, %select_n3A_261 : i32
      %ne3A_263 = arith.constant 0 : i32
      %ne3A_264 = arith.cmpi ne, %rem3A_262, %ne3A_263 : i32
      %lt3A_265 = arith.constant 0 : i32
      %lt3A_266 = arith.cmpi slt, %rem3A_262, %lt3A_265 : i32
      %lt3A_267 = arith.constant 0 : i32
      %lt3A_268 = arith.cmpi slt, %select_n3A_261, %lt3A_267 : i32
      %ne3A_269 = arith.xori %lt3A_266, %lt3A_268 : i1
      %and3A_270 = arith.andi %ne3A_269, %ne3A_264 : i1
      %add3A_271 = arith.addi %rem3A_262, %select_n3A_261 : i32
      %select_n3A_272 = arith.select %and3A_270, %add3A_271, %rem3A_262 : i32
      %mul3A_273 = arith.constant 8 : i32
      %mul3A_274 = arith.muli %select_n3A_272, %mul3A_273 : i32
      %add3A_275 = arith.constant 1 : i32
      %add3A_276 = arith.addi %mul3A_274, %add3A_275 : i32
      %mul3A_277 = arith.constant 128 : i32
      %mul3A_278 = arith.muli %add3A_276, %mul3A_277 : i32
      %get3A_279 = arith.index_cast %mul3A_278 : i32 to index
      %get3A_280 = arith.constant 0 : index
      %get3A_281 = vector.load %arg13[%get3A_279, %get3A_280] : memref<2048x128xf32, #tpu.memory_space<vmem>>, vector<128x128xf32>
      %dot_general3A_282 = arith.constant dense<0.000000e+00> : vector<128x128xf32>
      %dot_general3A_283 = tpu.matmul %convert_element_type3A_256, %get3A_281, %dot_general3A_282 {dimension_numbers = #tpu.dot_dimension_numbers<[1], [0], [0], [1], [0, 0, 1, 1], [], []>, transpose_lhs_hint = false} : vector<128x128xf32>, vector<128x128xf32>, vector<128x128xf32> -> vector<128x128xf32>
      %add3A_284 = arith.addf %add3A_228, %dot_general3A_283 : vector<128x128xf32>
      %jit3A_285 = arith.constant 2 : i32
      %eq3A_286 = arith.constant 0 : i32
      %eq3A_287 = arith.cmpi eq, %jit3A_285, %eq3A_286 : i32
      %jit3A_288 = arith.constant 1 : i32
      %select_n3A_289 = arith.select %eq3A_287, %jit3A_288, %jit3A_285 : i32
      %rem3A_290 = arith.remsi %while3A_117, %select_n3A_289 : i32
      %ne3A_291 = arith.constant 0 : i32
      %ne3A_292 = arith.cmpi ne, %rem3A_290, %ne3A_291 : i32
      %lt3A_293 = arith.constant 0 : i32
      %lt3A_294 = arith.cmpi slt, %rem3A_290, %lt3A_293 : i32
      %lt3A_295 = arith.constant 0 : i32
      %lt3A_296 = arith.cmpi slt, %select_n3A_289, %lt3A_295 : i32
      %ne3A_297 = arith.xori %lt3A_294, %lt3A_296 : i1
      %and3A_298 = arith.andi %ne3A_297, %ne3A_292 : i1
      %add3A_299 = arith.addi %rem3A_290, %select_n3A_289 : i32
      %select_n3A_300 = arith.select %and3A_298, %add3A_299, %rem3A_290 : i32
      %mul3A_301 = arith.constant 8 : i32
      %mul3A_302 = arith.muli %select_n3A_300, %mul3A_301 : i32
      %add3A_303 = arith.constant 2 : i32
      %add3A_304 = arith.addi %mul3A_302, %add3A_303 : i32
      %get3A_305 = arith.index_cast %add3A_304 : i32 to index
      %get3A_306 = arith.constant 0 : index
      %get3A_307 = vector.load %arg14[%get3A_305, %get3A_306] : memref<16x128xi32, #tpu.memory_space<vmem>>, vector<1x128xi32>
      %eq3A_308 = vector.broadcast %get3A_307 : vector<1x128xi32> to vector<128x128xi32>
      %eq3A_309 = vector.broadcast %add3A_4 : vector<128x1xi32> to vector<128x128xi32>
      %eq3A_310 = arith.cmpi eq, %eq3A_308, %eq3A_309 : vector<128x128xi32>
      %convert_element_type3A_311 = arith.extui %eq3A_310 : vector<128x128xi1> to vector<128x128xi32>
      %convert_element_type3A_312 = arith.sitofp %convert_element_type3A_311 : vector<128x128xi32> to vector<128x128xf32>
      %jit3A_313 = arith.constant 2 : i32
      %eq3A_314 = arith.constant 0 : i32
      %eq3A_315 = arith.cmpi eq, %jit3A_313, %eq3A_314 : i32
      %jit3A_316 = arith.constant 1 : i32
      %select_n3A_317 = arith.select %eq3A_315, %jit3A_316, %jit3A_313 : i32
      %rem3A_318 = arith.remsi %while3A_117, %select_n3A_317 : i32
      %ne3A_319 = arith.constant 0 : i32
      %ne3A_320 = arith.cmpi ne, %rem3A_318, %ne3A_319 : i32
      %lt3A_321 = arith.constant 0 : i32
      %lt3A_322 = arith.cmpi slt, %rem3A_318, %lt3A_321 : i32
      %lt3A_323 = arith.constant 0 : i32
      %lt3A_324 = arith.cmpi slt, %select_n3A_317, %lt3A_323 : i32
      %ne3A_325 = arith.xori %lt3A_322, %lt3A_324 : i1
      %and3A_326 = arith.andi %ne3A_325, %ne3A_320 : i1
      %add3A_327 = arith.addi %rem3A_318, %select_n3A_317 : i32
      %select_n3A_328 = arith.select %and3A_326, %add3A_327, %rem3A_318 : i32
      %mul3A_329 = arith.constant 8 : i32
      %mul3A_330 = arith.muli %select_n3A_328, %mul3A_329 : i32
      %add3A_331 = arith.constant 2 : i32
      %add3A_332 = arith.addi %mul3A_330, %add3A_331 : i32
      %mul3A_333 = arith.constant 128 : i32
      %mul3A_334 = arith.muli %add3A_332, %mul3A_333 : i32
      %get3A_335 = arith.index_cast %mul3A_334 : i32 to index
      %get3A_336 = arith.constant 0 : index
      %get3A_337 = vector.load %arg13[%get3A_335, %get3A_336] : memref<2048x128xf32, #tpu.memory_space<vmem>>, vector<128x128xf32>
      %dot_general3A_338 = arith.constant dense<0.000000e+00> : vector<128x128xf32>
      %dot_general3A_339 = tpu.matmul %convert_element_type3A_312, %get3A_337, %dot_general3A_338 {dimension_numbers = #tpu.dot_dimension_numbers<[1], [0], [0], [1], [0, 0, 1, 1], [], []>, transpose_lhs_hint = false} : vector<128x128xf32>, vector<128x128xf32>, vector<128x128xf32> -> vector<128x128xf32>
      %add3A_340 = arith.addf %add3A_284, %dot_general3A_339 : vector<128x128xf32>
      %jit3A_341 = arith.constant 2 : i32
      %eq3A_342 = arith.constant 0 : i32
      %eq3A_343 = arith.cmpi eq, %jit3A_341, %eq3A_342 : i32
      %jit3A_344 = arith.constant 1 : i32
      %select_n3A_345 = arith.select %eq3A_343, %jit3A_344, %jit3A_341 : i32
      %rem3A_346 = arith.remsi %while3A_117, %select_n3A_345 : i32
      %ne3A_347 = arith.constant 0 : i32
      %ne3A_348 = arith.cmpi ne, %rem3A_346, %ne3A_347 : i32
      %lt3A_349 = arith.constant 0 : i32
      %lt3A_350 = arith.cmpi slt, %rem3A_346, %lt3A_349 : i32
      %lt3A_351 = arith.constant 0 : i32
      %lt3A_352 = arith.cmpi slt, %select_n3A_345, %lt3A_351 : i32
      %ne3A_353 = arith.xori %lt3A_350, %lt3A_352 : i1
      %and3A_354 = arith.andi %ne3A_353, %ne3A_348 : i1
      %add3A_355 = arith.addi %rem3A_346, %select_n3A_345 : i32
      %select_n3A_356 = arith.select %and3A_354, %add3A_355, %rem3A_346 : i32
      %mul3A_357 = arith.constant 8 : i32
      %mul3A_358 = arith.muli %select_n3A_356, %mul3A_357 : i32
      %add3A_359 = arith.constant 3 : i32
      %add3A_360 = arith.addi %mul3A_358, %add3A_359 : i32
      %get3A_361 = arith.index_cast %add3A_360 : i32 to index
      %get3A_362 = arith.constant 0 : index
      %get3A_363 = vector.load %arg14[%get3A_361, %get3A_362] : memref<16x128xi32, #tpu.memory_space<vmem>>, vector<1x128xi32>
      %eq3A_364 = vector.broadcast %get3A_363 : vector<1x128xi32> to vector<128x128xi32>
      %eq3A_365 = vector.broadcast %add3A_4 : vector<128x1xi32> to vector<128x128xi32>
      %eq3A_366 = arith.cmpi eq, %eq3A_364, %eq3A_365 : vector<128x128xi32>
      %convert_element_type3A_367 = arith.extui %eq3A_366 : vector<128x128xi1> to vector<128x128xi32>
      %convert_element_type3A_368 = arith.sitofp %convert_element_type3A_367 : vector<128x128xi32> to vector<128x128xf32>
      %jit3A_369 = arith.constant 2 : i32
      %eq3A_370 = arith.constant 0 : i32
      %eq3A_371 = arith.cmpi eq, %jit3A_369, %eq3A_370 : i32
      %jit3A_372 = arith.constant 1 : i32
      %select_n3A_373 = arith.select %eq3A_371, %jit3A_372, %jit3A_369 : i32
      %rem3A_374 = arith.remsi %while3A_117, %select_n3A_373 : i32
      %ne3A_375 = arith.constant 0 : i32
      %ne3A_376 = arith.cmpi ne, %rem3A_374, %ne3A_375 : i32
      %lt3A_377 = arith.constant 0 : i32
      %lt3A_378 = arith.cmpi slt, %rem3A_374, %lt3A_377 : i32
      %lt3A_379 = arith.constant 0 : i32
      %lt3A_380 = arith.cmpi slt, %select_n3A_373, %lt3A_379 : i32
      %ne3A_381 = arith.xori %lt3A_378, %lt3A_380 : i1
      %and3A_382 = arith.andi %ne3A_381, %ne3A_376 : i1
      %add3A_383 = arith.addi %rem3A_374, %select_n3A_373 : i32
      %select_n3A_384 = arith.select %and3A_382, %add3A_383, %rem3A_374 : i32
      %mul3A_385 = arith.constant 8 : i32
      %mul3A_386 = arith.muli %select_n3A_384, %mul3A_385 : i32
      %add3A_387 = arith.constant 3 : i32
      %add3A_388 = arith.addi %mul3A_386, %add3A_387 : i32
      %mul3A_389 = arith.constant 128 : i32
      %mul3A_390 = arith.muli %add3A_388, %mul3A_389 : i32
      %get3A_391 = arith.index_cast %mul3A_390 : i32 to index
      %get3A_392 = arith.constant 0 : index
      %get3A_393 = vector.load %arg13[%get3A_391, %get3A_392] : memref<2048x128xf32, #tpu.memory_space<vmem>>, vector<128x128xf32>
      %dot_general3A_394 = arith.constant dense<0.000000e+00> : vector<128x128xf32>
      %dot_general3A_395 = tpu.matmul %convert_element_type3A_368, %get3A_393, %dot_general3A_394 {dimension_numbers = #tpu.dot_dimension_numbers<[1], [0], [0], [1], [0, 0, 1, 1], [], []>, transpose_lhs_hint = false} : vector<128x128xf32>, vector<128x128xf32>, vector<128x128xf32> -> vector<128x128xf32>
      %add3A_396 = arith.addf %add3A_340, %dot_general3A_395 : vector<128x128xf32>
      %jit3A_397 = arith.constant 2 : i32
      %eq3A_398 = arith.constant 0 : i32
      %eq3A_399 = arith.cmpi eq, %jit3A_397, %eq3A_398 : i32
      %jit3A_400 = arith.constant 1 : i32
      %select_n3A_401 = arith.select %eq3A_399, %jit3A_400, %jit3A_397 : i32
      %rem3A_402 = arith.remsi %while3A_117, %select_n3A_401 : i32
      %ne3A_403 = arith.constant 0 : i32
      %ne3A_404 = arith.cmpi ne, %rem3A_402, %ne3A_403 : i32
      %lt3A_405 = arith.constant 0 : i32
      %lt3A_406 = arith.cmpi slt, %rem3A_402, %lt3A_405 : i32
      %lt3A_407 = arith.constant 0 : i32
      %lt3A_408 = arith.cmpi slt, %select_n3A_401, %lt3A_407 : i32
      %ne3A_409 = arith.xori %lt3A_406, %lt3A_408 : i1
      %and3A_410 = arith.andi %ne3A_409, %ne3A_404 : i1
      %add3A_411 = arith.addi %rem3A_402, %select_n3A_401 : i32
      %select_n3A_412 = arith.select %and3A_410, %add3A_411, %rem3A_402 : i32
      %mul3A_413 = arith.constant 8 : i32
      %mul3A_414 = arith.muli %select_n3A_412, %mul3A_413 : i32
      %add3A_415 = arith.constant 4 : i32
      %add3A_416 = arith.addi %mul3A_414, %add3A_415 : i32
      %get3A_417 = arith.index_cast %add3A_416 : i32 to index
      %get3A_418 = arith.constant 0 : index
      %get3A_419 = vector.load %arg14[%get3A_417, %get3A_418] : memref<16x128xi32, #tpu.memory_space<vmem>>, vector<1x128xi32>
      %eq3A_420 = vector.broadcast %get3A_419 : vector<1x128xi32> to vector<128x128xi32>
      %eq3A_421 = vector.broadcast %add3A_4 : vector<128x1xi32> to vector<128x128xi32>
      %eq3A_422 = arith.cmpi eq, %eq3A_420, %eq3A_421 : vector<128x128xi32>
      %convert_element_type3A_423 = arith.extui %eq3A_422 : vector<128x128xi1> to vector<128x128xi32>
      %convert_element_type3A_424 = arith.sitofp %convert_element_type3A_423 : vector<128x128xi32> to vector<128x128xf32>
      %jit3A_425 = arith.constant 2 : i32
      %eq3A_426 = arith.constant 0 : i32
      %eq3A_427 = arith.cmpi eq, %jit3A_425, %eq3A_426 : i32
      %jit3A_428 = arith.constant 1 : i32
      %select_n3A_429 = arith.select %eq3A_427, %jit3A_428, %jit3A_425 : i32
      %rem3A_430 = arith.remsi %while3A_117, %select_n3A_429 : i32
      %ne3A_431 = arith.constant 0 : i32
      %ne3A_432 = arith.cmpi ne, %rem3A_430, %ne3A_431 : i32
      %lt3A_433 = arith.constant 0 : i32
      %lt3A_434 = arith.cmpi slt, %rem3A_430, %lt3A_433 : i32
      %lt3A_435 = arith.constant 0 : i32
      %lt3A_436 = arith.cmpi slt, %select_n3A_429, %lt3A_435 : i32
      %ne3A_437 = arith.xori %lt3A_434, %lt3A_436 : i1
      %and3A_438 = arith.andi %ne3A_437, %ne3A_432 : i1
      %add3A_439 = arith.addi %rem3A_430, %select_n3A_429 : i32
      %select_n3A_440 = arith.select %and3A_438, %add3A_439, %rem3A_430 : i32
      %mul3A_441 = arith.constant 8 : i32
      %mul3A_442 = arith.muli %select_n3A_440, %mul3A_441 : i32
      %add3A_443 = arith.constant 4 : i32
      %add3A_444 = arith.addi %mul3A_442, %add3A_443 : i32
      %mul3A_445 = arith.constant 128 : i32
      %mul3A_446 = arith.muli %add3A_444, %mul3A_445 : i32
      %get3A_447 = arith.index_cast %mul3A_446 : i32 to index
      %get3A_448 = arith.constant 0 : index
      %get3A_449 = vector.load %arg13[%get3A_447, %get3A_448] : memref<2048x128xf32, #tpu.memory_space<vmem>>, vector<128x128xf32>
      %dot_general3A_450 = arith.constant dense<0.000000e+00> : vector<128x128xf32>
      %dot_general3A_451 = tpu.matmul %convert_element_type3A_424, %get3A_449, %dot_general3A_450 {dimension_numbers = #tpu.dot_dimension_numbers<[1], [0], [0], [1], [0, 0, 1, 1], [], []>, transpose_lhs_hint = false} : vector<128x128xf32>, vector<128x128xf32>, vector<128x128xf32> -> vector<128x128xf32>
      %add3A_452 = arith.addf %add3A_396, %dot_general3A_451 : vector<128x128xf32>
      %jit3A_453 = arith.constant 2 : i32
      %eq3A_454 = arith.constant 0 : i32
      %eq3A_455 = arith.cmpi eq, %jit3A_453, %eq3A_454 : i32
      %jit3A_456 = arith.constant 1 : i32
      %select_n3A_457 = arith.select %eq3A_455, %jit3A_456, %jit3A_453 : i32
      %rem3A_458 = arith.remsi %while3A_117, %select_n3A_457 : i32
      %ne3A_459 = arith.constant 0 : i32
      %ne3A_460 = arith.cmpi ne, %rem3A_458, %ne3A_459 : i32
      %lt3A_461 = arith.constant 0 : i32
      %lt3A_462 = arith.cmpi slt, %rem3A_458, %lt3A_461 : i32
      %lt3A_463 = arith.constant 0 : i32
      %lt3A_464 = arith.cmpi slt, %select_n3A_457, %lt3A_463 : i32
      %ne3A_465 = arith.xori %lt3A_462, %lt3A_464 : i1
      %and3A_466 = arith.andi %ne3A_465, %ne3A_460 : i1
      %add3A_467 = arith.addi %rem3A_458, %select_n3A_457 : i32
      %select_n3A_468 = arith.select %and3A_466, %add3A_467, %rem3A_458 : i32
      %mul3A_469 = arith.constant 8 : i32
      %mul3A_470 = arith.muli %select_n3A_468, %mul3A_469 : i32
      %add3A_471 = arith.constant 5 : i32
      %add3A_472 = arith.addi %mul3A_470, %add3A_471 : i32
      %get3A_473 = arith.index_cast %add3A_472 : i32 to index
      %get3A_474 = arith.constant 0 : index
      %get3A_475 = vector.load %arg14[%get3A_473, %get3A_474] : memref<16x128xi32, #tpu.memory_space<vmem>>, vector<1x128xi32>
      %eq3A_476 = vector.broadcast %get3A_475 : vector<1x128xi32> to vector<128x128xi32>
      %eq3A_477 = vector.broadcast %add3A_4 : vector<128x1xi32> to vector<128x128xi32>
      %eq3A_478 = arith.cmpi eq, %eq3A_476, %eq3A_477 : vector<128x128xi32>
      %convert_element_type3A_479 = arith.extui %eq3A_478 : vector<128x128xi1> to vector<128x128xi32>
      %convert_element_type3A_480 = arith.sitofp %convert_element_type3A_479 : vector<128x128xi32> to vector<128x128xf32>
      %jit3A_481 = arith.constant 2 : i32
      %eq3A_482 = arith.constant 0 : i32
      %eq3A_483 = arith.cmpi eq, %jit3A_481, %eq3A_482 : i32
      %jit3A_484 = arith.constant 1 : i32
      %select_n3A_485 = arith.select %eq3A_483, %jit3A_484, %jit3A_481 : i32
      %rem3A_486 = arith.remsi %while3A_117, %select_n3A_485 : i32
      %ne3A_487 = arith.constant 0 : i32
      %ne3A_488 = arith.cmpi ne, %rem3A_486, %ne3A_487 : i32
      %lt3A_489 = arith.constant 0 : i32
      %lt3A_490 = arith.cmpi slt, %rem3A_486, %lt3A_489 : i32
      %lt3A_491 = arith.constant 0 : i32
      %lt3A_492 = arith.cmpi slt, %select_n3A_485, %lt3A_491 : i32
      %ne3A_493 = arith.xori %lt3A_490, %lt3A_492 : i1
      %and3A_494 = arith.andi %ne3A_493, %ne3A_488 : i1
      %add3A_495 = arith.addi %rem3A_486, %select_n3A_485 : i32
      %select_n3A_496 = arith.select %and3A_494, %add3A_495, %rem3A_486 : i32
      %mul3A_497 = arith.constant 8 : i32
      %mul3A_498 = arith.muli %select_n3A_496, %mul3A_497 : i32
      %add3A_499 = arith.constant 5 : i32
      %add3A_500 = arith.addi %mul3A_498, %add3A_499 : i32
      %mul3A_501 = arith.constant 128 : i32
      %mul3A_502 = arith.muli %add3A_500, %mul3A_501 : i32
      %get3A_503 = arith.index_cast %mul3A_502 : i32 to index
      %get3A_504 = arith.constant 0 : index
      %get3A_505 = vector.load %arg13[%get3A_503, %get3A_504] : memref<2048x128xf32, #tpu.memory_space<vmem>>, vector<128x128xf32>
      %dot_general3A_506 = arith.constant dense<0.000000e+00> : vector<128x128xf32>
      %dot_general3A_507 = tpu.matmul %convert_element_type3A_480, %get3A_505, %dot_general3A_506 {dimension_numbers = #tpu.dot_dimension_numbers<[1], [0], [0], [1], [0, 0, 1, 1], [], []>, transpose_lhs_hint = false} : vector<128x128xf32>, vector<128x128xf32>, vector<128x128xf32> -> vector<128x128xf32>
      %add3A_508 = arith.addf %add3A_452, %dot_general3A_507 : vector<128x128xf32>
      %jit3A_509 = arith.constant 2 : i32
      %eq3A_510 = arith.constant 0 : i32
      %eq3A_511 = arith.cmpi eq, %jit3A_509, %eq3A_510 : i32
      %jit3A_512 = arith.constant 1 : i32
      %select_n3A_513 = arith.select %eq3A_511, %jit3A_512, %jit3A_509 : i32
      %rem3A_514 = arith.remsi %while3A_117, %select_n3A_513 : i32
      %ne3A_515 = arith.constant 0 : i32
      %ne3A_516 = arith.cmpi ne, %rem3A_514, %ne3A_515 : i32
      %lt3A_517 = arith.constant 0 : i32
      %lt3A_518 = arith.cmpi slt, %rem3A_514, %lt3A_517 : i32
      %lt3A_519 = arith.constant 0 : i32
      %lt3A_520 = arith.cmpi slt, %select_n3A_513, %lt3A_519 : i32
      %ne3A_521 = arith.xori %lt3A_518, %lt3A_520 : i1
      %and3A_522 = arith.andi %ne3A_521, %ne3A_516 : i1
      %add3A_523 = arith.addi %rem3A_514, %select_n3A_513 : i32
      %select_n3A_524 = arith.select %and3A_522, %add3A_523, %rem3A_514 : i32
      %mul3A_525 = arith.constant 8 : i32
      %mul3A_526 = arith.muli %select_n3A_524, %mul3A_525 : i32
      %add3A_527 = arith.constant 6 : i32
      %add3A_528 = arith.addi %mul3A_526, %add3A_527 : i32
      %get3A_529 = arith.index_cast %add3A_528 : i32 to index
      %get3A_530 = arith.constant 0 : index
      %get3A_531 = vector.load %arg14[%get3A_529, %get3A_530] : memref<16x128xi32, #tpu.memory_space<vmem>>, vector<1x128xi32>
      %eq3A_532 = vector.broadcast %get3A_531 : vector<1x128xi32> to vector<128x128xi32>
      %eq3A_533 = vector.broadcast %add3A_4 : vector<128x1xi32> to vector<128x128xi32>
      %eq3A_534 = arith.cmpi eq, %eq3A_532, %eq3A_533 : vector<128x128xi32>
      %convert_element_type3A_535 = arith.extui %eq3A_534 : vector<128x128xi1> to vector<128x128xi32>
      %convert_element_type3A_536 = arith.sitofp %convert_element_type3A_535 : vector<128x128xi32> to vector<128x128xf32>
      %jit3A_537 = arith.constant 2 : i32
      %eq3A_538 = arith.constant 0 : i32
      %eq3A_539 = arith.cmpi eq, %jit3A_537, %eq3A_538 : i32
      %jit3A_540 = arith.constant 1 : i32
      %select_n3A_541 = arith.select %eq3A_539, %jit3A_540, %jit3A_537 : i32
      %rem3A_542 = arith.remsi %while3A_117, %select_n3A_541 : i32
      %ne3A_543 = arith.constant 0 : i32
      %ne3A_544 = arith.cmpi ne, %rem3A_542, %ne3A_543 : i32
      %lt3A_545 = arith.constant 0 : i32
      %lt3A_546 = arith.cmpi slt, %rem3A_542, %lt3A_545 : i32
      %lt3A_547 = arith.constant 0 : i32
      %lt3A_548 = arith.cmpi slt, %select_n3A_541, %lt3A_547 : i32
      %ne3A_549 = arith.xori %lt3A_546, %lt3A_548 : i1
      %and3A_550 = arith.andi %ne3A_549, %ne3A_544 : i1
      %add3A_551 = arith.addi %rem3A_542, %select_n3A_541 : i32
      %select_n3A_552 = arith.select %and3A_550, %add3A_551, %rem3A_542 : i32
      %mul3A_553 = arith.constant 8 : i32
      %mul3A_554 = arith.muli %select_n3A_552, %mul3A_553 : i32
      %add3A_555 = arith.constant 6 : i32
      %add3A_556 = arith.addi %mul3A_554, %add3A_555 : i32
      %mul3A_557 = arith.constant 128 : i32
      %mul3A_558 = arith.muli %add3A_556, %mul3A_557 : i32
      %get3A_559 = arith.index_cast %mul3A_558 : i32 to index
      %get3A_560 = arith.constant 0 : index
      %get3A_561 = vector.load %arg13[%get3A_559, %get3A_560] : memref<2048x128xf32, #tpu.memory_space<vmem>>, vector<128x128xf32>
      %dot_general3A_562 = arith.constant dense<0.000000e+00> : vector<128x128xf32>
      %dot_general3A_563 = tpu.matmul %convert_element_type3A_536, %get3A_561, %dot_general3A_562 {dimension_numbers = #tpu.dot_dimension_numbers<[1], [0], [0], [1], [0, 0, 1, 1], [], []>, transpose_lhs_hint = false} : vector<128x128xf32>, vector<128x128xf32>, vector<128x128xf32> -> vector<128x128xf32>
      %add3A_564 = arith.addf %add3A_508, %dot_general3A_563 : vector<128x128xf32>
      %jit3A_565 = arith.constant 2 : i32
      %eq3A_566 = arith.constant 0 : i32
      %eq3A_567 = arith.cmpi eq, %jit3A_565, %eq3A_566 : i32
      %jit3A_568 = arith.constant 1 : i32
      %select_n3A_569 = arith.select %eq3A_567, %jit3A_568, %jit3A_565 : i32
      %rem3A_570 = arith.remsi %while3A_117, %select_n3A_569 : i32
      %ne3A_571 = arith.constant 0 : i32
      %ne3A_572 = arith.cmpi ne, %rem3A_570, %ne3A_571 : i32
      %lt3A_573 = arith.constant 0 : i32
      %lt3A_574 = arith.cmpi slt, %rem3A_570, %lt3A_573 : i32
      %lt3A_575 = arith.constant 0 : i32
      %lt3A_576 = arith.cmpi slt, %select_n3A_569, %lt3A_575 : i32
      %ne3A_577 = arith.xori %lt3A_574, %lt3A_576 : i1
      %and3A_578 = arith.andi %ne3A_577, %ne3A_572 : i1
      %add3A_579 = arith.addi %rem3A_570, %select_n3A_569 : i32
      %select_n3A_580 = arith.select %and3A_578, %add3A_579, %rem3A_570 : i32
      %mul3A_581 = arith.constant 8 : i32
      %mul3A_582 = arith.muli %select_n3A_580, %mul3A_581 : i32
      %add3A_583 = arith.constant 7 : i32
      %add3A_584 = arith.addi %mul3A_582, %add3A_583 : i32
      %get3A_585 = arith.index_cast %add3A_584 : i32 to index
      %get3A_586 = arith.constant 0 : index
      %get3A_587 = vector.load %arg14[%get3A_585, %get3A_586] : memref<16x128xi32, #tpu.memory_space<vmem>>, vector<1x128xi32>
      %eq3A_588 = vector.broadcast %get3A_587 : vector<1x128xi32> to vector<128x128xi32>
      %eq3A_589 = vector.broadcast %add3A_4 : vector<128x1xi32> to vector<128x128xi32>
      %eq3A_590 = arith.cmpi eq, %eq3A_588, %eq3A_589 : vector<128x128xi32>
      %convert_element_type3A_591 = arith.extui %eq3A_590 : vector<128x128xi1> to vector<128x128xi32>
      %convert_element_type3A_592 = arith.sitofp %convert_element_type3A_591 : vector<128x128xi32> to vector<128x128xf32>
      %jit3A_593 = arith.constant 2 : i32
      %eq3A_594 = arith.constant 0 : i32
      %eq3A_595 = arith.cmpi eq, %jit3A_593, %eq3A_594 : i32
      %jit3A_596 = arith.constant 1 : i32
      %select_n3A_597 = arith.select %eq3A_595, %jit3A_596, %jit3A_593 : i32
      %rem3A_598 = arith.remsi %while3A_117, %select_n3A_597 : i32
      %ne3A_599 = arith.constant 0 : i32
      %ne3A_600 = arith.cmpi ne, %rem3A_598, %ne3A_599 : i32
      %lt3A_601 = arith.constant 0 : i32
      %lt3A_602 = arith.cmpi slt, %rem3A_598, %lt3A_601 : i32
      %lt3A_603 = arith.constant 0 : i32
      %lt3A_604 = arith.cmpi slt, %select_n3A_597, %lt3A_603 : i32
      %ne3A_605 = arith.xori %lt3A_602, %lt3A_604 : i1
      %and3A_606 = arith.andi %ne3A_605, %ne3A_600 : i1
      %add3A_607 = arith.addi %rem3A_598, %select_n3A_597 : i32
      %select_n3A_608 = arith.select %and3A_606, %add3A_607, %rem3A_598 : i32
      %mul3A_609 = arith.constant 8 : i32
      %mul3A_610 = arith.muli %select_n3A_608, %mul3A_609 : i32
      %add3A_611 = arith.constant 7 : i32
      %add3A_612 = arith.addi %mul3A_610, %add3A_611 : i32
      %mul3A_613 = arith.constant 128 : i32
      %mul3A_614 = arith.muli %add3A_612, %mul3A_613 : i32
      %get3A_615 = arith.index_cast %mul3A_614 : i32 to index
      %get3A_616 = arith.constant 0 : index
      %get3A_617 = vector.load %arg13[%get3A_615, %get3A_616] : memref<2048x128xf32, #tpu.memory_space<vmem>>, vector<128x128xf32>
      %dot_general3A_618 = arith.constant dense<0.000000e+00> : vector<128x128xf32>
      %dot_general3A_619 = tpu.matmul %convert_element_type3A_592, %get3A_617, %dot_general3A_618 {dimension_numbers = #tpu.dot_dimension_numbers<[1], [0], [0], [1], [0, 0, 1, 1], [], []>, transpose_lhs_hint = false} : vector<128x128xf32>, vector<128x128xf32>, vector<128x128xf32> -> vector<128x128xf32>
      %add3A_620 = arith.addf %add3A_564, %dot_general3A_619 : vector<128x128xf32>
      scf.yield %add3A_620 : vector<128x128xf32>
    }
    %while3A_38 = arith.constant 1 : i32
    %while3A_39 = scf.for %while3A_117 = %while3A_35 to %while3A_31 step %while3A_38 iter_args(%while3A_118 = %while3A_37) -> (vector<128x128xf32>)  : i32 {
      %mul3A_119 = arith.constant 8 : i32
      %mul3A_120 = arith.muli %while3A_117, %mul3A_119 : i32
      %add3A_121 = arith.addi %get3A_0, %mul3A_120 : i32
      %jit3A_122 = arith.constant 2 : i32
      %eq3A = arith.constant 0 : i32
      %eq3A_123 = arith.cmpi eq, %jit3A_122, %eq3A : i32
      %jit3A_124 = arith.constant 1 : i32
      %select_n3A_125 = arith.select %eq3A_123, %jit3A_124, %jit3A_122 : i32
      %rem3A_126 = arith.remsi %while3A_117, %select_n3A_125 : i32
      %ne3A_127 = arith.constant 0 : i32
      %ne3A_128 = arith.cmpi ne, %rem3A_126, %ne3A_127 : i32
      %lt3A = arith.constant 0 : i32
      %lt3A_129 = arith.cmpi slt, %rem3A_126, %lt3A : i32
      %lt3A_130 = arith.constant 0 : i32
      %lt3A_131 = arith.cmpi slt, %select_n3A_125, %lt3A_130 : i32
      %ne3A_132 = arith.xori %lt3A_129, %lt3A_131 : i1
      %and3A_133 = arith.andi %ne3A_132, %ne3A_128 : i1
      %add3A_134 = arith.addi %rem3A_126, %select_n3A_125 : i32
      %select_n3A_135 = arith.select %and3A_133, %add3A_134, %rem3A_126 : i32
      %mul3A_136 = arith.constant 8 : i32
      %mul3A_137 = arith.muli %select_n3A_135, %mul3A_136 : i32
      %dma_wait3A = arith.constant 0 : i32
      %dma_wait3A_138 = tpu.memref_slice %arg14[%mul3A_137, %dma_wait3A] : memref<16x128xi32, #tpu.memory_space<vmem>> -> memref<8x128xi32, #tpu.memory_space<vmem>>
      %dma_wait3A_139 = arith.constant 0 : i32
      %dma_wait3A_140 = tpu.memref_slice %arg10[%add3A_121, %dma_wait3A_139] : memref<4416x128xi32, #tpu.memory_space<any>> -> memref<8x128xi32, #tpu.memory_space<any>>
      tpu.wait_dma2 semaphore(%arg16 : memref<!tpu.dma_semaphore, #tpu.memory_space<semaphore_mem>>) src(%dma_wait3A_140 : memref<8x128xi32, #tpu.memory_space<any>>) dst(%dma_wait3A_138 : memref<8x128xi32, #tpu.memory_space<vmem>>)
      %mul3A_141 = arith.constant 128 : i32
      %mul3A_142 = arith.muli %add3A_121, %mul3A_141 : i32
      %jit3A_143 = arith.constant 2 : i32
      %eq3A_144 = arith.constant 0 : i32
      %eq3A_145 = arith.cmpi eq, %jit3A_143, %eq3A_144 : i32
      %jit3A_146 = arith.constant 1 : i32
      %select_n3A_147 = arith.select %eq3A_145, %jit3A_146, %jit3A_143 : i32
      %rem3A_148 = arith.remsi %while3A_117, %select_n3A_147 : i32
      %ne3A_149 = arith.constant 0 : i32
      %ne3A_150 = arith.cmpi ne, %rem3A_148, %ne3A_149 : i32
      %lt3A_151 = arith.constant 0 : i32
      %lt3A_152 = arith.cmpi slt, %rem3A_148, %lt3A_151 : i32
      %lt3A_153 = arith.constant 0 : i32
      %lt3A_154 = arith.cmpi slt, %select_n3A_147, %lt3A_153 : i32
      %ne3A_155 = arith.xori %lt3A_152, %lt3A_154 : i1
      %and3A_156 = arith.andi %ne3A_155, %ne3A_150 : i1
      %add3A_157 = arith.addi %rem3A_148, %select_n3A_147 : i32
      %select_n3A_158 = arith.select %and3A_156, %add3A_157, %rem3A_148 : i32
      %mul3A_159 = arith.constant 8 : i32
      %mul3A_160 = arith.muli %select_n3A_158, %mul3A_159 : i32
      %mul3A_161 = arith.constant 128 : i32
      %mul3A_162 = arith.muli %mul3A_160, %mul3A_161 : i32
      %dma_wait3A_163 = arith.constant 0 : i32
      %dma_wait3A_164 = tpu.memref_slice %arg13[%mul3A_162, %dma_wait3A_163] : memref<2048x128xf32, #tpu.memory_space<vmem>> -> memref<1024x128xf32, #tpu.memory_space<vmem>>
      %dma_wait3A_165 = arith.constant 0 : i32
      %dma_wait3A_166 = tpu.memref_slice %arg11[%mul3A_142, %dma_wait3A_165] : memref<565248x128xf32, #tpu.memory_space<any>> -> memref<1024x128xf32, #tpu.memory_space<any>>
      tpu.wait_dma2 semaphore(%arg15 : memref<!tpu.dma_semaphore, #tpu.memory_space<semaphore_mem>>) src(%dma_wait3A_166 : memref<1024x128xf32, #tpu.memory_space<any>>) dst(%dma_wait3A_164 : memref<1024x128xf32, #tpu.memory_space<vmem>>)
      %add3A_167 = arith.constant 1 : i32
      %add3A_168 = arith.addi %while3A_117, %add3A_167 : i32
      %lt3A_169 = arith.cmpi slt, %add3A_168, %select_n3A : i32
      %convert_element_type3A_170 = arith.extui %lt3A_169 : i1 to i32
      %cond3A_171 = arith.constant 0 : i32
      %cond3A_172 = arith.cmpi ne, %convert_element_type3A_170, %cond3A_171 : i32
      scf.if %cond3A_172 {
        %add3A_621 = arith.constant 1 : i32
        %add3A_622 = arith.addi %while3A_117, %add3A_621 : i32
        %mul3A_623 = arith.constant 8 : i32
        %mul3A_624 = arith.muli %add3A_622, %mul3A_623 : i32
        %add3A_625 = arith.addi %get3A_0, %mul3A_624 : i32
        %jit3A_626 = arith.constant 2 : i32
        %eq3A_627 = arith.constant 0 : i32
        %eq3A_628 = arith.cmpi eq, %jit3A_626, %eq3A_627 : i32
        %jit3A_629 = arith.constant 1 : i32
        %select_n3A_630 = arith.select %eq3A_628, %jit3A_629, %jit3A_626 : i32
        %rem3A_631 = arith.remsi %add3A_622, %select_n3A_630 : i32
        %ne3A_632 = arith.constant 0 : i32
        %ne3A_633 = arith.cmpi ne, %rem3A_631, %ne3A_632 : i32
        %lt3A_634 = arith.constant 0 : i32
        %lt3A_635 = arith.cmpi slt, %rem3A_631, %lt3A_634 : i32
        %lt3A_636 = arith.constant 0 : i32
        %lt3A_637 = arith.cmpi slt, %select_n3A_630, %lt3A_636 : i32
        %ne3A_638 = arith.xori %lt3A_635, %lt3A_637 : i1
        %and3A_639 = arith.andi %ne3A_638, %ne3A_633 : i1
        %add3A_640 = arith.addi %rem3A_631, %select_n3A_630 : i32
        %select_n3A_641 = arith.select %and3A_639, %add3A_640, %rem3A_631 : i32
        %mul3A_642 = arith.constant 8 : i32
        %mul3A_643 = arith.muli %select_n3A_641, %mul3A_642 : i32
        %dma_start3A = arith.constant 0 : i32
        %dma_start3A_644 = tpu.memref_slice %arg14[%mul3A_643, %dma_start3A] : memref<16x128xi32, #tpu.memory_space<vmem>> -> memref<8x128xi32, #tpu.memory_space<vmem>>
        %dma_start3A_645 = arith.constant 0 : i32
        %dma_start3A_646 = tpu.memref_slice %arg10[%add3A_625, %dma_start3A_645] : memref<4416x128xi32, #tpu.memory_space<any>> -> memref<8x128xi32, #tpu.memory_space<any>>
        tpu.enqueue_dma source(%dma_start3A_646 : memref<8x128xi32, #tpu.memory_space<any>>) target(%dma_start3A_644 : memref<8x128xi32, #tpu.memory_space<vmem>>) target_semaphore(%arg16 : memref<!tpu.dma_semaphore, #tpu.memory_space<semaphore_mem>>)
        %mul3A_647 = arith.constant 128 : i32
        %mul3A_648 = arith.muli %add3A_625, %mul3A_647 : i32
        %jit3A_649 = arith.constant 2 : i32
        %eq3A_650 = arith.constant 0 : i32
        %eq3A_651 = arith.cmpi eq, %jit3A_649, %eq3A_650 : i32
        %jit3A_652 = arith.constant 1 : i32
        %select_n3A_653 = arith.select %eq3A_651, %jit3A_652, %jit3A_649 : i32
        %rem3A_654 = arith.remsi %add3A_622, %select_n3A_653 : i32
        %ne3A_655 = arith.constant 0 : i32
        %ne3A_656 = arith.cmpi ne, %rem3A_654, %ne3A_655 : i32
        %lt3A_657 = arith.constant 0 : i32
        %lt3A_658 = arith.cmpi slt, %rem3A_654, %lt3A_657 : i32
        %lt3A_659 = arith.constant 0 : i32
        %lt3A_660 = arith.cmpi slt, %select_n3A_653, %lt3A_659 : i32
        %ne3A_661 = arith.xori %lt3A_658, %lt3A_660 : i1
        %and3A_662 = arith.andi %ne3A_661, %ne3A_656 : i1
        %add3A_663 = arith.addi %rem3A_654, %select_n3A_653 : i32
        %select_n3A_664 = arith.select %and3A_662, %add3A_663, %rem3A_654 : i32
        %mul3A_665 = arith.constant 8 : i32
        %mul3A_666 = arith.muli %select_n3A_664, %mul3A_665 : i32
        %mul3A_667 = arith.constant 128 : i32
        %mul3A_668 = arith.muli %mul3A_666, %mul3A_667 : i32
        %dma_start3A_669 = arith.constant 0 : i32
        %dma_start3A_670 = tpu.memref_slice %arg13[%mul3A_668, %dma_start3A_669] : memref<2048x128xf32, #tpu.memory_space<vmem>> -> memref<1024x128xf32, #tpu.memory_space<vmem>>
        %dma_start3A_671 = arith.constant 0 : i32
        %dma_start3A_672 = tpu.memref_slice %arg11[%mul3A_648, %dma_start3A_671] : memref<565248x128xf32, #tpu.memory_space<any>> -> memref<1024x128xf32, #tpu.memory_space<any>>
        tpu.enqueue_dma source(%dma_start3A_672 : memref<1024x128xf32, #tpu.memory_space<any>>) target(%dma_start3A_670 : memref<1024x128xf32, #tpu.memory_space<vmem>>) target_semaphore(%arg15 : memref<!tpu.dma_semaphore, #tpu.memory_space<semaphore_mem>>)
      } else {
      }
      %jit3A_173 = arith.constant 2 : i32
      %eq3A_174 = arith.constant 0 : i32
      %eq3A_175 = arith.cmpi eq, %jit3A_173, %eq3A_174 : i32
      %jit3A_176 = arith.constant 1 : i32
      %select_n3A_177 = arith.select %eq3A_175, %jit3A_176, %jit3A_173 : i32
      %rem3A_178 = arith.remsi %while3A_117, %select_n3A_177 : i32
      %ne3A_179 = arith.constant 0 : i32
      %ne3A_180 = arith.cmpi ne, %rem3A_178, %ne3A_179 : i32
      %lt3A_181 = arith.constant 0 : i32
      %lt3A_182 = arith.cmpi slt, %rem3A_178, %lt3A_181 : i32
      %lt3A_183 = arith.constant 0 : i32
      %lt3A_184 = arith.cmpi slt, %select_n3A_177, %lt3A_183 : i32
      %ne3A_185 = arith.xori %lt3A_182, %lt3A_184 : i1
      %and3A_186 = arith.andi %ne3A_185, %ne3A_180 : i1
      %add3A_187 = arith.addi %rem3A_178, %select_n3A_177 : i32
      %select_n3A_188 = arith.select %and3A_186, %add3A_187, %rem3A_178 : i32
      %mul3A_189 = arith.constant 8 : i32
      %mul3A_190 = arith.muli %select_n3A_188, %mul3A_189 : i32
      %add3A_191 = arith.constant 0 : i32
      %add3A_192 = arith.addi %mul3A_190, %add3A_191 : i32
      %get3A_193 = arith.index_cast %add3A_192 : i32 to index
      %get3A_194 = arith.constant 0 : index
      %get3A_195 = vector.load %arg14[%get3A_193, %get3A_194] : memref<16x128xi32, #tpu.memory_space<vmem>>, vector<1x128xi32>
      %eq3A_196 = vector.broadcast %get3A_195 : vector<1x128xi32> to vector<128x128xi32>
      %eq3A_197 = vector.broadcast %add3A_4 : vector<128x1xi32> to vector<128x128xi32>
      %eq3A_198 = arith.cmpi eq, %eq3A_196, %eq3A_197 : vector<128x128xi32>
      %convert_element_type3A_199 = arith.extui %eq3A_198 : vector<128x128xi1> to vector<128x128xi32>
      %convert_element_type3A_200 = arith.sitofp %convert_element_type3A_199 : vector<128x128xi32> to vector<128x128xf32>
      %jit3A_201 = arith.constant 2 : i32
      %eq3A_202 = arith.constant 0 : i32
      %eq3A_203 = arith.cmpi eq, %jit3A_201, %eq3A_202 : i32
      %jit3A_204 = arith.constant 1 : i32
      %select_n3A_205 = arith.select %eq3A_203, %jit3A_204, %jit3A_201 : i32
      %rem3A_206 = arith.remsi %while3A_117, %select_n3A_205 : i32
      %ne3A_207 = arith.constant 0 : i32
      %ne3A_208 = arith.cmpi ne, %rem3A_206, %ne3A_207 : i32
      %lt3A_209 = arith.constant 0 : i32
      %lt3A_210 = arith.cmpi slt, %rem3A_206, %lt3A_209 : i32
      %lt3A_211 = arith.constant 0 : i32
      %lt3A_212 = arith.cmpi slt, %select_n3A_205, %lt3A_211 : i32
      %ne3A_213 = arith.xori %lt3A_210, %lt3A_212 : i1
      %and3A_214 = arith.andi %ne3A_213, %ne3A_208 : i1
      %add3A_215 = arith.addi %rem3A_206, %select_n3A_205 : i32
      %select_n3A_216 = arith.select %and3A_214, %add3A_215, %rem3A_206 : i32
      %mul3A_217 = arith.constant 8 : i32
      %mul3A_218 = arith.muli %select_n3A_216, %mul3A_217 : i32
      %add3A_219 = arith.constant 0 : i32
      %add3A_220 = arith.addi %mul3A_218, %add3A_219 : i32
      %mul3A_221 = arith.constant 128 : i32
      %mul3A_222 = arith.muli %add3A_220, %mul3A_221 : i32
      %get3A_223 = arith.index_cast %mul3A_222 : i32 to index
      %get3A_224 = arith.constant 0 : index
      %get3A_225 = vector.load %arg13[%get3A_223, %get3A_224] : memref<2048x128xf32, #tpu.memory_space<vmem>>, vector<128x128xf32>
      %dot_general3A_226 = arith.constant dense<0.000000e+00> : vector<128x128xf32>
      %dot_general3A_227 = tpu.matmul %convert_element_type3A_200, %get3A_225, %dot_general3A_226 {dimension_numbers = #tpu.dot_dimension_numbers<[1], [0], [0], [1], [0, 0, 1, 1], [], []>, transpose_lhs_hint = false} : vector<128x128xf32>, vector<128x128xf32>, vector<128x128xf32> -> vector<128x128xf32>
      %add3A_228 = arith.addf %while3A_118, %dot_general3A_227 : vector<128x128xf32>
      %jit3A_229 = arith.constant 2 : i32
      %eq3A_230 = arith.constant 0 : i32
      %eq3A_231 = arith.cmpi eq, %jit3A_229, %eq3A_230 : i32
      %jit3A_232 = arith.constant 1 : i32
      %select_n3A_233 = arith.select %eq3A_231, %jit3A_232, %jit3A_229 : i32
      %rem3A_234 = arith.remsi %while3A_117, %select_n3A_233 : i32
      %ne3A_235 = arith.constant 0 : i32
      %ne3A_236 = arith.cmpi ne, %rem3A_234, %ne3A_235 : i32
      %lt3A_237 = arith.constant 0 : i32
      %lt3A_238 = arith.cmpi slt, %rem3A_234, %lt3A_237 : i32
      %lt3A_239 = arith.constant 0 : i32
      %lt3A_240 = arith.cmpi slt, %select_n3A_233, %lt3A_239 : i32
      %ne3A_241 = arith.xori %lt3A_238, %lt3A_240 : i1
      %and3A_242 = arith.andi %ne3A_241, %ne3A_236 : i1
      %add3A_243 = arith.addi %rem3A_234, %select_n3A_233 : i32
      %select_n3A_244 = arith.select %and3A_242, %add3A_243, %rem3A_234 : i32
      %mul3A_245 = arith.constant 8 : i32
      %mul3A_246 = arith.muli %select_n3A_244, %mul3A_245 : i32
      %add3A_247 = arith.constant 1 : i32
      %add3A_248 = arith.addi %mul3A_246, %add3A_247 : i32
      %get3A_249 = arith.index_cast %add3A_248 : i32 to index
      %get3A_250 = arith.constant 0 : index
      %get3A_251 = vector.load %arg14[%get3A_249, %get3A_250] : memref<16x128xi32, #tpu.memory_space<vmem>>, vector<1x128xi32>
      %eq3A_252 = vector.broadcast %get3A_251 : vector<1x128xi32> to vector<128x128xi32>
      %eq3A_253 = vector.broadcast %add3A_4 : vector<128x1xi32> to vector<128x128xi32>
      %eq3A_254 = arith.cmpi eq, %eq3A_252, %eq3A_253 : vector<128x128xi32>
      %convert_element_type3A_255 = arith.extui %eq3A_254 : vector<128x128xi1> to vector<128x128xi32>
      %convert_element_type3A_256 = arith.sitofp %convert_element_type3A_255 : vector<128x128xi32> to vector<128x128xf32>
      %jit3A_257 = arith.constant 2 : i32
      %eq3A_258 = arith.constant 0 : i32
      %eq3A_259 = arith.cmpi eq, %jit3A_257, %eq3A_258 : i32
      %jit3A_260 = arith.constant 1 : i32
      %select_n3A_261 = arith.select %eq3A_259, %jit3A_260, %jit3A_257 : i32
      %rem3A_262 = arith.remsi %while3A_117, %select_n3A_261 : i32
      %ne3A_263 = arith.constant 0 : i32
      %ne3A_264 = arith.cmpi ne, %rem3A_262, %ne3A_263 : i32
      %lt3A_265 = arith.constant 0 : i32
      %lt3A_266 = arith.cmpi slt, %rem3A_262, %lt3A_265 : i32
      %lt3A_267 = arith.constant 0 : i32
      %lt3A_268 = arith.cmpi slt, %select_n3A_261, %lt3A_267 : i32
      %ne3A_269 = arith.xori %lt3A_266, %lt3A_268 : i1
      %and3A_270 = arith.andi %ne3A_269, %ne3A_264 : i1
      %add3A_271 = arith.addi %rem3A_262, %select_n3A_261 : i32
      %select_n3A_272 = arith.select %and3A_270, %add3A_271, %rem3A_262 : i32
      %mul3A_273 = arith.constant 8 : i32
      %mul3A_274 = arith.muli %select_n3A_272, %mul3A_273 : i32
      %add3A_275 = arith.constant 1 : i32
      %add3A_276 = arith.addi %mul3A_274, %add3A_275 : i32
      %mul3A_277 = arith.constant 128 : i32
      %mul3A_278 = arith.muli %add3A_276, %mul3A_277 : i32
      %get3A_279 = arith.index_cast %mul3A_278 : i32 to index
      %get3A_280 = arith.constant 0 : index
      %get3A_281 = vector.load %arg13[%get3A_279, %get3A_280] : memref<2048x128xf32, #tpu.memory_space<vmem>>, vector<128x128xf32>
      %dot_general3A_282 = arith.constant dense<0.000000e+00> : vector<128x128xf32>
      %dot_general3A_283 = tpu.matmul %convert_element_type3A_256, %get3A_281, %dot_general3A_282 {dimension_numbers = #tpu.dot_dimension_numbers<[1], [0], [0], [1], [0, 0, 1, 1], [], []>, transpose_lhs_hint = false} : vector<128x128xf32>, vector<128x128xf32>, vector<128x128xf32> -> vector<128x128xf32>
      %add3A_284 = arith.addf %add3A_228, %dot_general3A_283 : vector<128x128xf32>
      %jit3A_285 = arith.constant 2 : i32
      %eq3A_286 = arith.constant 0 : i32
      %eq3A_287 = arith.cmpi eq, %jit3A_285, %eq3A_286 : i32
      %jit3A_288 = arith.constant 1 : i32
      %select_n3A_289 = arith.select %eq3A_287, %jit3A_288, %jit3A_285 : i32
      %rem3A_290 = arith.remsi %while3A_117, %select_n3A_289 : i32
      %ne3A_291 = arith.constant 0 : i32
      %ne3A_292 = arith.cmpi ne, %rem3A_290, %ne3A_291 : i32
      %lt3A_293 = arith.constant 0 : i32
      %lt3A_294 = arith.cmpi slt, %rem3A_290, %lt3A_293 : i32
      %lt3A_295 = arith.constant 0 : i32
      %lt3A_296 = arith.cmpi slt, %select_n3A_289, %lt3A_295 : i32
      %ne3A_297 = arith.xori %lt3A_294, %lt3A_296 : i1
      %and3A_298 = arith.andi %ne3A_297, %ne3A_292 : i1
      %add3A_299 = arith.addi %rem3A_290, %select_n3A_289 : i32
      %select_n3A_300 = arith.select %and3A_298, %add3A_299, %rem3A_290 : i32
      %mul3A_301 = arith.constant 8 : i32
      %mul3A_302 = arith.muli %select_n3A_300, %mul3A_301 : i32
      %add3A_303 = arith.constant 2 : i32
      %add3A_304 = arith.addi %mul3A_302, %add3A_303 : i32
      %get3A_305 = arith.index_cast %add3A_304 : i32 to index
      %get3A_306 = arith.constant 0 : index
      %get3A_307 = vector.load %arg14[%get3A_305, %get3A_306] : memref<16x128xi32, #tpu.memory_space<vmem>>, vector<1x128xi32>
      %eq3A_308 = vector.broadcast %get3A_307 : vector<1x128xi32> to vector<128x128xi32>
      %eq3A_309 = vector.broadcast %add3A_4 : vector<128x1xi32> to vector<128x128xi32>
      %eq3A_310 = arith.cmpi eq, %eq3A_308, %eq3A_309 : vector<128x128xi32>
      %convert_element_type3A_311 = arith.extui %eq3A_310 : vector<128x128xi1> to vector<128x128xi32>
      %convert_element_type3A_312 = arith.sitofp %convert_element_type3A_311 : vector<128x128xi32> to vector<128x128xf32>
      %jit3A_313 = arith.constant 2 : i32
      %eq3A_314 = arith.constant 0 : i32
      %eq3A_315 = arith.cmpi eq, %jit3A_313, %eq3A_314 : i32
      %jit3A_316 = arith.constant 1 : i32
      %select_n3A_317 = arith.select %eq3A_315, %jit3A_316, %jit3A_313 : i32
      %rem3A_318 = arith.remsi %while3A_117, %select_n3A_317 : i32
      %ne3A_319 = arith.constant 0 : i32
      %ne3A_320 = arith.cmpi ne, %rem3A_318, %ne3A_319 : i32
      %lt3A_321 = arith.constant 0 : i32
      %lt3A_322 = arith.cmpi slt, %rem3A_318, %lt3A_321 : i32
      %lt3A_323 = arith.constant 0 : i32
      %lt3A_324 = arith.cmpi slt, %select_n3A_317, %lt3A_323 : i32
      %ne3A_325 = arith.xori %lt3A_322, %lt3A_324 : i1
      %and3A_326 = arith.andi %ne3A_325, %ne3A_320 : i1
      %add3A_327 = arith.addi %rem3A_318, %select_n3A_317 : i32
      %select_n3A_328 = arith.select %and3A_326, %add3A_327, %rem3A_318 : i32
      %mul3A_329 = arith.constant 8 : i32
      %mul3A_330 = arith.muli %select_n3A_328, %mul3A_329 : i32
      %add3A_331 = arith.constant 2 : i32
      %add3A_332 = arith.addi %mul3A_330, %add3A_331 : i32
      %mul3A_333 = arith.constant 128 : i32
      %mul3A_334 = arith.muli %add3A_332, %mul3A_333 : i32
      %get3A_335 = arith.index_cast %mul3A_334 : i32 to index
      %get3A_336 = arith.constant 0 : index
      %get3A_337 = vector.load %arg13[%get3A_335, %get3A_336] : memref<2048x128xf32, #tpu.memory_space<vmem>>, vector<128x128xf32>
      %dot_general3A_338 = arith.constant dense<0.000000e+00> : vector<128x128xf32>
      %dot_general3A_339 = tpu.matmul %convert_element_type3A_312, %get3A_337, %dot_general3A_338 {dimension_numbers = #tpu.dot_dimension_numbers<[1], [0], [0], [1], [0, 0, 1, 1], [], []>, transpose_lhs_hint = false} : vector<128x128xf32>, vector<128x128xf32>, vector<128x128xf32> -> vector<128x128xf32>
      %add3A_340 = arith.addf %add3A_284, %dot_general3A_339 : vector<128x128xf32>
      %jit3A_341 = arith.constant 2 : i32
      %eq3A_342 = arith.constant 0 : i32
      %eq3A_343 = arith.cmpi eq, %jit3A_341, %eq3A_342 : i32
      %jit3A_344 = arith.constant 1 : i32
      %select_n3A_345 = arith.select %eq3A_343, %jit3A_344, %jit3A_341 : i32
      %rem3A_346 = arith.remsi %while3A_117, %select_n3A_345 : i32
      %ne3A_347 = arith.constant 0 : i32
      %ne3A_348 = arith.cmpi ne, %rem3A_346, %ne3A_347 : i32
      %lt3A_349 = arith.constant 0 : i32
      %lt3A_350 = arith.cmpi slt, %rem3A_346, %lt3A_349 : i32
      %lt3A_351 = arith.constant 0 : i32
      %lt3A_352 = arith.cmpi slt, %select_n3A_345, %lt3A_351 : i32
      %ne3A_353 = arith.xori %lt3A_350, %lt3A_352 : i1
      %and3A_354 = arith.andi %ne3A_353, %ne3A_348 : i1
      %add3A_355 = arith.addi %rem3A_346, %select_n3A_345 : i32
      %select_n3A_356 = arith.select %and3A_354, %add3A_355, %rem3A_346 : i32
      %mul3A_357 = arith.constant 8 : i32
      %mul3A_358 = arith.muli %select_n3A_356, %mul3A_357 : i32
      %add3A_359 = arith.constant 3 : i32
      %add3A_360 = arith.addi %mul3A_358, %add3A_359 : i32
      %get3A_361 = arith.index_cast %add3A_360 : i32 to index
      %get3A_362 = arith.constant 0 : index
      %get3A_363 = vector.load %arg14[%get3A_361, %get3A_362] : memref<16x128xi32, #tpu.memory_space<vmem>>, vector<1x128xi32>
      %eq3A_364 = vector.broadcast %get3A_363 : vector<1x128xi32> to vector<128x128xi32>
      %eq3A_365 = vector.broadcast %add3A_4 : vector<128x1xi32> to vector<128x128xi32>
      %eq3A_366 = arith.cmpi eq, %eq3A_364, %eq3A_365 : vector<128x128xi32>
      %convert_element_type3A_367 = arith.extui %eq3A_366 : vector<128x128xi1> to vector<128x128xi32>
      %convert_element_type3A_368 = arith.sitofp %convert_element_type3A_367 : vector<128x128xi32> to vector<128x128xf32>
      %jit3A_369 = arith.constant 2 : i32
      %eq3A_370 = arith.constant 0 : i32
      %eq3A_371 = arith.cmpi eq, %jit3A_369, %eq3A_370 : i32
      %jit3A_372 = arith.constant 1 : i32
      %select_n3A_373 = arith.select %eq3A_371, %jit3A_372, %jit3A_369 : i32
      %rem3A_374 = arith.remsi %while3A_117, %select_n3A_373 : i32
      %ne3A_375 = arith.constant 0 : i32
      %ne3A_376 = arith.cmpi ne, %rem3A_374, %ne3A_375 : i32
      %lt3A_377 = arith.constant 0 : i32
      %lt3A_378 = arith.cmpi slt, %rem3A_374, %lt3A_377 : i32
      %lt3A_379 = arith.constant 0 : i32
      %lt3A_380 = arith.cmpi slt, %select_n3A_373, %lt3A_379 : i32
      %ne3A_381 = arith.xori %lt3A_378, %lt3A_380 : i1
      %and3A_382 = arith.andi %ne3A_381, %ne3A_376 : i1
      %add3A_383 = arith.addi %rem3A_374, %select_n3A_373 : i32
      %select_n3A_384 = arith.select %and3A_382, %add3A_383, %rem3A_374 : i32
      %mul3A_385 = arith.constant 8 : i32
      %mul3A_386 = arith.muli %select_n3A_384, %mul3A_385 : i32
      %add3A_387 = arith.constant 3 : i32
      %add3A_388 = arith.addi %mul3A_386, %add3A_387 : i32
      %mul3A_389 = arith.constant 128 : i32
      %mul3A_390 = arith.muli %add3A_388, %mul3A_389 : i32
      %get3A_391 = arith.index_cast %mul3A_390 : i32 to index
      %get3A_392 = arith.constant 0 : index
      %get3A_393 = vector.load %arg13[%get3A_391, %get3A_392] : memref<2048x128xf32, #tpu.memory_space<vmem>>, vector<128x128xf32>
      %dot_general3A_394 = arith.constant dense<0.000000e+00> : vector<128x128xf32>
      %dot_general3A_395 = tpu.matmul %convert_element_type3A_368, %get3A_393, %dot_general3A_394 {dimension_numbers = #tpu.dot_dimension_numbers<[1], [0], [0], [1], [0, 0, 1, 1], [], []>, transpose_lhs_hint = false} : vector<128x128xf32>, vector<128x128xf32>, vector<128x128xf32> -> vector<128x128xf32>
      %add3A_396 = arith.addf %add3A_340, %dot_general3A_395 : vector<128x128xf32>
      %jit3A_397 = arith.constant 2 : i32
      %eq3A_398 = arith.constant 0 : i32
      %eq3A_399 = arith.cmpi eq, %jit3A_397, %eq3A_398 : i32
      %jit3A_400 = arith.constant 1 : i32
      %select_n3A_401 = arith.select %eq3A_399, %jit3A_400, %jit3A_397 : i32
      %rem3A_402 = arith.remsi %while3A_117, %select_n3A_401 : i32
      %ne3A_403 = arith.constant 0 : i32
      %ne3A_404 = arith.cmpi ne, %rem3A_402, %ne3A_403 : i32
      %lt3A_405 = arith.constant 0 : i32
      %lt3A_406 = arith.cmpi slt, %rem3A_402, %lt3A_405 : i32
      %lt3A_407 = arith.constant 0 : i32
      %lt3A_408 = arith.cmpi slt, %select_n3A_401, %lt3A_407 : i32
      %ne3A_409 = arith.xori %lt3A_406, %lt3A_408 : i1
      %and3A_410 = arith.andi %ne3A_409, %ne3A_404 : i1
      %add3A_411 = arith.addi %rem3A_402, %select_n3A_401 : i32
      %select_n3A_412 = arith.select %and3A_410, %add3A_411, %rem3A_402 : i32
      %mul3A_413 = arith.constant 8 : i32
      %mul3A_414 = arith.muli %select_n3A_412, %mul3A_413 : i32
      %add3A_415 = arith.constant 4 : i32
      %add3A_416 = arith.addi %mul3A_414, %add3A_415 : i32
      %get3A_417 = arith.index_cast %add3A_416 : i32 to index
      %get3A_418 = arith.constant 0 : index
      %get3A_419 = vector.load %arg14[%get3A_417, %get3A_418] : memref<16x128xi32, #tpu.memory_space<vmem>>, vector<1x128xi32>
      %eq3A_420 = vector.broadcast %get3A_419 : vector<1x128xi32> to vector<128x128xi32>
      %eq3A_421 = vector.broadcast %add3A_4 : vector<128x1xi32> to vector<128x128xi32>
      %eq3A_422 = arith.cmpi eq, %eq3A_420, %eq3A_421 : vector<128x128xi32>
      %convert_element_type3A_423 = arith.extui %eq3A_422 : vector<128x128xi1> to vector<128x128xi32>
      %convert_element_type3A_424 = arith.sitofp %convert_element_type3A_423 : vector<128x128xi32> to vector<128x128xf32>
      %jit3A_425 = arith.constant 2 : i32
      %eq3A_426 = arith.constant 0 : i32
      %eq3A_427 = arith.cmpi eq, %jit3A_425, %eq3A_426 : i32
      %jit3A_428 = arith.constant 1 : i32
      %select_n3A_429 = arith.select %eq3A_427, %jit3A_428, %jit3A_425 : i32
      %rem3A_430 = arith.remsi %while3A_117, %select_n3A_429 : i32
      %ne3A_431 = arith.constant 0 : i32
      %ne3A_432 = arith.cmpi ne, %rem3A_430, %ne3A_431 : i32
      %lt3A_433 = arith.constant 0 : i32
      %lt3A_434 = arith.cmpi slt, %rem3A_430, %lt3A_433 : i32
      %lt3A_435 = arith.constant 0 : i32
      %lt3A_436 = arith.cmpi slt, %select_n3A_429, %lt3A_435 : i32
      %ne3A_437 = arith.xori %lt3A_434, %lt3A_436 : i1
      %and3A_438 = arith.andi %ne3A_437, %ne3A_432 : i1
      %add3A_439 = arith.addi %rem3A_430, %select_n3A_429 : i32
      %select_n3A_440 = arith.select %and3A_438, %add3A_439, %rem3A_430 : i32
      %mul3A_441 = arith.constant 8 : i32
      %mul3A_442 = arith.muli %select_n3A_440, %mul3A_441 : i32
      %add3A_443 = arith.constant 4 : i32
      %add3A_444 = arith.addi %mul3A_442, %add3A_443 : i32
      %mul3A_445 = arith.constant 128 : i32
      %mul3A_446 = arith.muli %add3A_444, %mul3A_445 : i32
      %get3A_447 = arith.index_cast %mul3A_446 : i32 to index
      %get3A_448 = arith.constant 0 : index
      %get3A_449 = vector.load %arg13[%get3A_447, %get3A_448] : memref<2048x128xf32, #tpu.memory_space<vmem>>, vector<128x128xf32>
      %dot_general3A_450 = arith.constant dense<0.000000e+00> : vector<128x128xf32>
      %dot_general3A_451 = tpu.matmul %convert_element_type3A_424, %get3A_449, %dot_general3A_450 {dimension_numbers = #tpu.dot_dimension_numbers<[1], [0], [0], [1], [0, 0, 1, 1], [], []>, transpose_lhs_hint = false} : vector<128x128xf32>, vector<128x128xf32>, vector<128x128xf32> -> vector<128x128xf32>
      %add3A_452 = arith.addf %add3A_396, %dot_general3A_451 : vector<128x128xf32>
      %jit3A_453 = arith.constant 2 : i32
      %eq3A_454 = arith.constant 0 : i32
      %eq3A_455 = arith.cmpi eq, %jit3A_453, %eq3A_454 : i32
      %jit3A_456 = arith.constant 1 : i32
      %select_n3A_457 = arith.select %eq3A_455, %jit3A_456, %jit3A_453 : i32
      %rem3A_458 = arith.remsi %while3A_117, %select_n3A_457 : i32
      %ne3A_459 = arith.constant 0 : i32
      %ne3A_460 = arith.cmpi ne, %rem3A_458, %ne3A_459 : i32
      %lt3A_461 = arith.constant 0 : i32
      %lt3A_462 = arith.cmpi slt, %rem3A_458, %lt3A_461 : i32
      %lt3A_463 = arith.constant 0 : i32
      %lt3A_464 = arith.cmpi slt, %select_n3A_457, %lt3A_463 : i32
      %ne3A_465 = arith.xori %lt3A_462, %lt3A_464 : i1
      %and3A_466 = arith.andi %ne3A_465, %ne3A_460 : i1
      %add3A_467 = arith.addi %rem3A_458, %select_n3A_457 : i32
      %select_n3A_468 = arith.select %and3A_466, %add3A_467, %rem3A_458 : i32
      %mul3A_469 = arith.constant 8 : i32
      %mul3A_470 = arith.muli %select_n3A_468, %mul3A_469 : i32
      %add3A_471 = arith.constant 5 : i32
      %add3A_472 = arith.addi %mul3A_470, %add3A_471 : i32
      %get3A_473 = arith.index_cast %add3A_472 : i32 to index
      %get3A_474 = arith.constant 0 : index
      %get3A_475 = vector.load %arg14[%get3A_473, %get3A_474] : memref<16x128xi32, #tpu.memory_space<vmem>>, vector<1x128xi32>
      %eq3A_476 = vector.broadcast %get3A_475 : vector<1x128xi32> to vector<128x128xi32>
      %eq3A_477 = vector.broadcast %add3A_4 : vector<128x1xi32> to vector<128x128xi32>
      %eq3A_478 = arith.cmpi eq, %eq3A_476, %eq3A_477 : vector<128x128xi32>
      %convert_element_type3A_479 = arith.extui %eq3A_478 : vector<128x128xi1> to vector<128x128xi32>
      %convert_element_type3A_480 = arith.sitofp %convert_element_type3A_479 : vector<128x128xi32> to vector<128x128xf32>
      %jit3A_481 = arith.constant 2 : i32
      %eq3A_482 = arith.constant 0 : i32
      %eq3A_483 = arith.cmpi eq, %jit3A_481, %eq3A_482 : i32
      %jit3A_484 = arith.constant 1 : i32
      %select_n3A_485 = arith.select %eq3A_483, %jit3A_484, %jit3A_481 : i32
      %rem3A_486 = arith.remsi %while3A_117, %select_n3A_485 : i32
      %ne3A_487 = arith.constant 0 : i32
      %ne3A_488 = arith.cmpi ne, %rem3A_486, %ne3A_487 : i32
      %lt3A_489 = arith.constant 0 : i32
      %lt3A_490 = arith.cmpi slt, %rem3A_486, %lt3A_489 : i32
      %lt3A_491 = arith.constant 0 : i32
      %lt3A_492 = arith.cmpi slt, %select_n3A_485, %lt3A_491 : i32
      %ne3A_493 = arith.xori %lt3A_490, %lt3A_492 : i1
      %and3A_494 = arith.andi %ne3A_493, %ne3A_488 : i1
      %add3A_495 = arith.addi %rem3A_486, %select_n3A_485 : i32
      %select_n3A_496 = arith.select %and3A_494, %add3A_495, %rem3A_486 : i32
      %mul3A_497 = arith.constant 8 : i32
      %mul3A_498 = arith.muli %select_n3A_496, %mul3A_497 : i32
      %add3A_499 = arith.constant 5 : i32
      %add3A_500 = arith.addi %mul3A_498, %add3A_499 : i32
      %mul3A_501 = arith.constant 128 : i32
      %mul3A_502 = arith.muli %add3A_500, %mul3A_501 : i32
      %get3A_503 = arith.index_cast %mul3A_502 : i32 to index
      %get3A_504 = arith.constant 0 : index
      %get3A_505 = vector.load %arg13[%get3A_503, %get3A_504] : memref<2048x128xf32, #tpu.memory_space<vmem>>, vector<128x128xf32>
      %dot_general3A_506 = arith.constant dense<0.000000e+00> : vector<128x128xf32>
      %dot_general3A_507 = tpu.matmul %convert_element_type3A_480, %get3A_505, %dot_general3A_506 {dimension_numbers = #tpu.dot_dimension_numbers<[1], [0], [0], [1], [0, 0, 1, 1], [], []>, transpose_lhs_hint = false} : vector<128x128xf32>, vector<128x128xf32>, vector<128x128xf32> -> vector<128x128xf32>
      %add3A_508 = arith.addf %add3A_452, %dot_general3A_507 : vector<128x128xf32>
      %jit3A_509 = arith.constant 2 : i32
      %eq3A_510 = arith.constant 0 : i32
      %eq3A_511 = arith.cmpi eq, %jit3A_509, %eq3A_510 : i32
      %jit3A_512 = arith.constant 1 : i32
      %select_n3A_513 = arith.select %eq3A_511, %jit3A_512, %jit3A_509 : i32
      %rem3A_514 = arith.remsi %while3A_117, %select_n3A_513 : i32
      %ne3A_515 = arith.constant 0 : i32
      %ne3A_516 = arith.cmpi ne, %rem3A_514, %ne3A_515 : i32
      %lt3A_517 = arith.constant 0 : i32
      %lt3A_518 = arith.cmpi slt, %rem3A_514, %lt3A_517 : i32
      %lt3A_519 = arith.constant 0 : i32
      %lt3A_520 = arith.cmpi slt, %select_n3A_513, %lt3A_519 : i32
      %ne3A_521 = arith.xori %lt3A_518, %lt3A_520 : i1
      %and3A_522 = arith.andi %ne3A_521, %ne3A_516 : i1
      %add3A_523 = arith.addi %rem3A_514, %select_n3A_513 : i32
      %select_n3A_524 = arith.select %and3A_522, %add3A_523, %rem3A_514 : i32
      %mul3A_525 = arith.constant 8 : i32
      %mul3A_526 = arith.muli %select_n3A_524, %mul3A_525 : i32
      %add3A_527 = arith.constant 6 : i32
      %add3A_528 = arith.addi %mul3A_526, %add3A_527 : i32
      %get3A_529 = arith.index_cast %add3A_528 : i32 to index
      %get3A_530 = arith.constant 0 : index
      %get3A_531 = vector.load %arg14[%get3A_529, %get3A_530] : memref<16x128xi32, #tpu.memory_space<vmem>>, vector<1x128xi32>
      %eq3A_532 = vector.broadcast %get3A_531 : vector<1x128xi32> to vector<128x128xi32>
      %eq3A_533 = vector.broadcast %add3A_4 : vector<128x1xi32> to vector<128x128xi32>
      %eq3A_534 = arith.cmpi eq, %eq3A_532, %eq3A_533 : vector<128x128xi32>
      %convert_element_type3A_535 = arith.extui %eq3A_534 : vector<128x128xi1> to vector<128x128xi32>
      %convert_element_type3A_536 = arith.sitofp %convert_element_type3A_535 : vector<128x128xi32> to vector<128x128xf32>
      %jit3A_537 = arith.constant 2 : i32
      %eq3A_538 = arith.constant 0 : i32
      %eq3A_539 = arith.cmpi eq, %jit3A_537, %eq3A_538 : i32
      %jit3A_540 = arith.constant 1 : i32
      %select_n3A_541 = arith.select %eq3A_539, %jit3A_540, %jit3A_537 : i32
      %rem3A_542 = arith.remsi %while3A_117, %select_n3A_541 : i32
      %ne3A_543 = arith.constant 0 : i32
      %ne3A_544 = arith.cmpi ne, %rem3A_542, %ne3A_543 : i32
      %lt3A_545 = arith.constant 0 : i32
      %lt3A_546 = arith.cmpi slt, %rem3A_542, %lt3A_545 : i32
      %lt3A_547 = arith.constant 0 : i32
      %lt3A_548 = arith.cmpi slt, %select_n3A_541, %lt3A_547 : i32
      %ne3A_549 = arith.xori %lt3A_546, %lt3A_548 : i1
      %and3A_550 = arith.andi %ne3A_549, %ne3A_544 : i1
      %add3A_551 = arith.addi %rem3A_542, %select_n3A_541 : i32
      %select_n3A_552 = arith.select %and3A_550, %add3A_551, %rem3A_542 : i32
      %mul3A_553 = arith.constant 8 : i32
      %mul3A_554 = arith.muli %select_n3A_552, %mul3A_553 : i32
      %add3A_555 = arith.constant 6 : i32
      %add3A_556 = arith.addi %mul3A_554, %add3A_555 : i32
      %mul3A_557 = arith.constant 128 : i32
      %mul3A_558 = arith.muli %add3A_556, %mul3A_557 : i32
      %get3A_559 = arith.index_cast %mul3A_558 : i32 to index
      %get3A_560 = arith.constant 0 : index
      %get3A_561 = vector.load %arg13[%get3A_559, %get3A_560] : memref<2048x128xf32, #tpu.memory_space<vmem>>, vector<128x128xf32>
      %dot_general3A_562 = arith.constant dense<0.000000e+00> : vector<128x128xf32>
      %dot_general3A_563 = tpu.matmul %convert_element_type3A_536, %get3A_561, %dot_general3A_562 {dimension_numbers = #tpu.dot_dimension_numbers<[1], [0], [0], [1], [0, 0, 1, 1], [], []>, transpose_lhs_hint = false} : vector<128x128xf32>, vector<128x128xf32>, vector<128x128xf32> -> vector<128x128xf32>
      %add3A_564 = arith.addf %add3A_508, %dot_general3A_563 : vector<128x128xf32>
      %jit3A_565 = arith.constant 2 : i32
      %eq3A_566 = arith.constant 0 : i32
      %eq3A_567 = arith.cmpi eq, %jit3A_565, %eq3A_566 : i32
      %jit3A_568 = arith.constant 1 : i32
      %select_n3A_569 = arith.select %eq3A_567, %jit3A_568, %jit3A_565 : i32
      %rem3A_570 = arith.remsi %while3A_117, %select_n3A_569 : i32
      %ne3A_571 = arith.constant 0 : i32
      %ne3A_572 = arith.cmpi ne, %rem3A_570, %ne3A_571 : i32
      %lt3A_573 = arith.constant 0 : i32
      %lt3A_574 = arith.cmpi slt, %rem3A_570, %lt3A_573 : i32
      %lt3A_575 = arith.constant 0 : i32
      %lt3A_576 = arith.cmpi slt, %select_n3A_569, %lt3A_575 : i32
      %ne3A_577 = arith.xori %lt3A_574, %lt3A_576 : i1
      %and3A_578 = arith.andi %ne3A_577, %ne3A_572 : i1
      %add3A_579 = arith.addi %rem3A_570, %select_n3A_569 : i32
      %select_n3A_580 = arith.select %and3A_578, %add3A_579, %rem3A_570 : i32
      %mul3A_581 = arith.constant 8 : i32
      %mul3A_582 = arith.muli %select_n3A_580, %mul3A_581 : i32
      %add3A_583 = arith.constant 7 : i32
      %add3A_584 = arith.addi %mul3A_582, %add3A_583 : i32
      %get3A_585 = arith.index_cast %add3A_584 : i32 to index
      %get3A_586 = arith.constant 0 : index
      %get3A_587 = vector.load %arg14[%get3A_585, %get3A_586] : memref<16x128xi32, #tpu.memory_space<vmem>>, vector<1x128xi32>
      %eq3A_588 = vector.broadcast %get3A_587 : vector<1x128xi32> to vector<128x128xi32>
      %eq3A_589 = vector.broadcast %add3A_4 : vector<128x1xi32> to vector<128x128xi32>
      %eq3A_590 = arith.cmpi eq, %eq3A_588, %eq3A_589 : vector<128x128xi32>
      %convert_element_type3A_591 = arith.extui %eq3A_590 : vector<128x128xi1> to vector<128x128xi32>
      %convert_element_type3A_592 = arith.sitofp %convert_element_type3A_591 : vector<128x128xi32> to vector<128x128xf32>
      %jit3A_593 = arith.constant 2 : i32
      %eq3A_594 = arith.constant 0 : i32
      %eq3A_595 = arith.cmpi eq, %jit3A_593, %eq3A_594 : i32
      %jit3A_596 = arith.constant 1 : i32
      %select_n3A_597 = arith.select %eq3A_595, %jit3A_596, %jit3A_593 : i32
      %rem3A_598 = arith.remsi %while3A_117, %select_n3A_597 : i32
      %ne3A_599 = arith.constant 0 : i32
      %ne3A_600 = arith.cmpi ne, %rem3A_598, %ne3A_599 : i32
      %lt3A_601 = arith.constant 0 : i32
      %lt3A_602 = arith.cmpi slt, %rem3A_598, %lt3A_601 : i32
      %lt3A_603 = arith.constant 0 : i32
      %lt3A_604 = arith.cmpi slt, %select_n3A_597, %lt3A_603 : i32
      %ne3A_605 = arith.xori %lt3A_602, %lt3A_604 : i1
      %and3A_606 = arith.andi %ne3A_605, %ne3A_600 : i1
      %add3A_607 = arith.addi %rem3A_598, %select_n3A_597 : i32
      %select_n3A_608 = arith.select %and3A_606, %add3A_607, %rem3A_598 : i32
      %mul3A_609 = arith.constant 8 : i32
      %mul3A_610 = arith.muli %select_n3A_608, %mul3A_609 : i32
      %add3A_611 = arith.constant 7 : i32
      %add3A_612 = arith.addi %mul3A_610, %add3A_611 : i32
      %mul3A_613 = arith.constant 128 : i32
      %mul3A_614 = arith.muli %add3A_612, %mul3A_613 : i32
      %get3A_615 = arith.index_cast %mul3A_614 : i32 to index
      %get3A_616 = arith.constant 0 : index
      %get3A_617 = vector.load %arg13[%get3A_615, %get3A_616] : memref<2048x128xf32, #tpu.memory_space<vmem>>, vector<128x128xf32>
      %dot_general3A_618 = arith.constant dense<0.000000e+00> : vector<128x128xf32>
      %dot_general3A_619 = tpu.matmul %convert_element_type3A_592, %get3A_617, %dot_general3A_618 {dimension_numbers = #tpu.dot_dimension_numbers<[1], [0], [0], [1], [0, 0, 1, 1], [], []>, transpose_lhs_hint = false} : vector<128x128xf32>, vector<128x128xf32>, vector<128x128xf32> -> vector<128x128xf32>
      %add3A_620 = arith.addf %add3A_564, %dot_general3A_619 : vector<128x128xf32>
      scf.yield %add3A_620 : vector<128x128xf32>
    }
    %reduce_sum3A = arith.constant dense<0.000000e+00> : vector<128xf32>
    %reduce_sum3A_40 = vector.multi_reduction <add>, %while3A_39, %reduce_sum3A [1] : vector<128x128xf32> to vector<128xf32>
    %broadcast_in_dim3A = vector.shape_cast %reduce_sum3A_40 : vector<128xf32> to vector<128x1xf32>
    %div3A_41 = arith.constant 1.280000e+02 : f32
    %div3A_42 = vector.broadcast %div3A_41 : f32 to vector<128x1xf32>
    %div3A_43 = arith.divf %broadcast_in_dim3A, %div3A_42 : vector<128x1xf32>
    %sub3A_44 = vector.broadcast %div3A_43 : vector<128x1xf32> to vector<128x128xf32>
    %sub3A_45 = arith.subf %while3A_39, %sub3A_44 : vector<128x128xf32>
    %integer_pow3A = arith.mulf %sub3A_45, %sub3A_45 : vector<128x128xf32>
    %reduce_sum3A_46 = arith.constant dense<0.000000e+00> : vector<128xf32>
    %reduce_sum3A_47 = vector.multi_reduction <add>, %integer_pow3A, %reduce_sum3A_46 [1] : vector<128x128xf32> to vector<128xf32>
    %broadcast_in_dim3A_48 = vector.shape_cast %reduce_sum3A_47 : vector<128xf32> to vector<128x1xf32>
    %div3A_49 = arith.constant 1.280000e+02 : f32
    %div3A_50 = vector.broadcast %div3A_49 : f32 to vector<128x1xf32>
    %div3A_51 = arith.divf %broadcast_in_dim3A_48, %div3A_50 : vector<128x1xf32>
    %sub3A_52 = vector.broadcast %div3A_43 : vector<128x1xf32> to vector<128x128xf32>
    %sub3A_53 = arith.subf %while3A_39, %sub3A_52 : vector<128x128xf32>
    %add3A_54 = arith.constant 9.99999974E-6 : f32
    %add3A_55 = vector.broadcast %add3A_54 : f32 to vector<128x1xf32>
    %add3A_56 = arith.addf %div3A_51, %add3A_55 : vector<128x1xf32>
    %rsqrt3A = math.rsqrt %add3A_56 : vector<128x1xf32>
    %mul3A_57 = vector.broadcast %rsqrt3A : vector<128x1xf32> to vector<128x128xf32>
    %mul3A_58 = arith.mulf %sub3A_53, %mul3A_57 : vector<128x128xf32>
    %get3A_59 = arith.constant 0 : index
    %get3A_60 = arith.constant 0 : index
    %get3A_61 = vector.load %arg6[%get3A_59, %get3A_60] : memref<1x128xf32, #tpu.memory_space<vmem>>, vector<1x128xf32>
    %mul3A_62 = vector.broadcast %get3A_61 : vector<1x128xf32> to vector<128x128xf32>
    %mul3A_63 = arith.mulf %mul3A_58, %mul3A_62 : vector<128x128xf32>
    %get3A_64 = arith.constant 0 : index
    %get3A_65 = arith.constant 0 : index
    %get3A_66 = vector.load %arg7[%get3A_64, %get3A_65] : memref<1x128xf32, #tpu.memory_space<vmem>>, vector<1x128xf32>
    %add3A_67 = vector.broadcast %get3A_66 : vector<1x128xf32> to vector<128x128xf32>
    %add3A_68 = arith.addf %mul3A_63, %add3A_67 : vector<128x128xf32>
    %max3A = arith.constant 0.000000e+00 : f32
    %max3A_69 = vector.broadcast %max3A : f32 to vector<128x128xf32>
    %max3A_70 = arith.maximumf %add3A_68, %max3A_69 : vector<128x128xf32>
    %get3A_71 = arith.constant 0 : index
    %get3A_72 = arith.constant 0 : index
    %get3A_73 = vector.load %arg5[%get3A_71, %get3A_72] : memref<128x128xf32, #tpu.memory_space<vmem>>, vector<128x128xf32>
    %dot_general3A = arith.constant dense<0.000000e+00> : vector<128x128xf32>
    %dot_general3A_74 = tpu.matmul %max3A_70, %get3A_73, %dot_general3A {dimension_numbers = #tpu.dot_dimension_numbers<[1], [0], [0], [1], [0, 0, 1, 1], [], []>, transpose_lhs_hint = false} : vector<128x128xf32>, vector<128x128xf32>, vector<128x128xf32> -> vector<128x128xf32>
    %reduce_sum3A_75 = arith.constant dense<0.000000e+00> : vector<128xf32>
    %reduce_sum3A_76 = vector.multi_reduction <add>, %dot_general3A_74, %reduce_sum3A_75 [1] : vector<128x128xf32> to vector<128xf32>
    %broadcast_in_dim3A_77 = vector.shape_cast %reduce_sum3A_76 : vector<128xf32> to vector<128x1xf32>
    %div3A_78 = arith.constant 1.280000e+02 : f32
    %div3A_79 = vector.broadcast %div3A_78 : f32 to vector<128x1xf32>
    %div3A_80 = arith.divf %broadcast_in_dim3A_77, %div3A_79 : vector<128x1xf32>
    %sub3A_81 = vector.broadcast %div3A_80 : vector<128x1xf32> to vector<128x128xf32>
    %sub3A_82 = arith.subf %dot_general3A_74, %sub3A_81 : vector<128x128xf32>
    %integer_pow3A_83 = arith.mulf %sub3A_82, %sub3A_82 : vector<128x128xf32>
    %reduce_sum3A_84 = arith.constant dense<0.000000e+00> : vector<128xf32>
    %reduce_sum3A_85 = vector.multi_reduction <add>, %integer_pow3A_83, %reduce_sum3A_84 [1] : vector<128x128xf32> to vector<128xf32>
    %broadcast_in_dim3A_86 = vector.shape_cast %reduce_sum3A_85 : vector<128xf32> to vector<128x1xf32>
    %div3A_87 = arith.constant 1.280000e+02 : f32
    %div3A_88 = vector.broadcast %div3A_87 : f32 to vector<128x1xf32>
    %div3A_89 = arith.divf %broadcast_in_dim3A_86, %div3A_88 : vector<128x1xf32>
    %sub3A_90 = vector.broadcast %div3A_80 : vector<128x1xf32> to vector<128x128xf32>
    %sub3A_91 = arith.subf %dot_general3A_74, %sub3A_90 : vector<128x128xf32>
    %add3A_92 = arith.constant 9.99999974E-6 : f32
    %add3A_93 = vector.broadcast %add3A_92 : f32 to vector<128x1xf32>
    %add3A_94 = arith.addf %div3A_89, %add3A_93 : vector<128x1xf32>
    %rsqrt3A_95 = math.rsqrt %add3A_94 : vector<128x1xf32>
    %mul3A_96 = vector.broadcast %rsqrt3A_95 : vector<128x1xf32> to vector<128x128xf32>
    %mul3A_97 = arith.mulf %sub3A_91, %mul3A_96 : vector<128x128xf32>
    %get3A_98 = arith.constant 0 : index
    %get3A_99 = arith.constant 0 : index
    %get3A_100 = vector.load %arg8[%get3A_98, %get3A_99] : memref<1x128xf32, #tpu.memory_space<vmem>>, vector<1x128xf32>
    %mul3A_101 = vector.broadcast %get3A_100 : vector<1x128xf32> to vector<128x128xf32>
    %mul3A_102 = arith.mulf %mul3A_97, %mul3A_101 : vector<128x128xf32>
    %get3A_103 = arith.constant 0 : index
    %get3A_104 = arith.constant 0 : index
    %get3A_105 = vector.load %arg9[%get3A_103, %get3A_104] : memref<1x128xf32, #tpu.memory_space<vmem>>, vector<1x128xf32>
    %add3A_106 = vector.broadcast %get3A_105 : vector<1x128xf32> to vector<128x128xf32>
    %add3A_107 = arith.addf %mul3A_102, %add3A_106 : vector<128x128xf32>
    %get3A_108 = arith.constant 0 : index
    %get3A_109 = arith.constant 0 : index
    %get3A_110 = vector.load %arg4[%get3A_108, %get3A_109] : memref<128x128xf32, #tpu.memory_space<vmem>>, vector<128x128xf32>
    %add3A_111 = arith.addf %add3A_107, %get3A_110 : vector<128x128xf32>
    %max3A_112 = arith.constant 0.000000e+00 : f32
    %max3A_113 = vector.broadcast %max3A_112 : f32 to vector<128x128xf32>
    %max3A_114 = arith.maximumf %add3A_111, %max3A_113 : vector<128x128xf32>
    %swap3A = arith.constant 0 : index
    %swap3A_115 = arith.constant 0 : index
    %swap3A_116 = vector.load %arg12[%swap3A, %swap3A_115] : memref<128x128xf32, #tpu.memory_space<vmem>>, vector<128x128xf32>
    tpu.vector_store %arg12[%swap3A, %swap3A_115], %max3A_114 {strides = array<i32>} : memref<128x128xf32, #tpu.memory_space<vmem>>, vector<128x128xf32>,
    return
  }
  func.func @transform_0(%arg0: i32, %arg1: memref<784xi32, #tpu.memory_space<smem>>, %arg2: memref<784xi32, #tpu.memory_space<smem>>) -> (i32, i32) {
    %c0_i32 = arith.constant 0 : i32
    %c0_i32_0 = arith.constant 0 : i32
    return %arg0, %c0_i32 : i32, i32
  }
  func.func @transform_1(%arg0: i32, %arg1: memref<784xi32, #tpu.memory_space<smem>>, %arg2: memref<784xi32, #tpu.memory_space<smem>>) -> (i32, i32) {
    %c0_i32 = arith.constant 0 : i32
    %c0_i32_0 = arith.constant 0 : i32
    return %arg0, %c0_i32 : i32, i32
  }
  func.func @transform_2(%arg0: i32, %arg1: memref<784xi32, #tpu.memory_space<smem>>, %arg2: memref<784xi32, #tpu.memory_space<smem>>) -> (i32, i32) {
    %c0_i32 = arith.constant 0 : i32
    %c0_i32_0 = arith.constant 0 : i32
    %c0_i32_1 = arith.constant 0 : i32
    return %c0_i32, %c0_i32_0 : i32, i32
  }
  func.func @transform_3(%arg0: i32, %arg1: memref<784xi32, #tpu.memory_space<smem>>, %arg2: memref<784xi32, #tpu.memory_space<smem>>) -> (i32, i32) {
    %c0_i32 = arith.constant 0 : i32
    %c0_i32_0 = arith.constant 0 : i32
    %c0_i32_1 = arith.constant 0 : i32
    return %c0_i32, %c0_i32_0 : i32, i32
  }
  func.func @transform_4(%arg0: i32, %arg1: memref<784xi32, #tpu.memory_space<smem>>, %arg2: memref<784xi32, #tpu.memory_space<smem>>) -> (i32, i32) {
    %c0_i32 = arith.constant 0 : i32
    %c0_i32_0 = arith.constant 0 : i32
    %c0_i32_1 = arith.constant 0 : i32
    return %c0_i32, %c0_i32_0 : i32, i32
  }
  func.func @transform_5(%arg0: i32, %arg1: memref<784xi32, #tpu.memory_space<smem>>, %arg2: memref<784xi32, #tpu.memory_space<smem>>) -> (i32, i32) {
    %c0_i32 = arith.constant 0 : i32
    %c0_i32_0 = arith.constant 0 : i32
    %c0_i32_1 = arith.constant 0 : i32
    return %c0_i32, %c0_i32_0 : i32, i32
  }
  func.func @transform_6(%arg0: i32, %arg1: memref<784xi32, #tpu.memory_space<smem>>, %arg2: memref<784xi32, #tpu.memory_space<smem>>) -> (i32, i32) {
    %c0_i32 = arith.constant 0 : i32
    %c0_i32_0 = arith.constant 0 : i32
    %c0_i32_1 = arith.constant 0 : i32
    return %c0_i32, %c0_i32_0 : i32, i32
  }
  func.func @transform_9(%arg0: i32, %arg1: memref<784xi32, #tpu.memory_space<smem>>, %arg2: memref<784xi32, #tpu.memory_space<smem>>) -> (i32, i32) {
    %c0_i32 = arith.constant 0 : i32
    %c0_i32_0 = arith.constant 0 : i32
    return %arg0, %c0_i32 : i32, i32
  }
}

</mosaic_0001>

<sc_bundles>
// kernel: gather_offload_async_start.1
scs
__scs_entry_jumppad:
0x0: {  	(pc) =	sbr.rel $0x88, $3  }
0x1: {  	(tag) =	ssettag $0x0;
	lr =	simm.s32 $0x1  }
0x2: {  	[smem:$0x3F97] =	sst lr;
	_ =	strace $0xD0000000  }
0x3: {  	_ = 	snop  }
0x4: {  	_ = 	snop  }
0x5: {  	_ = 	snop  }
0x6: {  	_ = 	snop  }
0x7: {  	_ = 	snop  }
__scs_overlays_trampoline_lowered:
0x8: {  	[smem:$0x3FA6] =	sst s0  }
0x9: {  	[smem:$0x3FA7] =	sst s1  }
0xa: {  	[smem:$0x3FA8] =	sst s2  }
0xb: {  	[smem:$0x3FA9] =	sst s3  }
0xc: {  	[smem:$0x3FAA] =	sst s4  }
0xd: {  	[smem:$0x3FAB] =	sst s5  }
0xe: {  	[smem:$0x3FAC] =	sst s6  }
0xf: {  	[smem:$0x3FAD] =	sst s7  }
0x10: {  	[smem:$0x3FAE] =	sst s8  }
0x11: {  	[smem:$0x3FAF] =	sst s9;
	s0 =	simm.s32 @!p0 $0x0  }
0x12: {  	s1 =	sld [smem:$0x3F95];
	s0 =	simm.s32 @p0 $0x1  }
0x13: {  	[smem:$0x3FB0] =	sst s0;
	s0 =	simm.s32 @!p1 $0x0  }
0x14: {  	s2 =	sld [smem:$0x3F94];
	s0 =	simm.s32 @p1 $0x1  }
0x15: {  	[smem:$0x3FB1] =	sst s0;
	s0 =	simm.s32 @!p2 $0x0  }
0x16: {  	s3 =	sld [smem:$0x3FDB];
	s0 =	simm.s32 @p2 $0x1  }
0x17: {  	s4 =	simm.s32 $0x1BF5;
	[smem:$0x3FB3] =	sst s0  }
0x18: {  	s0 =	sld [smem:$0x3F96];
	_ =	swait.ge [sflag:s4], $0x0  }
0x19: {  	s7 =	sld [smem:$0x3F97]  }
0x1a: {  	s8 =	sadd.s32 $0xFFFFE003, lr  }
0x1b: {  	s9 =	sadd.s32 $0xFFFFFEF7, lr;
	s5 =	simm.s32 $0xFFFFFFFF;
	p2 =	slt.u32 s8, $0xFFFFF086  }
0x1c: {  	p1 =	slt.u32 s9, $0xF7A;
	s5 =	simm.s32 @!p2 $0x0  }
0x1d: {  	s5 =	simm.s32 @p1 $0x1;
	p0 =	seq.s32 s7, s2  }
0x1e: {  	s7 =	smul.u32 @!p0 $0xF7A, s2;
	p2 =	seq.s32 @!p0 s5, $0x0  }
0x1f: {  	s9 =	smul.u32 $0xF7A, s1;
	s8 =	simm.s32 @!p0 $0x1BF5;
	p2 =	por !p2, p0  }
0x20: {  	[sflag:s8] =	ssyncset.s32 @!p0 $0xFFFFF086;
	s6 =	sadd.s32 @!p0 s3, s7;
	s7 =	simm.s32 @!p0 $0x108  }
0x21: {  	s3 =	sadd.s32 s3, s9;
	s6 =	sadd.s32 @!p0 $0x88, s6;
	s7 =	simm.s32 @p2 $0x1082  }
0x22: {  	[simem:s7], [sflag:s8] =	dma.local @!p0 [hbm:s6], $0xF7A  }
0x23: {  	s9 =	sor.u32 $0xD0000000, s2;
	s6 =	simm.s32 $0x108;
	_ =	swait.ge @!p0 [sflag:s8], $0x0  }
0x24: {  	s3 =	sadd.s32 $0x88, s3;
	s6 =	simm.s32 @!p1 $0x1082;
	[sflag:s4] =	ssyncset.s32 $0xFFFFF086  }
0x25: {  	[simem:s6], [sflag:s4] =	dma.local [hbm:s3], $0xF7A  }
0x26: {  	[smem:$0x3F97] =	sst s1;
	(tag) =	ssettag s2;
	_ =	strace s9  }
0x27: {  	s1 =	sld [smem:$0x3FA7]  }
0x28: {  	s2 =	sld [smem:$0x3FA8]  }
0x29: {  	s4 =	sld [smem:$0x3FAA]  }
0x2a: {  	p0 =	seq.s32 s5, $0x0;
	s5 =	sld [smem:$0x3FAB]  }
0x2b: {  	s6 =	sld [smem:$0x3FAC]  }
0x2c: {  	s7 =	sld [smem:$0x3FAD]  }
0x2d: {  	s3 =	simm.s32 $0x108;
	s8 =	sld [smem:$0x3FAE]  }
0x2e: {  	s3 =	simm.s32 @!p0 $0x1082;
	s9 =	sld [smem:$0x3FAF]  }
0x2f: {  	lr =	sadd.s32 s0, s3;
	s0 =	sld [smem:$0x3FA6]  }
0x30: {  	s3 =	sld [smem:$0x3FA9]  }
0x31: {  	[smem:$0x3FB2] =	sst s10  }
0x32: {  	s10 =	sld [smem:$0x3FB0];
	_ =	sdelay $0x3  }
0x33: {  	p0 =	seq.s32 s10, $0x1;
	s10 =	sld [smem:$0x3FB2];
	_ =	sdelay $0x3  }
0x34: {  	[smem:$0x3FB2] =	sst s10  }
0x35: {  	s10 =	sld [smem:$0x3FB1];
	_ =	sdelay $0x3  }
0x36: {  	p1 =	seq.s32 s10, $0x1;
	s10 =	sld [smem:$0x3FB2];
	_ =	sdelay $0x3  }
0x37: {  	[smem:$0x3FB2] =	sst s10  }
0x38: {  	s10 =	sld [smem:$0x3FB3]  }
0x39: {  	_ = 	snop;
	(pc) =	sbr.ind lr, $3  }
0x3a: {  	_ = 	snop  }
0x3b: {  	_ = 	snop  }
0x3c: {  	p2 =	seq.s32 s10, $0x1;
	s10 =	sld [smem:$0x3FB2]  }
0x3d: {  	_ =	shalt  }
0x3e: {  	_ =	shalt  }
0x3f: {  	_ =	shalt  }
0x40: {  	_ =	shalt  }
0x41: {  	_ =	shalt  }
0x42: {  	_ =	shalt  }
0x43: {  	_ =	shalt  }
0x44: {  	_ =	shalt  }
0x45: {  	_ =	shalt  }
0x46: {  	_ =	shalt  }
0x47: {  	_ =	shalt  }
0x48: {  	_ =	shalt  }
0x49: {  	_ =	shalt  }
0x4a: {  	_ =	shalt  }
0x4b: {  	_ =	shalt  }
0x4c: {  	_ =	shalt  }
0x4d: {  	_ =	shalt  }
0x4e: {  	_ =	shalt  }
0x4f: {  	_ =	shalt  }
0x50: {  	_ =	shalt  }
0x51: {  	_ =	shalt  }
0x52: {  	_ =	shalt  }
0x53: {  	_ =	shalt  }
0x54: {  	_ =	shalt  }
0x55: {  	_ =	shalt  }
0x56: {  	_ =	shalt  }
0x57: {  	_ =	shalt  }
0x58: {  	_ =	shalt  }
0x59: {  	_ =	shalt  }
0x5a: {  	_ =	shalt  }
0x5b: {  	_ =	shalt  }
0x5c: {  	_ =	shalt  }
0x5d: {  	_ =	shalt  }
0x5e: {  	_ =	shalt  }
0x5f: {  	_ =	shalt  }
0x60: {  	_ =	shalt  }
0x61: {  	_ =	shalt  }
0x62: {  	_ =	shalt  }
0x63: {  	_ =	shalt  }
0x64: {  	_ =	shalt  }
0x65: {  	_ =	shalt  }
0x66: {  	_ =	shalt  }
0x67: {  	_ =	shalt  }
0x68: {  	_ =	shalt  }
0x69: {  	_ =	shalt  }
0x6a: {  	_ =	shalt  }
0x6b: {  	_ =	shalt  }
0x6c: {  	_ =	shalt  }
0x6d: {  	_ =	shalt  }
0x6e: {  	_ =	shalt  }
0x6f: {  	_ =	shalt  }
0x70: {  	_ =	shalt  }
0x71: {  	_ =	shalt  }
0x72: {  	_ =	shalt  }
0x73: {  	_ =	shalt  }
0x74: {  	_ =	shalt  }
0x75: {  	_ =	shalt  }
0x76: {  	_ =	shalt  }
0x77: {  	_ =	shalt  }
0x78: {  	_ =	shalt  }
0x79: {  	_ =	shalt  }
0x7a: {  	_ =	shalt  }
0x7b: {  	_ =	shalt  }
0x7c: {  	_ =	shalt  }
0x7d: {  	_ =	shalt  }
0x7e: {  	_ =	shalt  }
0x7f: {  	_ =	shalt  }
0x80: {  	_ =	shalt  }
0x81: {  	_ =	shalt  }
0x82: {  	_ =	shalt  }
0x83: {  	_ =	shalt  }
0x84: {  	_ =	shalt  }
0x85: {  	_ =	shalt  }
0x86: {  	_ =	shalt  }
0x87: {  	_ =	shalt  }
.Lfunc_end0:
.L_simem_size_0:
called_computation.1_lowered:
.L_overlay_start_0:
0x88: {  	s2 =	sld [smem:$0x3FD9]  }
0x89: {  	s3 =	sld [smem:$0x3FFE];
	_ =	sdelay $0x1  }
0x8a: {  	s1 =	srdreg.scid  }
0x8b: {  	s0 =	sand.u32 $0x1, s1  }
0x8c: {  	s16 =	sshll.u32 s0, $0xA;
	s2 =	sadd.s32 s3, s2  }
0x8d: {  	s2 =	sadd.s32 s2, s16  }
0x8e: {  	[smem:$0x3FBE] =	sst s2  }
0x8f: {  	_ = 	snop  }
0x90: {  	(tm) =	ssettm $0x1  }
0x91: {  	s17 =	sld [smem:$0x3FFB];
	_ =	sdelay $0x3  }
0x92: {  	_ =	strace s17  }
0x93: {  	s2 =	sld [smem:$0x3FFC];
	_ =	sdelay $0x3  }
0x94: {  	_ =	strace s2  }
0x95: {  	s2 =	sld [smem:$0x3FFD];
	_ =	sdelay $0x3  }
0x96: {  	_ =	strace s2  }
0x97: {  	_ =	strace $0x8FFFFFFF  }
0x98: {  	s18 =	sld [smem:$0x3FDB];
	_ =	sdelay $0x1  }
0x99: {  	s19 =	simm.s32 $_scs_section_size  }
0x9a: {  	s4 =	simm.s32 $_size__tile_overlayer_lowered;
	s5 =	simm.s32 $_tile_overlayer_lowered  }
0x9b: {  	s22 =	simm.s32 $0x1BFF;
	s21 =	sshll.u32 s5, $0x1;
	s2 =	sadd.s32 s19, s18  }
0x9c: {  	s6 =	simm.s32 $0x0;
	s20 =	sshll.u32 s4, $0x1;
	s4 =	sadd.s32 s21, s2  }
0x9d: {  	[timem:s6], [sflag:s22] =	dma.local [hbm:s4], s20  }
0x9e: {  	_ =	swait.ge [sflag:s22], s20  }
0x9f: {  	s3 =	ssub.s32 $0x0, s20;
	[sflag:s22] =	ssyncset.done $0x0  }
0xa0: {  	[sflag:s22] =	ssyncadd.s32 s3;
	_ =	sdelay $0x1  }
0xa1: {  	s23 =	simm.s32 $0x1B8B  }
0xa2: {  	_ =	swait.ge [sflag:s23], $0x1  }
0xa3: {  	[sflag:s23] =	ssyncset.done $0x0  }
0xa4: {  	s25 =	simm.s32 $0x1B8E;
	s24 =	sld [smem:$0x3FFE];
	[sflag:s23] =	ssyncadd.s32 $0xFFFFFFFF  }
0xa5: {  	s26 =	simm.s32 $execute0_lowered;
	[smem:$0x3FD2] =	sst s25  }
0xa6: {  	s4 =	sshll.u32 s26, $0x1;
	_ =	strace $0x80000046;
	[dreg:$0x1] =	wrdreg $0xFFFFFFFF  }
0xa7: {  	s28 =	simm.s32 $_size_execute0_lowered;
	s2 =	sadd.s32 s2, s4;
	[dreg:$0x0] =	wrdreg $0x0  }
0xa8: {  	s4 =	sshll.u32 s28, $0x1;
	[dreg:$0x2] =	wrdreg s2  }
0xa9: {  	[dreg:$0x3] =	wrdreg s4  }
0xaa: {  	[dreg:$0x4] =	wrdreg $0xC0  }
0xab: {  	_ =	task [dreg:s6], $0x5FFFF  }
0xac: {  	[dreg:$0x1] =	wrdreg $0xFFFFFFFF  }
0xad: {  	[dreg:$0x0] =	wrdreg $0x60  }
0xae: {  	[dreg:$0x2] =	wrdreg s24  }
0xaf: {  	[dreg:$0x3] =	wrdreg $0xA  }
0xb0: {  	_ =	task.clear_ibuf [dreg:s6], $0x4FFFF;
	_ =	strace $0x90000046  }
0xb1: {  	s29 =	simm.s32 $0xA;
	_ =	strace $0x80000048  }
0xb2: {  	_ =	swait.ge [sflag:s29], $0x1  }
0xb3: {  	[sflag:s29] =	ssyncadd.s32 $0xFFFFFFFF  }
0xb4: {  	_ =	strace $0x90000048  }
0xb5: {  	_ =	sfence  }
0xb6: {  	s30 =	sld [smem:$0x0];
	_ =	sdelay $0x2  }
0xb7: {  	s31 =	sshll.u32 s1, $0xD;
	s1 =	sshrl.u32 s1, $0x2  }
0xb8: {  	s3 =	sand.u32 $0x4000, s31;
	s1 =	sadd.s32 s1, s30  }
0xb9: {  	s0 =	sor.u32 s3, s0;
	s1 =	sshll.u32 s1, $0x11  }
0xba: {  	s0 =	sor.u32 s1, s0  }
0xbb: {  	s0 =	sadd.s32 $0x8F2B, s0  }
0xbc: {  	[sflag:s0] =	ssyncadd.remote.s32 $0x1  }
0xbd: {  	_ =	sfence.sel $0xFFFF  }
0xbe: {  	[dreg:$0x0] =	wrdreg $0xFFFFFFFF;
	(pc) =	sbr.abs _section_cstart, $3  }
0xbf: {  	[dreg:$0x1] =	wrdreg $0xFFFFFFFF  }
0xc0: {  	_ =	task.clear_ibuf [dreg:s6], $0x2FFFF;
	_ =	strace $0x9FFFFFFF  }
0xc1: {  	(tm) =	ssettm $0x7FFFFFFF  }
tec
execute0_lowered:
.L_overlay_start_1:
0x0: {  	(tag) =	ssettag $0x1  }
0x1: {  	s8 =	rddreg [dreg:$0x0]  }
0x2: {  	s0 =	rddreg [dreg:$0x1];
	_ =	strace $0x80000047;
	s1 =	stileid.u32  }
0x3: {  	s3 =	srdreg.scid;
	s4 =	simm.s32 $0x1;
	s7 =	simm.s32 $0x1  }
0x4: {  	s9 =	simm.s32 $0x1;
	s10 =	simm.s32 $0x3;
	s13 =	simm.s32 $0x0  }
0x5: {  	s12 =	simm.s32 $0x0;
	s5 =	sand.u32 $0x1, s3;
	s6 =	sshll.u32 s1, $0x1  }
0x6: {  	s2 =	sadd.s32 $0x29800, s8;
	s3 =	sadd.s32 $0x18600, s8;
	s5 =	sor.u32 s6, s5  }
.Ltmp0:
0x7: {  	[sflag:s4] =	ssyncpa.u1 $0x0;
	p0 =	slt.u32 s5, $0x9;
	(pc) =	sbr.rel .LBB2_1-.Ltmp0, $4  }
0x8: {  	s6 =	simm.s32 $0x2;
	s7 =	simm.s32 @!p0 $0x0;
	p0 =	sne.s32 s5, $0x8  }
0x9: {  	[sflag:s6] =	ssyncpa.u1 $0x0;
	s5 =	smul.u32 $0x36B0, s5;
	s9 =	simm.s32 @!p0 $0x0  }
0xa: {  	s8 =	sadd.s32 $0x18BAA00, s8;
	[sflag:s10] =	ssyncpa.u1 $0x0;
	s7 =	sadd.s32 s9, s7  }
0xb: {  	vm0 =	vmmov $0xffff;
	s10 =	simm.s32 $0x0;
	s11 =	smov.u32 s5;
	s9 =	sadd.s32 $0x1, s7  }
.LBB2_4:
0xc: {  	v2 =	vnsel vm1, $0x0, v2  }
0xd: {  	vm1 =	vgt.s32 v0, $0x0;
	v2 =	vmin.u32 v2, $0x88B7F  }
0xe: {  	v0 =	vnsel vm1, $0x0, v0  }
0xf: {  	v0 =	vmin.u32 v0, $0x88B7F  }
0x10: {  	[tilespmem:s18], [sflag:$0x1] =	stream.indirect_vreg.gather [hbm4b:s2+s10], $0x1, v1, vm0, $0x4038;
	[tilespmem:$0xDAC0] =	vst v63  }
0x11: {  	(ifvalue) =	ssetifvalue $0x7FFFFFFF  }
0x12: {  	[tilespmem:s15], [sflag:$0x1] =	stream.indirect_vreg.gather [hbm4b:s2+s10], $0x1, v2, vm0, $0x4038;
	[tilespmem:$0xDAC0] =	vst v63  }
0x13: {  	s29 =	sadd.s32 $0x10, s15;
	(ifvalue) =	ssetifvalue $0x7FFFFFFF  }
0x14: {  	[tilespmem:s29], [sflag:$0x1] =	stream.indirect_vreg.gather [hbm4b:s2+s10], $0x1, v0, vm0, $0x4038;
	[tilespmem:$0xDAC0] =	vst v63  }
0x15: {  	_ =	swait.ge [sflag:s4], $0x36B0  }
0x16: {  	s30 =	sshrl.u32 s13, $0x3;
	[sflag:s4] =	ssyncset.done $0x0  }
0x17: {  	s31 =	sand.u32 $0x7, s13;
	s15 =	sadd.s32 s8, s30;
	[sflag:s4] =	ssyncadd.s32 $0xFFFFC950  }
0x18: {  	[hbm4b:s15+s31] =	stream.linear.scatter [tilespmem:s14], [sflag:$0x3], $0x36B0, $0x38;
	[tilespmem:$0xDAC0] =	vst v63  }
.LBB2_5:
0x19: {  	s15 =	sadd.s32 $0x6D600, s11  }
0x1a: {  	p1 =	sgt.s32 s15, $0x88B7F  }
0x1b: {  	s15 =	smov.u32 @p1 s5;
	p1 =	sne.s32 s12, s9  }
.Ltmp1:
0x1c: {  	p0 =	slt.u32 s12, $0x2;
	(pc) =	sbr.rel @!p1 .LBB2_6-.Ltmp1, $4  }
0x1d: {  	s14 =	simm.s32 @!p0 $0x3  }
0x1e: {  	_ =	swait.ge @!p0 [sflag:s14], $0x36B0  }
0x1f: {  	s16 =	sadd.s32 $0x1, s12;
	s13 =	smov.u32 s11;
	[sflag:s14] =	ssyncset.done @!p0 $0x0  }
0x20: {  	s12 =	smov.u32 s16;
	s11 =	smov.u32 s15;
	[sflag:s14] =	ssyncadd.s32 @!p0 $0xFFFFC950  }
.LBB2_1:
0x21: {  	p0 =	sge.u32 s12, s7  }
0x22: {  	s14 =	sxor.u32 @!p0 $0x1, s12  }
0x23: {  	s14 =	smul.u32 @!p0 $0xDAC0, s14  }
0x24: {  	s31 =	sadd.s32 $0xFFFFFFFF, s12;
	s15 =	sshrl.u32 @!p0 s11, $0x3  }
0x25: {  	s16 =	sand.u32 @!p0 $0x7, s11;
	s15 =	sadd.s32 @!p0 s3, s15;
	s14 =	sshra.s32 @!p0 s14, $0x2  }
0x26: {  	[tilespmem:s14], [sflag:$0x2] =	stream.linear.gather @!p0 [hbm4b:s15+s16], $0x36B0, $0x38;
	[tilespmem:$0xDAC0] =	vst v63  }
0x27: {  	p0 =	sge.u32 s31, s7  }
.Ltmp2:
0x28: {  	_ = 	snop;
	(pc) =	sbr.rel @p0 .LBB2_5-.Ltmp2, $1  }
0x29: {  	_ =	sdelay $0x3  }
0x2a: {  	s14 =	sand.u32 $0x1, s12  }
0x2b: {  	_ =	swait.ge [sflag:s6], $0x36B0;
	p0 =	seq.s32 s14, $0x1;
	s14 =	simm.s32 $0x36B0  }
0x2c: {  	[sflag:s6] =	ssyncset.done $0x0;
	s14 =	simm.s32 @!p0 $0x0  }
0x2d: {  	[sflag:s6] =	ssyncadd.s32 $0xFFFFC950;
	(ifvalue) =	ssetifvalue $0x7FFFFFFF;
	v0 =	vld.msk [tilespmem:s14+$0x0 ss:$0x1], $0xffff;
	_ =	sdelay $0x4  }
0x2e: {  	s15 =	sadd.s32 $0x10, s14;
	vm1 =	vgt.s32 v0, $0x0  }
0x2f: {  	v2 =	vld.msk [tilespmem:s15+$0x0 ss:$0x1], $0xffff;
	v1 =	vnsel vm1, $0x0, v0  }
0x30: {  	v1 =	vmin.u32 v1, $0x88B7F;
	_ =	sdelay $0x2  }
0x31: {  	s17 =	simm.s32 $0x20;
	s14 =	sadd.s32 $0x6D60, s14;
	s16 =	sadd.s32 $0x10, s15  }
0x32: {  	s15 =	sadd.s32 $0x10, s14;
	s18 =	smov.u32 s14;
	v0 =	vld.msk [tilespmem:s16+$0x0 ss:$0x1], $0xffff;
	vm1 =	vgt.s32 v2, $0x0;
	(ifvalue) =	ssetifvalue $0x7FFFFFFF  }
.LBB2_3:
0x33: {  	[tilespmem:s18], [sflag:$0x1] =	stream.indirect_vreg.gather [hbm4b:s2+s10], $0x1, v1, vm0, $0x4038;
	[tilespmem:$0xDAC0] =	vst v63  }
0x34: {  	s17 =	sadd.s32 $0x10, s17  }
0x35: {  	v2 =	vnsel vm1, $0x0, v2;
	p0 =	slt.u32 s17, $0x36A0  }
.Ltmp3:
0x36: {  	s18 =	smov.u32 s15;
	v1 =	vmin.u32 v2, $0x88B7F;
	(pc) =	sbr.rel @p0 .LBB2_3-.Ltmp3, $3  }
0x37: {  	_ =	sdelay $0x1  }
0x38: {  	s16 =	sadd.s32 $0x10, s16  }
0x39: {  	vm1 =	vgt.s32 v0, $0x0;
	s15 =	sadd.s32 $0x10, s15;
	v2 =	vmov v0;
	(ifvalue) =	ssetifvalue $0x7FFFFFFF;
	v0 =	vld.msk [tilespmem:s16+$0x0 ss:$0x1], $0xffff  }
.Ltmp4:
0x3a: {  	_ = 	snop;
	(pc) =	sbr.rel .LBB2_4-.Ltmp4, $1  }
0x3b: {  	_ =	sdelay $0x3  }
.LBB2_6:
0x3c: {  	_ =	sfence.sel $0x180000  }
0x3d: {  	s2 =	simm.s32 $0x2;
	[bflag:$0x0] =	sbarrier.arrive $0xFFFF  }
0x3e: {  	s30 =	simm.s32 $0x3;
	[sflag:s2] =	ssyncpa.u1 $0x1  }
0x3f: {  	s31 =	simm.s32 $0x1;
	[sflag:s30] =	ssyncpa.u1 $0x1  }
0x40: {  	[sflag:s31] =	ssyncpa.u1 $0x1  }
0x41: {  	p0 =	sne.s32 s1, $0x0;
	_ =	strace $0x90000047  }
0x42: {  	s0 =	sadd.s32 @!p0 $0x100000, s0;
	[bflag:$0x2] =	sbarrier.arrive $0xFFFF  }
0x43: {  	[sflag:s0] =	ssyncadd.tile.s32 @!p0 $0x1;
	_ =	shalt  }
.Lfunc_end2:
_tile_overlayer_lowered:
.L_overlay_start_2:
0x44: {  	(tag) =	ssettag $0x2  }
0x45: {  	s0 =	rddreg [dreg:$0x0];
	s2 =	stileid.u32  }
0x46: {  	s1 =	rddreg [dreg:$0x1];
	p0 =	sne.s32 s2, $0x0  }
0x47: {  	s3 =	rddreg [dreg:$0x2];
	[bflag:$0x3] =	sbarrier.arrive $0xFFFF;
	s2 =	simm.s32 @!p0 $0x1C01  }
0x48: {  	[timem:s3], [sflag:s2] =	dma.local @!p0 [hbm:s0], s1  }
0x49: {  	s0 =	simm.s32 @!p0 $0x1  }
0x4a: {  	_ =	swait.ge @!p0 [sflag:s0], s1  }
0x4b: {  	s1 =	ssub.s32 @!p0 $0x0, s1;
	[sflag:s0] =	ssyncset.done @!p0 $0x0  }
0x4c: {  	[sflag:s0] =	ssyncadd.s32 @!p0 s1  }
0x4d: {  	[bflag:$0x3] =	sbarrier.arrive $0xFFFF  }
0x4e: {  	_ =	shalt  }

// kernel: gather_offload_async_start
scs
__scs_entry_jumppad:
0x0: {  	(pc) =	sbr.rel $0x88, $3  }
0x1: {  	(tag) =	ssettag $0x0;
	lr =	simm.s32 $0x1  }
0x2: {  	[smem:$0x3F97] =	sst lr;
	_ =	strace $0xD0000000  }
0x3: {  	_ = 	snop  }
0x4: {  	_ = 	snop  }
0x5: {  	_ = 	snop  }
0x6: {  	_ = 	snop  }
0x7: {  	_ = 	snop  }
__scs_overlays_trampoline_lowered:
0x8: {  	[smem:$0x3FA6] =	sst s0  }
0x9: {  	[smem:$0x3FA7] =	sst s1  }
0xa: {  	[smem:$0x3FA8] =	sst s2  }
0xb: {  	[smem:$0x3FA9] =	sst s3  }
0xc: {  	[smem:$0x3FAA] =	sst s4  }
0xd: {  	[smem:$0x3FAB] =	sst s5  }
0xe: {  	[smem:$0x3FAC] =	sst s6  }
0xf: {  	[smem:$0x3FAD] =	sst s7  }
0x10: {  	[smem:$0x3FAE] =	sst s8  }
0x11: {  	[smem:$0x3FAF] =	sst s9;
	s0 =	simm.s32 @!p0 $0x0  }
0x12: {  	s1 =	sld [smem:$0x3F95];
	s0 =	simm.s32 @p0 $0x1  }
0x13: {  	[smem:$0x3FB0] =	sst s0;
	s0 =	simm.s32 @!p1 $0x0  }
0x14: {  	s2 =	sld [smem:$0x3F94];
	s0 =	simm.s32 @p1 $0x1  }
0x15: {  	[smem:$0x3FB1] =	sst s0;
	s0 =	simm.s32 @!p2 $0x0  }
0x16: {  	s3 =	sld [smem:$0x3FDB];
	s0 =	simm.s32 @p2 $0x1  }
0x17: {  	s4 =	simm.s32 $0x1BF5;
	[smem:$0x3FB3] =	sst s0  }
0x18: {  	s0 =	sld [smem:$0x3F96];
	_ =	swait.ge [sflag:s4], $0x0  }
0x19: {  	s7 =	sld [smem:$0x3F97]  }
0x1a: {  	s8 =	sadd.s32 $0xFFFFE003, lr  }
0x1b: {  	s9 =	sadd.s32 $0xFFFFFEF7, lr;
	s5 =	simm.s32 $0xFFFFFFFF;
	p2 =	slt.u32 s8, $0xFFFFF086  }
0x1c: {  	p1 =	slt.u32 s9, $0xF7A;
	s5 =	simm.s32 @!p2 $0x0  }
0x1d: {  	s5 =	simm.s32 @p1 $0x1;
	p0 =	seq.s32 s7, s2  }
0x1e: {  	s7 =	smul.u32 @!p0 $0xF7A, s2;
	p2 =	seq.s32 @!p0 s5, $0x0  }
0x1f: {  	s9 =	smul.u32 $0xF7A, s1;
	s8 =	simm.s32 @!p0 $0x1BF5;
	p2 =	por !p2, p0  }
0x20: {  	[sflag:s8] =	ssyncset.s32 @!p0 $0xFFFFF086;
	s6 =	sadd.s32 @!p0 s3, s7;
	s7 =	simm.s32 @!p0 $0x108  }
0x21: {  	s3 =	sadd.s32 s3, s9;
	s6 =	sadd.s32 @!p0 $0x88, s6;
	s7 =	simm.s32 @p2 $0x1082  }
0x22: {  	[simem:s7], [sflag:s8] =	dma.local @!p0 [hbm:s6], $0xF7A  }
0x23: {  	s9 =	sor.u32 $0xD0000000, s2;
	s6 =	simm.s32 $0x108;
	_ =	swait.ge @!p0 [sflag:s8], $0x0  }
0x24: {  	s3 =	sadd.s32 $0x88, s3;
	s6 =	simm.s32 @!p1 $0x1082;
	[sflag:s4] =	ssyncset.s32 $0xFFFFF086  }
0x25: {  	[simem:s6], [sflag:s4] =	dma.local [hbm:s3], $0xF7A  }
0x26: {  	[smem:$0x3F97] =	sst s1;
	(tag) =	ssettag s2;
	_ =	strace s9  }
0x27: {  	s1 =	sld [smem:$0x3FA7]  }
0x28: {  	s2 =	sld [smem:$0x3FA8]  }
0x29: {  	s4 =	sld [smem:$0x3FAA]  }
0x2a: {  	p0 =	seq.s32 s5, $0x0;
	s5 =	sld [smem:$0x3FAB]  }
0x2b: {  	s6 =	sld [smem:$0x3FAC]  }
0x2c: {  	s7 =	sld [smem:$0x3FAD]  }
0x2d: {  	s3 =	simm.s32 $0x108;
	s8 =	sld [smem:$0x3FAE]  }
0x2e: {  	s3 =	simm.s32 @!p0 $0x1082;
	s9 =	sld [smem:$0x3FAF]  }
0x2f: {  	lr =	sadd.s32 s0, s3;
	s0 =	sld [smem:$0x3FA6]  }
0x30: {  	s3 =	sld [smem:$0x3FA9]  }
0x31: {  	[smem:$0x3FB2] =	sst s10  }
0x32: {  	s10 =	sld [smem:$0x3FB0];
	_ =	sdelay $0x3  }
0x33: {  	p0 =	seq.s32 s10, $0x1;
	s10 =	sld [smem:$0x3FB2];
	_ =	sdelay $0x3  }
0x34: {  	[smem:$0x3FB2] =	sst s10  }
0x35: {  	s10 =	sld [smem:$0x3FB1];
	_ =	sdelay $0x3  }
0x36: {  	p1 =	seq.s32 s10, $0x1;
	s10 =	sld [smem:$0x3FB2];
	_ =	sdelay $0x3  }
0x37: {  	[smem:$0x3FB2] =	sst s10  }
0x38: {  	s10 =	sld [smem:$0x3FB3]  }
0x39: {  	_ = 	snop;
	(pc) =	sbr.ind lr, $3  }
0x3a: {  	_ = 	snop  }
0x3b: {  	_ = 	snop  }
0x3c: {  	p2 =	seq.s32 s10, $0x1;
	s10 =	sld [smem:$0x3FB2]  }
0x3d: {  	_ =	shalt  }
0x3e: {  	_ =	shalt  }
0x3f: {  	_ =	shalt  }
0x40: {  	_ =	shalt  }
0x41: {  	_ =	shalt  }
0x42: {  	_ =	shalt  }
0x43: {  	_ =	shalt  }
0x44: {  	_ =	shalt  }
0x45: {  	_ =	shalt  }
0x46: {  	_ =	shalt  }
0x47: {  	_ =	shalt  }
0x48: {  	_ =	shalt  }
0x49: {  	_ =	shalt  }
0x4a: {  	_ =	shalt  }
0x4b: {  	_ =	shalt  }
0x4c: {  	_ =	shalt  }
0x4d: {  	_ =	shalt  }
0x4e: {  	_ =	shalt  }
0x4f: {  	_ =	shalt  }
0x50: {  	_ =	shalt  }
0x51: {  	_ =	shalt  }
0x52: {  	_ =	shalt  }
0x53: {  	_ =	shalt  }
0x54: {  	_ =	shalt  }
0x55: {  	_ =	shalt  }
0x56: {  	_ =	shalt  }
0x57: {  	_ =	shalt  }
0x58: {  	_ =	shalt  }
0x59: {  	_ =	shalt  }
0x5a: {  	_ =	shalt  }
0x5b: {  	_ =	shalt  }
0x5c: {  	_ =	shalt  }
0x5d: {  	_ =	shalt  }
0x5e: {  	_ =	shalt  }
0x5f: {  	_ =	shalt  }
0x60: {  	_ =	shalt  }
0x61: {  	_ =	shalt  }
0x62: {  	_ =	shalt  }
0x63: {  	_ =	shalt  }
0x64: {  	_ =	shalt  }
0x65: {  	_ =	shalt  }
0x66: {  	_ =	shalt  }
0x67: {  	_ =	shalt  }
0x68: {  	_ =	shalt  }
0x69: {  	_ =	shalt  }
0x6a: {  	_ =	shalt  }
0x6b: {  	_ =	shalt  }
0x6c: {  	_ =	shalt  }
0x6d: {  	_ =	shalt  }
0x6e: {  	_ =	shalt  }
0x6f: {  	_ =	shalt  }
0x70: {  	_ =	shalt  }
0x71: {  	_ =	shalt  }
0x72: {  	_ =	shalt  }
0x73: {  	_ =	shalt  }
0x74: {  	_ =	shalt  }
0x75: {  	_ =	shalt  }
0x76: {  	_ =	shalt  }
0x77: {  	_ =	shalt  }
0x78: {  	_ =	shalt  }
0x79: {  	_ =	shalt  }
0x7a: {  	_ =	shalt  }
0x7b: {  	_ =	shalt  }
0x7c: {  	_ =	shalt  }
0x7d: {  	_ =	shalt  }
0x7e: {  	_ =	shalt  }
0x7f: {  	_ =	shalt  }
0x80: {  	_ =	shalt  }
0x81: {  	_ =	shalt  }
0x82: {  	_ =	shalt  }
0x83: {  	_ =	shalt  }
0x84: {  	_ =	shalt  }
0x85: {  	_ =	shalt  }
0x86: {  	_ =	shalt  }
0x87: {  	_ =	shalt  }
.Lfunc_end0:
.L_simem_size_0:
called_computation_lowered:
.L_overlay_start_0:
0x88: {  	s2 =	sld [smem:$0x3FD9]  }
0x89: {  	s3 =	sld [smem:$0x3FFE];
	_ =	sdelay $0x1  }
0x8a: {  	s1 =	srdreg.scid  }
0x8b: {  	s0 =	sand.u32 $0x1, s1  }
0x8c: {  	s17 =	sshll.u32 s0, $0xA;
	s2 =	sadd.s32 s3, s2  }
0x8d: {  	s2 =	sadd.s32 s2, s17  }
0x8e: {  	[smem:$0x3FBE] =	sst s2  }
0x8f: {  	_ = 	snop  }
0x90: {  	(tm) =	ssettm $0x1  }
0x91: {  	s18 =	sld [smem:$0x3FFB];
	_ =	sdelay $0x3  }
0x92: {  	_ =	strace s18  }
0x93: {  	s2 =	sld [smem:$0x3FFC];
	_ =	sdelay $0x3  }
0x94: {  	_ =	strace s2  }
0x95: {  	s2 =	sld [smem:$0x3FFD];
	_ =	sdelay $0x3  }
0x96: {  	_ =	strace s2  }
0x97: {  	_ =	strace $0x8FFFFFFF  }
0x98: {  	s19 =	sld [smem:$0x3FDB];
	_ =	sdelay $0x1  }
0x99: {  	s20 =	simm.s32 $_scs_section_size  }
0x9a: {  	s4 =	simm.s32 $_size__tile_overlayer_lowered;
	s5 =	simm.s32 $_tile_overlayer_lowered  }
0x9b: {  	s6 =	simm.s32 $0x1BFF;
	s21 =	sshll.u32 s5, $0x1;
	s3 =	sadd.s32 s20, s19  }
0x9c: {  	s22 =	simm.s32 $0x0;
	s4 =	sshll.u32 s4, $0x1;
	s5 =	sadd.s32 s21, s3  }
0x9d: {  	[timem:s22], [sflag:s6] =	dma.local [hbm:s5], s4  }
0x9e: {  	_ =	swait.ge [sflag:s6], s4  }
0x9f: {  	s4 =	ssub.s32 $0x0, s4;
	[sflag:s6] =	ssyncset.done $0x0  }
0xa0: {  	[sflag:s6] =	ssyncadd.s32 s4;
	_ =	sdelay $0x1  }
0xa1: {  	s23 =	simm.s32 $0x1B8B  }
0xa2: {  	_ =	swait.ge [sflag:s23], $0x1  }
0xa3: {  	[sflag:s23] =	ssyncset.done $0x0  }
0xa4: {  	[sflag:s23] =	ssyncadd.s32 $0xFFFFFFFF  }
0xa5: {  	s4 =	sld [smem:$0x0]  }
0xa6: {  	s5 =	sand.u32 $0xFFFFFFFE, s1  }
0xa7: {  	p0 =	sne.s32 s1, s5  }
0xa8: {  	s5 =	sshll.u32 @p0 s5, $0xE  }
0xa9: {  	s5 =	sadd.s32 @p0 $0x11B8D, s5;
	s6 =	sshll.u32 @p0 s4, $0x11  }
0xaa: {  	s5 =	sor.u32 @p0 s6, s5  }
0xab: {  	[sflag:s5] =	ssyncadd.remote.s32 @p0 $0x1;
	_ =	sdelay $0x1  }
0xac: {  	s5 =	simm.s32 @p0 $0x1B8D  }
0xad: {  	_ =	swait.eq @p0 [sflag:s5], $0x1  }
0xae: {  	[sflag:s5] =	ssyncadd.s32 @p0 $0xFFFFFFFF  }
0xaf: {  	s6 =	sshll.u32 @!p0 s1, $0xE  }
0xb0: {  	s6 =	sor.u32 @!p0 $0x4000, s6;
	s5 =	simm.s32 @!p0 $0x1B8D  }
0xb1: {  	s4 =	sshll.u32 @!p0 s4, $0x11;
	s6 =	sadd.s32 @!p0 $0x11B8D, s6;
	_ =	swait.eq @!p0 [sflag:s5], $0x1  }
0xb2: {  	s4 =	sor.u32 @!p0 s4, s6;
	[sflag:s5] =	ssyncadd.s32 @!p0 $0xFFFFFFFF  }
0xb3: {  	s25 =	simm.s32 $0x1B8E;
	s24 =	sld [smem:$0x3FFE];
	[sflag:s4] =	ssyncadd.remote.s32 @!p0 $0x1  }
0xb4: {  	s26 =	simm.s32 $execute0_lowered;
	[smem:$0x3FD2] =	sst s25  }
0xb5: {  	s5 =	sshll.u32 s26, $0x1;
	_ =	strace $0x80000049;
	[dreg:$0x1] =	wrdreg $0xFFFFFFFF  }
0xb6: {  	s28 =	simm.s32 $_size_execute0_lowered;
	s3 =	sadd.s32 s3, s5;
	[dreg:$0x0] =	wrdreg $0x0  }
0xb7: {  	s5 =	sshll.u32 s28, $0x1;
	[dreg:$0x2] =	wrdreg s3  }
0xb8: {  	[dreg:$0x3] =	wrdreg s5  }
0xb9: {  	[dreg:$0x4] =	wrdreg $0xC0  }
0xba: {  	_ =	task [dreg:s22], $0x5FFFF  }
0xbb: {  	[dreg:$0x1] =	wrdreg $0xFFFFFFFF  }
0xbc: {  	[dreg:$0x0] =	wrdreg $0x60  }
0xbd: {  	[dreg:$0x2] =	wrdreg s24  }
0xbe: {  	[dreg:$0x3] =	wrdreg $0x9  }
0xbf: {  	_ =	task.clear_ibuf [dreg:s22], $0x4FFFF;
	_ =	strace $0x90000049  }
0xc0: {  	s29 =	simm.s32 $0x9;
	_ =	strace $0x8000004B  }
0xc1: {  	_ =	swait.ge [sflag:s29], $0x1  }
0xc2: {  	[sflag:s29] =	ssyncadd.s32 $0xFFFFFFFF  }
0xc3: {  	_ =	strace $0x9000004B  }
0xc4: {  	_ =	sfence  }
0xc5: {  	s30 =	sld [smem:$0x0];
	_ =	sdelay $0x2  }
0xc6: {  	s31 =	sshll.u32 s1, $0xD;
	s1 =	sshrl.u32 s1, $0x2  }
0xc7: {  	s4 =	sand.u32 $0x4000, s31;
	s1 =	sadd.s32 s1, s30  }
0xc8: {  	s0 =	sor.u32 s4, s0;
	s1 =	sshll.u32 s1, $0x11  }
0xc9: {  	s0 =	sor.u32 s1, s0  }
0xca: {  	s0 =	sadd.s32 $0x8F2B, s0  }
0xcb: {  	[sflag:s0] =	ssyncadd.remote.s32 $0x1  }
0xcc: {  	_ =	sfence.sel $0xFFFF  }
0xcd: {  	[dreg:$0x0] =	wrdreg $0xFFFFFFFF;
	(pc) =	sbr.abs _section_cstart, $3  }
0xce: {  	[dreg:$0x1] =	wrdreg $0xFFFFFFFF  }
0xcf: {  	_ =	task.clear_ibuf [dreg:s22], $0x2FFFF;
	_ =	strace $0x9FFFFFFF  }
0xd0: {  	(tm) =	ssettm $0x7FFFFFFF  }
0xd1: {  	_ =	shalt  }
tec
execute0_lowered:
.L_overlay_start_1:
0x0: {  	(tag) =	ssettag $0x1  }
0x1: {  	s8 =	rddreg [dreg:$0x0]  }
0x2: {  	s0 =	rddreg [dreg:$0x1];
	_ =	strace $0x8000004A;
	s1 =	stileid.u32  }
0x3: {  	s3 =	srdreg.scid;
	s4 =	simm.s32 $0x1;
	s7 =	simm.s32 $0x1  }
0x4: {  	s9 =	simm.s32 $0x1;
	s10 =	simm.s32 $0x3;
	s13 =	simm.s32 $0x0  }
0x5: {  	s12 =	simm.s32 $0x0;
	s5 =	sand.u32 $0x1, s3;
	s6 =	sshll.u32 s1, $0x1  }
0x6: {  	s2 =	sadd.s32 $0x7400, s8;
	s3 =	sadd.s32 $0x18600, s8;
	s5 =	sor.u32 s6, s5  }
.Ltmp0:
0x7: {  	[sflag:s4] =	ssyncpa.u1 $0x0;
	p0 =	slt.u32 s5, $0x9;
	(pc) =	sbr.rel .LBB2_1-.Ltmp0, $4  }
0x8: {  	s6 =	simm.s32 $0x2;
	s7 =	simm.s32 @!p0 $0x0;
	p0 =	sne.s32 s5, $0x8  }
0x9: {  	[sflag:s6] =	ssyncpa.u1 $0x0;
	s5 =	smul.u32 $0x36B0, s5;
	s9 =	simm.s32 @!p0 $0x0  }
0xa: {  	s8 =	sadd.s32 $0x2FC3C00, s8;
	[sflag:s10] =	ssyncpa.u1 $0x0;
	s7 =	sadd.s32 s9, s7  }
0xb: {  	vm0 =	vmmov $0xffff;
	s10 =	simm.s32 $0x0;
	s11 =	smov.u32 s5;
	s9 =	sadd.s32 $0x1, s7  }
.LBB2_4:
0xc: {  	v2 =	vnsel vm1, $0x0, v2  }
0xd: {  	vm1 =	vgt.s32 v0, $0x0;
	v2 =	vmin.u32 v2, $0x88B7F  }
0xe: {  	v0 =	vnsel vm1, $0x0, v0  }
0xf: {  	v0 =	vmin.u32 v0, $0x88B7F  }
0x10: {  	[tilespmem:s18], [sflag:$0x1] =	stream.indirect_vreg.gather [hbm4b:s2+s10], $0x1, v1, vm0, $0x4038;
	[tilespmem:$0xDAC0] =	vst v63  }
0x11: {  	(ifvalue) =	ssetifvalue $0x7FFFFFFF  }
0x12: {  	[tilespmem:s15], [sflag:$0x1] =	stream.indirect_vreg.gather [hbm4b:s2+s10], $0x1, v2, vm0, $0x4038;
	[tilespmem:$0xDAC0] =	vst v63  }
0x13: {  	s29 =	sadd.s32 $0x10, s15;
	(ifvalue) =	ssetifvalue $0x7FFFFFFF  }
0x14: {  	[tilespmem:s29], [sflag:$0x1] =	stream.indirect_vreg.gather [hbm4b:s2+s10], $0x1, v0, vm0, $0x4038;
	[tilespmem:$0xDAC0] =	vst v63  }
0x15: {  	_ =	swait.ge [sflag:s4], $0x36B0  }
0x16: {  	s30 =	sshrl.u32 s13, $0x3;
	[sflag:s4] =	ssyncset.done $0x0  }
0x17: {  	s31 =	sand.u32 $0x7, s13;
	s15 =	sadd.s32 s8, s30;
	[sflag:s4] =	ssyncadd.s32 $0xFFFFC950  }
0x18: {  	[hbm4b:s15+s31] =	stream.linear.scatter [tilespmem:s14], [sflag:$0x3], $0x36B0, $0x38;
	[tilespmem:$0xDAC0] =	vst v63  }
.LBB2_5:
0x19: {  	s15 =	sadd.s32 $0x6D600, s11  }
0x1a: {  	p1 =	sgt.s32 s15, $0x88B7F  }
0x1b: {  	s15 =	smov.u32 @p1 s5;
	p1 =	sne.s32 s12, s9  }
.Ltmp1:
0x1c: {  	p0 =	slt.u32 s12, $0x2;
	(pc) =	sbr.rel @!p1 .LBB2_6-.Ltmp1, $4  }
0x1d: {  	s14 =	simm.s32 @!p0 $0x3  }
0x1e: {  	_ =	swait.ge @!p0 [sflag:s14], $0x36B0  }
0x1f: {  	s16 =	sadd.s32 $0x1, s12;
	s13 =	smov.u32 s11;
	[sflag:s14] =	ssyncset.done @!p0 $0x0  }
0x20: {  	s12 =	smov.u32 s16;
	s11 =	smov.u32 s15;
	[sflag:s14] =	ssyncadd.s32 @!p0 $0xFFFFC950  }
.LBB2_1:
0x21: {  	p0 =	sge.u32 s12, s7  }
0x22: {  	s14 =	sxor.u32 @!p0 $0x1, s12  }
0x23: {  	s14 =	smul.u32 @!p0 $0xDAC0, s14  }
0x24: {  	s31 =	sadd.s32 $0xFFFFFFFF, s12;
	s15 =	sshrl.u32 @!p0 s11, $0x3  }
0x25: {  	s16 =	sand.u32 @!p0 $0x7, s11;
	s15 =	sadd.s32 @!p0 s3, s15;
	s14 =	sshra.s32 @!p0 s14, $0x2  }
0x26: {  	[tilespmem:s14], [sflag:$0x2] =	stream.linear.gather @!p0 [hbm4b:s15+s16], $0x36B0, $0x38;
	[tilespmem:$0xDAC0] =	vst v63  }
0x27: {  	p0 =	sge.u32 s31, s7  }
.Ltmp2:
0x28: {  	_ = 	snop;
	(pc) =	sbr.rel @p0 .LBB2_5-.Ltmp2, $1  }
0x29: {  	_ =	sdelay $0x3  }
0x2a: {  	s14 =	sand.u32 $0x1, s12  }
0x2b: {  	_ =	swait.ge [sflag:s6], $0x36B0;
	p0 =	seq.s32 s14, $0x1;
	s14 =	simm.s32 $0x36B0  }
0x2c: {  	[sflag:s6] =	ssyncset.done $0x0;
	s14 =	simm.s32 @!p0 $0x0  }
0x2d: {  	[sflag:s6] =	ssyncadd.s32 $0xFFFFC950;
	(ifvalue) =	ssetifvalue $0x7FFFFFFF;
	v0 =	vld.msk [tilespmem:s14+$0x0 ss:$0x1], $0xffff;
	_ =	sdelay $0x4  }
0x2e: {  	s15 =	sadd.s32 $0x10, s14;
	vm1 =	vgt.s32 v0, $0x0  }
0x2f: {  	v2 =	vld.msk [tilespmem:s15+$0x0 ss:$0x1], $0xffff;
	v1 =	vnsel vm1, $0x0, v0  }
0x30: {  	v1 =	vmin.u32 v1, $0x88B7F;
	_ =	sdelay $0x2  }
0x31: {  	s17 =	simm.s32 $0x20;
	s14 =	sadd.s32 $0x6D60, s14;
	s16 =	sadd.s32 $0x10, s15  }
0x32: {  	s15 =	sadd.s32 $0x10, s14;
	s18 =	smov.u32 s14;
	v0 =	vld.msk [tilespmem:s16+$0x0 ss:$0x1], $0xffff;
	vm1 =	vgt.s32 v2, $0x0;
	(ifvalue) =	ssetifvalue $0x7FFFFFFF  }
.LBB2_3:
0x33: {  	[tilespmem:s18], [sflag:$0x1] =	stream.indirect_vreg.gather [hbm4b:s2+s10], $0x1, v1, vm0, $0x4038;
	[tilespmem:$0xDAC0] =	vst v63  }
0x34: {  	s17 =	sadd.s32 $0x10, s17  }
0x35: {  	v2 =	vnsel vm1, $0x0, v2;
	p0 =	slt.u32 s17, $0x36A0  }
.Ltmp3:
0x36: {  	s18 =	smov.u32 s15;
	v1 =	vmin.u32 v2, $0x88B7F;
	(pc) =	sbr.rel @p0 .LBB2_3-.Ltmp3, $3  }
0x37: {  	_ =	sdelay $0x1  }
0x38: {  	s16 =	sadd.s32 $0x10, s16  }
0x39: {  	vm1 =	vgt.s32 v0, $0x0;
	s15 =	sadd.s32 $0x10, s15;
	v2 =	vmov v0;
	(ifvalue) =	ssetifvalue $0x7FFFFFFF;
	v0 =	vld.msk [tilespmem:s16+$0x0 ss:$0x1], $0xffff  }
.Ltmp4:
0x3a: {  	_ = 	snop;
	(pc) =	sbr.rel .LBB2_4-.Ltmp4, $1  }
0x3b: {  	_ =	sdelay $0x3  }
.LBB2_6:
0x3c: {  	_ =	sfence.sel $0x180000  }
0x3d: {  	s2 =	simm.s32 $0x2;
	[bflag:$0x0] =	sbarrier.arrive $0xFFFF  }
0x3e: {  	s30 =	simm.s32 $0x3;
	[sflag:s2] =	ssyncpa.u1 $0x1  }
0x3f: {  	s31 =	simm.s32 $0x1;
	[sflag:s30] =	ssyncpa.u1 $0x1  }
0x40: {  	[sflag:s31] =	ssyncpa.u1 $0x1  }
0x41: {  	p0 =	sne.s32 s1, $0x0;
	_ =	strace $0x9000004A  }
0x42: {  	s0 =	sadd.s32 @!p0 $0x100000, s0;
	[bflag:$0x2] =	sbarrier.arrive $0xFFFF  }
0x43: {  	[sflag:s0] =	ssyncadd.tile.s32 @!p0 $0x1;
	_ =	shalt  }
.Lfunc_end2:
_tile_overlayer_lowered:
.L_overlay_start_2:
0x44: {  	(tag) =	ssettag $0x2  }
0x45: {  	s0 =	rddreg [dreg:$0x0];
	s2 =	stileid.u32  }
0x46: {  	s1 =	rddreg [dreg:$0x1];
	p0 =	sne.s32 s2, $0x0  }
0x47: {  	s3 =	rddreg [dreg:$0x2];
	[bflag:$0x3] =	sbarrier.arrive $0xFFFF;
	s2 =	simm.s32 @!p0 $0x1C01  }
0x48: {  	[timem:s3], [sflag:s2] =	dma.local @!p0 [hbm:s0], s1  }
0x49: {  	s0 =	simm.s32 @!p0 $0x1  }
0x4a: {  	_ =	swait.ge @!p0 [sflag:s0], s1  }
0x4b: {  	s1 =	ssub.s32 @!p0 $0x0, s1;
	[sflag:s0] =	ssyncset.done @!p0 $0x0  }
0x4c: {  	[sflag:s0] =	ssyncadd.s32 @!p0 s1  }
0x4d: {  	[bflag:$0x3] =	sbarrier.arrive $0xFFFF  }
0x4e: {  	_ =	shalt  }

// kernel: kernel.14.cloned.1.call-start
scs
__scs_entry_jumppad:
0x0: {  	(pc) =	sbr.rel $0x88, $3  }
0x1: {  	(tag) =	ssettag $0x0;
	lr =	simm.s32 $0x1  }
0x2: {  	[smem:$0x3F97] =	sst lr;
	_ =	strace $0xD0000000  }
0x3: {  	_ = 	snop  }
0x4: {  	_ = 	snop  }
0x5: {  	_ = 	snop  }
0x6: {  	_ = 	snop  }
0x7: {  	_ = 	snop  }
__scs_overlays_trampoline_lowered:
0x8: {  	[smem:$0x3FA6] =	sst s0  }
0x9: {  	[smem:$0x3FA7] =	sst s1  }
0xa: {  	[smem:$0x3FA8] =	sst s2  }
0xb: {  	[smem:$0x3FA9] =	sst s3  }
0xc: {  	[smem:$0x3FAA] =	sst s4  }
0xd: {  	[smem:$0x3FAB] =	sst s5  }
0xe: {  	[smem:$0x3FAC] =	sst s6  }
0xf: {  	[smem:$0x3FAD] =	sst s7  }
0x10: {  	[smem:$0x3FAE] =	sst s8  }
0x11: {  	[smem:$0x3FAF] =	sst s9;
	s0 =	simm.s32 @!p0 $0x0  }
0x12: {  	s1 =	sld [smem:$0x3F95];
	s0 =	simm.s32 @p0 $0x1  }
0x13: {  	[smem:$0x3FB0] =	sst s0;
	s0 =	simm.s32 @!p1 $0x0  }
0x14: {  	s2 =	sld [smem:$0x3F94];
	s0 =	simm.s32 @p1 $0x1  }
0x15: {  	[smem:$0x3FB1] =	sst s0;
	s0 =	simm.s32 @!p2 $0x0  }
0x16: {  	s3 =	sld [smem:$0x3FDB];
	s0 =	simm.s32 @p2 $0x1  }
0x17: {  	s4 =	simm.s32 $0x1BF5;
	[smem:$0x3FB3] =	sst s0  }
0x18: {  	s0 =	sld [smem:$0x3F96];
	_ =	swait.ge [sflag:s4], $0x0  }
0x19: {  	s7 =	sld [smem:$0x3F97]  }
0x1a: {  	s8 =	sadd.s32 $0xFFFFE003, lr  }
0x1b: {  	s9 =	sadd.s32 $0xFFFFFEF7, lr;
	s5 =	simm.s32 $0xFFFFFFFF;
	p2 =	slt.u32 s8, $0xFFFFF086  }
0x1c: {  	p1 =	slt.u32 s9, $0xF7A;
	s5 =	simm.s32 @!p2 $0x0  }
0x1d: {  	s5 =	simm.s32 @p1 $0x1;
	p0 =	seq.s32 s7, s2  }
0x1e: {  	s7 =	smul.u32 @!p0 $0xF7A, s2;
	p2 =	seq.s32 @!p0 s5, $0x0  }
0x1f: {  	s9 =	smul.u32 $0xF7A, s1;
	s8 =	simm.s32 @!p0 $0x1BF5;
	p2 =	por !p2, p0  }
0x20: {  	[sflag:s8] =	ssyncset.s32 @!p0 $0xFFFFF086;
	s6 =	sadd.s32 @!p0 s3, s7;
	s7 =	simm.s32 @!p0 $0x108  }
0x21: {  	s3 =	sadd.s32 s3, s9;
	s6 =	sadd.s32 @!p0 $0x88, s6;
	s7 =	simm.s32 @p2 $0x1082  }
0x22: {  	[simem:s7], [sflag:s8] =	dma.local @!p0 [hbm:s6], $0xF7A  }
0x23: {  	s9 =	sor.u32 $0xD0000000, s2;
	s6 =	simm.s32 $0x108;
	_ =	swait.ge @!p0 [sflag:s8], $0x0  }
0x24: {  	s3 =	sadd.s32 $0x88, s3;
	s6 =	simm.s32 @!p1 $0x1082;
	[sflag:s4] =	ssyncset.s32 $0xFFFFF086  }
0x25: {  	[simem:s6], [sflag:s4] =	dma.local [hbm:s3], $0xF7A  }
0x26: {  	[smem:$0x3F97] =	sst s1;
	(tag) =	ssettag s2;
	_ =	strace s9  }
0x27: {  	s1 =	sld [smem:$0x3FA7]  }
0x28: {  	s2 =	sld [smem:$0x3FA8]  }
0x29: {  	s4 =	sld [smem:$0x3FAA]  }
0x2a: {  	p0 =	seq.s32 s5, $0x0;
	s5 =	sld [smem:$0x3FAB]  }
0x2b: {  	s6 =	sld [smem:$0x3FAC]  }
0x2c: {  	s7 =	sld [smem:$0x3FAD]  }
0x2d: {  	s3 =	simm.s32 $0x108;
	s8 =	sld [smem:$0x3FAE]  }
0x2e: {  	s3 =	simm.s32 @!p0 $0x1082;
	s9 =	sld [smem:$0x3FAF]  }
0x2f: {  	lr =	sadd.s32 s0, s3;
	s0 =	sld [smem:$0x3FA6]  }
0x30: {  	s3 =	sld [smem:$0x3FA9]  }
0x31: {  	[smem:$0x3FB2] =	sst s10  }
0x32: {  	s10 =	sld [smem:$0x3FB0];
	_ =	sdelay $0x3  }
0x33: {  	p0 =	seq.s32 s10, $0x1;
	s10 =	sld [smem:$0x3FB2];
	_ =	sdelay $0x3  }
0x34: {  	[smem:$0x3FB2] =	sst s10  }
0x35: {  	s10 =	sld [smem:$0x3FB1];
	_ =	sdelay $0x3  }
0x36: {  	p1 =	seq.s32 s10, $0x1;
	s10 =	sld [smem:$0x3FB2];
	_ =	sdelay $0x3  }
0x37: {  	[smem:$0x3FB2] =	sst s10  }
0x38: {  	s10 =	sld [smem:$0x3FB3]  }
0x39: {  	_ = 	snop;
	(pc) =	sbr.ind lr, $3  }
0x3a: {  	_ = 	snop  }
0x3b: {  	_ = 	snop  }
0x3c: {  	p2 =	seq.s32 s10, $0x1;
	s10 =	sld [smem:$0x3FB2]  }
0x3d: {  	_ =	shalt  }
0x3e: {  	_ =	shalt  }
0x3f: {  	_ =	shalt  }
0x40: {  	_ =	shalt  }
0x41: {  	_ =	shalt  }
0x42: {  	_ =	shalt  }
0x43: {  	_ =	shalt  }
0x44: {  	_ =	shalt  }
0x45: {  	_ =	shalt  }
0x46: {  	_ =	shalt  }
0x47: {  	_ =	shalt  }
0x48: {  	_ =	shalt  }
0x49: {  	_ =	shalt  }
0x4a: {  	_ =	shalt  }
0x4b: {  	_ =	shalt  }
0x4c: {  	_ =	shalt  }
0x4d: {  	_ =	shalt  }
0x4e: {  	_ =	shalt  }
0x4f: {  	_ =	shalt  }
0x50: {  	_ =	shalt  }
0x51: {  	_ =	shalt  }
0x52: {  	_ =	shalt  }
0x53: {  	_ =	shalt  }
0x54: {  	_ =	shalt  }
0x55: {  	_ =	shalt  }
0x56: {  	_ =	shalt  }
0x57: {  	_ =	shalt  }
0x58: {  	_ =	shalt  }
0x59: {  	_ =	shalt  }
0x5a: {  	_ =	shalt  }
0x5b: {  	_ =	shalt  }
0x5c: {  	_ =	shalt  }
0x5d: {  	_ =	shalt  }
0x5e: {  	_ =	shalt  }
0x5f: {  	_ =	shalt  }
0x60: {  	_ =	shalt  }
0x61: {  	_ =	shalt  }
0x62: {  	_ =	shalt  }
0x63: {  	_ =	shalt  }
0x64: {  	_ =	shalt  }
0x65: {  	_ =	shalt  }
0x66: {  	_ =	shalt  }
0x67: {  	_ =	shalt  }
0x68: {  	_ =	shalt  }
0x69: {  	_ =	shalt  }
0x6a: {  	_ =	shalt  }
0x6b: {  	_ =	shalt  }
0x6c: {  	_ =	shalt  }
0x6d: {  	_ =	shalt  }
0x6e: {  	_ =	shalt  }
0x6f: {  	_ =	shalt  }
0x70: {  	_ =	shalt  }
0x71: {  	_ =	shalt  }
0x72: {  	_ =	shalt  }
0x73: {  	_ =	shalt  }
0x74: {  	_ =	shalt  }
0x75: {  	_ =	shalt  }
0x76: {  	_ =	shalt  }
0x77: {  	_ =	shalt  }
0x78: {  	_ =	shalt  }
0x79: {  	_ =	shalt  }
0x7a: {  	_ =	shalt  }
0x7b: {  	_ =	shalt  }
0x7c: {  	_ =	shalt  }
0x7d: {  	_ =	shalt  }
0x7e: {  	_ =	shalt  }
0x7f: {  	_ =	shalt  }
0x80: {  	_ =	shalt  }
0x81: {  	_ =	shalt  }
0x82: {  	_ =	shalt  }
0x83: {  	_ =	shalt  }
0x84: {  	_ =	shalt  }
0x85: {  	_ =	shalt  }
0x86: {  	_ =	shalt  }
0x87: {  	_ =	shalt  }
.Lfunc_end0:
.L_simem_size_0:
called_computation.2_lowered:
.L_overlay_start_0:
0x88: {  	s2 =	sld [smem:$0x3FD9]  }
0x89: {  	s3 =	sld [smem:$0x3FFE];
	_ =	sdelay $0x1  }
0x8a: {  	s1 =	srdreg.scid  }
0x8b: {  	s0 =	sand.u32 $0x1, s1  }
0x8c: {  	s17 =	sshll.u32 s0, $0xA;
	s2 =	sadd.s32 s3, s2  }
0x8d: {  	s2 =	sadd.s32 s2, s17  }
0x8e: {  	[smem:$0x3FBE] =	sst s2  }
0x8f: {  	_ = 	snop  }
0x90: {  	(tm) =	ssettm $0x1  }
0x91: {  	s18 =	sld [smem:$0x3FFB];
	_ =	sdelay $0x3  }
0x92: {  	_ =	strace s18  }
0x93: {  	s2 =	sld [smem:$0x3FFC];
	_ =	sdelay $0x3  }
0x94: {  	_ =	strace s2  }
0x95: {  	s2 =	sld [smem:$0x3FFD];
	_ =	sdelay $0x3  }
0x96: {  	_ =	strace s2  }
0x97: {  	_ =	strace $0x8FFFFFFF  }
0x98: {  	s19 =	sld [smem:$0x3FDB];
	_ =	sdelay $0x1  }
0x99: {  	s20 =	simm.s32 $_scs_section_size  }
0x9a: {  	s4 =	simm.s32 $_size__tile_overlayer_lowered;
	s5 =	simm.s32 $_tile_overlayer_lowered  }
0x9b: {  	s6 =	simm.s32 $0x1BFF;
	s21 =	sshll.u32 s5, $0x1;
	s3 =	sadd.s32 s20, s19  }
0x9c: {  	s22 =	simm.s32 $0x0;
	s4 =	sshll.u32 s4, $0x1;
	s5 =	sadd.s32 s21, s3  }
0x9d: {  	[timem:s22], [sflag:s6] =	dma.local [hbm:s5], s4  }
0x9e: {  	_ =	swait.ge [sflag:s6], s4  }
0x9f: {  	s4 =	ssub.s32 $0x0, s4;
	[sflag:s6] =	ssyncset.done $0x0  }
0xa0: {  	[sflag:s6] =	ssyncadd.s32 s4;
	_ =	sdelay $0x1  }
0xa1: {  	s23 =	simm.s32 $0x1B8B  }
0xa2: {  	_ =	swait.ge [sflag:s23], $0x1  }
0xa3: {  	[sflag:s23] =	ssyncset.done $0x0  }
0xa4: {  	[sflag:s23] =	ssyncadd.s32 $0xFFFFFFFF  }
0xa5: {  	s4 =	sld [smem:$0x0]  }
0xa6: {  	s5 =	sand.u32 $0xFFFFFFFE, s1  }
0xa7: {  	p0 =	sne.s32 s1, s5  }
0xa8: {  	s5 =	sshll.u32 @p0 s5, $0xE  }
0xa9: {  	s5 =	sadd.s32 @p0 $0x11B8D, s5;
	s6 =	sshll.u32 @p0 s4, $0x11  }
0xaa: {  	s5 =	sor.u32 @p0 s6, s5  }
0xab: {  	[sflag:s5] =	ssyncadd.remote.s32 @p0 $0x1;
	_ =	sdelay $0x1  }
0xac: {  	s5 =	simm.s32 @p0 $0x1B8D  }
0xad: {  	_ =	swait.eq @p0 [sflag:s5], $0x1  }
0xae: {  	[sflag:s5] =	ssyncadd.s32 @p0 $0xFFFFFFFF  }
0xaf: {  	s6 =	sshll.u32 @!p0 s1, $0xE  }
0xb0: {  	s6 =	sor.u32 @!p0 $0x4000, s6;
	s5 =	simm.s32 @!p0 $0x1B8D  }
0xb1: {  	s4 =	sshll.u32 @!p0 s4, $0x11;
	s6 =	sadd.s32 @!p0 $0x11B8D, s6;
	_ =	swait.eq @!p0 [sflag:s5], $0x1  }
0xb2: {  	s4 =	sor.u32 @!p0 s4, s6;
	[sflag:s5] =	ssyncadd.s32 @!p0 $0xFFFFFFFF  }
0xb3: {  	s25 =	simm.s32 $0x1B8E;
	s24 =	sld [smem:$0x3FFE];
	[sflag:s4] =	ssyncadd.remote.s32 @!p0 $0x1  }
0xb4: {  	s26 =	simm.s32 $execute0_lowered;
	[smem:$0x3FD2] =	sst s25  }
0xb5: {  	s5 =	sshll.u32 s26, $0x1;
	_ =	strace $0x8000004C;
	[dreg:$0x1] =	wrdreg $0xFFFFFFFF  }
0xb6: {  	s28 =	simm.s32 $_size_execute0_lowered;
	s3 =	sadd.s32 s3, s5;
	[dreg:$0x0] =	wrdreg $0x0  }
0xb7: {  	s5 =	sshll.u32 s28, $0x1;
	[dreg:$0x2] =	wrdreg s3  }
0xb8: {  	[dreg:$0x3] =	wrdreg s5  }
0xb9: {  	[dreg:$0x4] =	wrdreg $0xC0  }
0xba: {  	_ =	task [dreg:s22], $0x5FFFF  }
0xbb: {  	[dreg:$0x1] =	wrdreg $0xFFFFFFFF  }
0xbc: {  	[dreg:$0x0] =	wrdreg $0x60  }
0xbd: {  	[dreg:$0x2] =	wrdreg s24  }
0xbe: {  	[dreg:$0x3] =	wrdreg $0xA  }
0xbf: {  	_ =	task.clear_ibuf [dreg:s22], $0x4FFFF;
	_ =	strace $0x9000004C  }
0xc0: {  	s29 =	simm.s32 $0xA;
	_ =	strace $0x8000004E  }
0xc1: {  	_ =	swait.ge [sflag:s29], $0x1  }
0xc2: {  	[sflag:s29] =	ssyncadd.s32 $0xFFFFFFFF  }
0xc3: {  	_ =	strace $0x9000004E  }
0xc4: {  	_ =	sfence  }
0xc5: {  	s30 =	sld [smem:$0x0];
	_ =	sdelay $0x2  }
0xc6: {  	s31 =	sshll.u32 s1, $0xD;
	s1 =	sshrl.u32 s1, $0x2  }
0xc7: {  	s4 =	sand.u32 $0x4000, s31;
	s1 =	sadd.s32 s1, s30  }
0xc8: {  	s0 =	sor.u32 s4, s0;
	s1 =	sshll.u32 s1, $0x11  }
0xc9: {  	s0 =	sor.u32 s1, s0  }
0xca: {  	s0 =	sadd.s32 $0x8F2B, s0  }
0xcb: {  	[sflag:s0] =	ssyncadd.remote.s32 $0x1  }
0xcc: {  	_ =	sfence.sel $0xFFFF  }
0xcd: {  	[dreg:$0x0] =	wrdreg $0xFFFFFFFF;
	(pc) =	sbr.abs _section_cstart, $3  }
0xce: {  	[dreg:$0x1] =	wrdreg $0xFFFFFFFF  }
0xcf: {  	_ =	task.clear_ibuf [dreg:s22], $0x2FFFF;
	_ =	strace $0x9FFFFFFF  }
0xd0: {  	(tm) =	ssettm $0x7FFFFFFF  }
0xd1: {  	_ =	shalt  }
tec
execute0_lowered:
.L_overlay_start_1:
0x0: {  	(tag) =	ssettag $0x1  }
0x1: {  	s5 =	rddreg [dreg:$0x0]  }
0x2: {  	s0 =	rddreg [dreg:$0x1];
	s1 =	stileid.u32  }
0x3: {  	s3 =	srdreg.scid;
	s2 =	simm.s32 $0x0;
	s9 =	smul.u32 $0x8A00, s1  }
0x4: {  	s12 =	simm.s32 $0x1;
	s6 =	sand.u32 $0x1, s3;
	s30 =	smul.u32 $0x450000, s1  }
0x5: {  	s13 =	simm.s32 $0x2;
	s29 =	sshll.u32 s1, $0x1;
	s11 =	smul.u32 $0x4500, s6  }
0x6: {  	s14 =	simm.s32 $0x0;
	s3 =	sor.u32 s6, s29;
	s31 =	smul.u32 $0x228000, s6  }
0x7: {  	[smem:$0x7FF] =	sst s2;
	s4 =	sadd.s32 $0x2FD4E00, s5;
	s7 =	smul.u32 $0x4500, s3  }
.Ltmp0:
0x8: {  	_ =	strace $0x8000004D;
	s8 =	ssub.s32 $0x2, s6;
	(pc) =	sbr.rel .LBB2_1-.Ltmp0, $4  }
0x9: {  	s3 =	sadd.s32 $0x18CBC00, s5;
	s10 =	sshrl.u32 s8, $0x1;
	s5 =	sadd.s32 $0x2FE6200, s5  }
0xa: {  	s8 =	ssub.s32 s8, s10;
	s9 =	sadd.s32 s11, s9;
	s7 =	sshrl.u32 s7, $0x3  }
0xb: {  	s10 =	simm.s32 $0x3;
	s11 =	simm.s32 $0x80;
	s6 =	sadd.s32 s4, s7  }
0xc: {  	s7 =	smax.u32 s8, $0x1;
	s8 =	sor.u32 $0x80, s9;
	s9 =	sadd.s32 s31, s30  }
.LBB2_4:
0xd: {  	s14 =	sadd.s32 $0x1, s14  }
0xe: {  	p0 =	sne.s32 s14, s7  }
.Ltmp1:
0xf: {  	_ = 	snop;
	(pc) =	sbr.rel @!p0 .LBB2_5-.Ltmp1, $4  }
0x10: {  	_ = 	snop  }
0x11: {  	_ =	swait.ge [sflag:s13], $0x4000  }
0x12: {  	[sflag:s13] =	ssyncset.done $0x0  }
0x13: {  	[sflag:s13] =	ssyncadd.s32 $0xFFFFC000  }
.LBB2_1:
0x14: {  	[tilespmem:s2], [sflag:$0x3] =	stream.linear.gather [hbm4b:s6+s2], $0x80, $0x38;
	[tilespmem:$0x8080] =	vst v63  }
0x15: {  	_ =	swait.ge [sflag:s10], $0x80  }
0x16: {  	s15 =	simm.s32 $0x89;
	s16 =	simm.s32 $0x0;
	[sflag:s10] =	ssyncset.done $0x0  }
0x17: {  	s17 =	smov.u32 s8;
	s18 =	simm.s32 $0x80;
	[sflag:s10] =	ssyncadd.s32 $0xFFFFFF80  }
.LBB2_2:
0x18: {  	[tilespmem:s18], [sflag:$0x1] =	stream.indirect.gather [hbm4b:s3+s11], $0x80, s2, s11, $0xb8;
	[tilespmem:$0x8080] =	vst v63  }
0x19: {  	s31 =	sadd.s32 s16, s9;
	s19 =	sand.u32 $0x4000, s16  }
0x1a: {  	p0 =	seq.s32 s15, $0x89;
	_ =	swait.ge [sflag:s12], $0x4000;
	s18 =	sshrl.u32 s31, $0x3  }
0x1b: {  	s19 =	sor.u32 $0x80, s19;
	p1 =	seq.s32 @!p0 s15, $0x0;
	[sflag:s12] =	ssyncset.done $0x0  }
0x1c: {  	s18 =	sadd.s32 s5, s18;
	p1 =	por p0, !p1;
	[sflag:s12] =	ssyncadd.s32 $0xFFFFC000  }
0x1d: {  	[hbm4b:s18+s2] =	stream.linear.scatter [tilespmem:s19], [sflag:$0x2], $0x4000, $0x38;
	[tilespmem:$0x8080] =	vst v63  }
.Ltmp2:
0x1e: {  	_ = 	snop;
	(pc) =	sbr.rel @!p1 .LBB2_4-.Ltmp2, $4  }
0x1f: {  	s18 =	simm.s32 @!p0 $0x2  }
0x20: {  	_ =	swait.ge @!p0 [sflag:s18], $0x4000  }
0x21: {  	[sflag:s18] =	ssyncset.done @!p0 $0x0  }
0x22: {  	[sflag:s18] =	ssyncadd.s32 @!p0 $0xFFFFC000  }
0x23: {  	s18 =	sshrl.u32 s17, $0x3  }
.Ltmp3:
0x24: {  	s18 =	sadd.s32 s4, s18;
	(pc) =	sbr.rel .LBB2_2-.Ltmp3, $4  }
0x25: {  	[tilespmem:s2], [sflag:$0x3] =	stream.linear.gather [hbm4b:s18+s2], $0x80, $0x38;
	[tilespmem:$0x8080] =	vst v63  }
0x26: {  	s16 =	sadd.s32 $0x4000, s16;
	_ =	swait.ge [sflag:s10], $0x80  }
0x27: {  	s17 =	sadd.s32 $0x80, s17;
	s31 =	sand.u32 $0x4000, s16;
	[sflag:s10] =	ssyncset.done $0x0  }
0x28: {  	s15 =	sadd.s32 $0xFFFFFFFF, s15;
	s18 =	sor.u32 $0x80, s31;
	[sflag:s10] =	ssyncadd.s32 $0xFFFFFF80  }
.LBB2_5:
0x29: {  	_ =	sfence.sel $0x180000  }
0x2a: {  	[bflag:$0x0] =	sbarrier.arrive $0xFFFF  }
0x2b: {  	p0 =	sne.s32 s1, $0x0;
	_ =	strace $0x9000004D  }
0x2c: {  	s0 =	sadd.s32 @!p0 $0x100000, s0;
	[bflag:$0x2] =	sbarrier.arrive $0xFFFF  }
0x2d: {  	[sflag:s0] =	ssyncadd.tile.s32 @!p0 $0x1;
	_ =	shalt  }
.Lfunc_end2:
_tile_overlayer_lowered:
.L_overlay_start_2:
0x2e: {  	(tag) =	ssettag $0x2  }
0x2f: {  	s0 =	rddreg [dreg:$0x0];
	s2 =	stileid.u32  }
0x30: {  	s1 =	rddreg [dreg:$0x1];
	p0 =	sne.s32 s2, $0x0  }
0x31: {  	s3 =	rddreg [dreg:$0x2];
	[bflag:$0x3] =	sbarrier.arrive $0xFFFF;
	s2 =	simm.s32 @!p0 $0x1C03  }
0x32: {  	[timem:s3], [sflag:s2] =	dma.local @!p0 [hbm:s0], s1  }
0x33: {  	s0 =	simm.s32 @!p0 $0x3  }
0x34: {  	_ =	swait.ge @!p0 [sflag:s0], s1  }
0x35: {  	s1 =	ssub.s32 @!p0 $0x0, s1;
	[sflag:s0] =	ssyncset.done @!p0 $0x0  }
0x36: {  	[sflag:s0] =	ssyncadd.s32 @!p0 s1  }
0x37: {  	[bflag:$0x3] =	sbarrier.arrive $0xFFFF  }
0x38: {  	_ =	shalt  }

// kernel: kernel.17.cloned.1.call-start
scs
__scs_entry_jumppad:
0x0: {  	(pc) =	sbr.rel $0x88, $3  }
0x1: {  	(tag) =	ssettag $0x0;
	lr =	simm.s32 $0x1  }
0x2: {  	[smem:$0x3F97] =	sst lr;
	_ =	strace $0xD0000000  }
0x3: {  	_ = 	snop  }
0x4: {  	_ = 	snop  }
0x5: {  	_ = 	snop  }
0x6: {  	_ = 	snop  }
0x7: {  	_ = 	snop  }
__scs_overlays_trampoline_lowered:
0x8: {  	[smem:$0x3FA6] =	sst s0  }
0x9: {  	[smem:$0x3FA7] =	sst s1  }
0xa: {  	[smem:$0x3FA8] =	sst s2  }
0xb: {  	[smem:$0x3FA9] =	sst s3  }
0xc: {  	[smem:$0x3FAA] =	sst s4  }
0xd: {  	[smem:$0x3FAB] =	sst s5  }
0xe: {  	[smem:$0x3FAC] =	sst s6  }
0xf: {  	[smem:$0x3FAD] =	sst s7  }
0x10: {  	[smem:$0x3FAE] =	sst s8  }
0x11: {  	[smem:$0x3FAF] =	sst s9;
	s0 =	simm.s32 @!p0 $0x0  }
0x12: {  	s1 =	sld [smem:$0x3F95];
	s0 =	simm.s32 @p0 $0x1  }
0x13: {  	[smem:$0x3FB0] =	sst s0;
	s0 =	simm.s32 @!p1 $0x0  }
0x14: {  	s2 =	sld [smem:$0x3F94];
	s0 =	simm.s32 @p1 $0x1  }
0x15: {  	[smem:$0x3FB1] =	sst s0;
	s0 =	simm.s32 @!p2 $0x0  }
0x16: {  	s3 =	sld [smem:$0x3FDB];
	s0 =	simm.s32 @p2 $0x1  }
0x17: {  	s4 =	simm.s32 $0x1BF5;
	[smem:$0x3FB3] =	sst s0  }
0x18: {  	s0 =	sld [smem:$0x3F96];
	_ =	swait.ge [sflag:s4], $0x0  }
0x19: {  	s7 =	sld [smem:$0x3F97]  }
0x1a: {  	s8 =	sadd.s32 $0xFFFFE003, lr  }
0x1b: {  	s9 =	sadd.s32 $0xFFFFFEF7, lr;
	s5 =	simm.s32 $0xFFFFFFFF;
	p2 =	slt.u32 s8, $0xFFFFF086  }
0x1c: {  	p1 =	slt.u32 s9, $0xF7A;
	s5 =	simm.s32 @!p2 $0x0  }
0x1d: {  	s5 =	simm.s32 @p1 $0x1;
	p0 =	seq.s32 s7, s2  }
0x1e: {  	s7 =	smul.u32 @!p0 $0xF7A, s2;
	p2 =	seq.s32 @!p0 s5, $0x0  }
0x1f: {  	s9 =	smul.u32 $0xF7A, s1;
	s8 =	simm.s32 @!p0 $0x1BF5;
	p2 =	por !p2, p0  }
0x20: {  	[sflag:s8] =	ssyncset.s32 @!p0 $0xFFFFF086;
	s6 =	sadd.s32 @!p0 s3, s7;
	s7 =	simm.s32 @!p0 $0x108  }
0x21: {  	s3 =	sadd.s32 s3, s9;
	s6 =	sadd.s32 @!p0 $0x88, s6;
	s7 =	simm.s32 @p2 $0x1082  }
0x22: {  	[simem:s7], [sflag:s8] =	dma.local @!p0 [hbm:s6], $0xF7A  }
0x23: {  	s9 =	sor.u32 $0xD0000000, s2;
	s6 =	simm.s32 $0x108;
	_ =	swait.ge @!p0 [sflag:s8], $0x0  }
0x24: {  	s3 =	sadd.s32 $0x88, s3;
	s6 =	simm.s32 @!p1 $0x1082;
	[sflag:s4] =	ssyncset.s32 $0xFFFFF086  }
0x25: {  	[simem:s6], [sflag:s4] =	dma.local [hbm:s3], $0xF7A  }
0x26: {  	[smem:$0x3F97] =	sst s1;
	(tag) =	ssettag s2;
	_ =	strace s9  }
0x27: {  	s1 =	sld [smem:$0x3FA7]  }
0x28: {  	s2 =	sld [smem:$0x3FA8]  }
0x29: {  	s4 =	sld [smem:$0x3FAA]  }
0x2a: {  	p0 =	seq.s32 s5, $0x0;
	s5 =	sld [smem:$0x3FAB]  }
0x2b: {  	s6 =	sld [smem:$0x3FAC]  }
0x2c: {  	s7 =	sld [smem:$0x3FAD]  }
0x2d: {  	s3 =	simm.s32 $0x108;
	s8 =	sld [smem:$0x3FAE]  }
0x2e: {  	s3 =	simm.s32 @!p0 $0x1082;
	s9 =	sld [smem:$0x3FAF]  }
0x2f: {  	lr =	sadd.s32 s0, s3;
	s0 =	sld [smem:$0x3FA6]  }
0x30: {  	s3 =	sld [smem:$0x3FA9]  }
0x31: {  	[smem:$0x3FB2] =	sst s10  }
0x32: {  	s10 =	sld [smem:$0x3FB0];
	_ =	sdelay $0x3  }
0x33: {  	p0 =	seq.s32 s10, $0x1;
	s10 =	sld [smem:$0x3FB2];
	_ =	sdelay $0x3  }
0x34: {  	[smem:$0x3FB2] =	sst s10  }
0x35: {  	s10 =	sld [smem:$0x3FB1];
	_ =	sdelay $0x3  }
0x36: {  	p1 =	seq.s32 s10, $0x1;
	s10 =	sld [smem:$0x3FB2];
	_ =	sdelay $0x3  }
0x37: {  	[smem:$0x3FB2] =	sst s10  }
0x38: {  	s10 =	sld [smem:$0x3FB3]  }
0x39: {  	_ = 	snop;
	(pc) =	sbr.ind lr, $3  }
0x3a: {  	_ = 	snop  }
0x3b: {  	_ = 	snop  }
0x3c: {  	p2 =	seq.s32 s10, $0x1;
	s10 =	sld [smem:$0x3FB2]  }
0x3d: {  	_ =	shalt  }
0x3e: {  	_ =	shalt  }
0x3f: {  	_ =	shalt  }
0x40: {  	_ =	shalt  }
0x41: {  	_ =	shalt  }
0x42: {  	_ =	shalt  }
0x43: {  	_ =	shalt  }
0x44: {  	_ =	shalt  }
0x45: {  	_ =	shalt  }
0x46: {  	_ =	shalt  }
0x47: {  	_ =	shalt  }
0x48: {  	_ =	shalt  }
0x49: {  	_ =	shalt  }
0x4a: {  	_ =	shalt  }
0x4b: {  	_ =	shalt  }
0x4c: {  	_ =	shalt  }
0x4d: {  	_ =	shalt  }
0x4e: {  	_ =	shalt  }
0x4f: {  	_ =	shalt  }
0x50: {  	_ =	shalt  }
0x51: {  	_ =	shalt  }
0x52: {  	_ =	shalt  }
0x53: {  	_ =	shalt  }
0x54: {  	_ =	shalt  }
0x55: {  	_ =	shalt  }
0x56: {  	_ =	shalt  }
0x57: {  	_ =	shalt  }
0x58: {  	_ =	shalt  }
0x59: {  	_ =	shalt  }
0x5a: {  	_ =	shalt  }
0x5b: {  	_ =	shalt  }
0x5c: {  	_ =	shalt  }
0x5d: {  	_ =	shalt  }
0x5e: {  	_ =	shalt  }
0x5f: {  	_ =	shalt  }
0x60: {  	_ =	shalt  }
0x61: {  	_ =	shalt  }
0x62: {  	_ =	shalt  }
0x63: {  	_ =	shalt  }
0x64: {  	_ =	shalt  }
0x65: {  	_ =	shalt  }
0x66: {  	_ =	shalt  }
0x67: {  	_ =	shalt  }
0x68: {  	_ =	shalt  }
0x69: {  	_ =	shalt  }
0x6a: {  	_ =	shalt  }
0x6b: {  	_ =	shalt  }
0x6c: {  	_ =	shalt  }
0x6d: {  	_ =	shalt  }
0x6e: {  	_ =	shalt  }
0x6f: {  	_ =	shalt  }
0x70: {  	_ =	shalt  }
0x71: {  	_ =	shalt  }
0x72: {  	_ =	shalt  }
0x73: {  	_ =	shalt  }
0x74: {  	_ =	shalt  }
0x75: {  	_ =	shalt  }
0x76: {  	_ =	shalt  }
0x77: {  	_ =	shalt  }
0x78: {  	_ =	shalt  }
0x79: {  	_ =	shalt  }
0x7a: {  	_ =	shalt  }
0x7b: {  	_ =	shalt  }
0x7c: {  	_ =	shalt  }
0x7d: {  	_ =	shalt  }
0x7e: {  	_ =	shalt  }
0x7f: {  	_ =	shalt  }
0x80: {  	_ =	shalt  }
0x81: {  	_ =	shalt  }
0x82: {  	_ =	shalt  }
0x83: {  	_ =	shalt  }
0x84: {  	_ =	shalt  }
0x85: {  	_ =	shalt  }
0x86: {  	_ =	shalt  }
0x87: {  	_ =	shalt  }
.Lfunc_end0:
.L_simem_size_0:
called_computation.3_lowered:
.L_overlay_start_0:
0x88: {  	s2 =	sld [smem:$0x3FD9]  }
0x89: {  	s3 =	sld [smem:$0x3FFE];
	_ =	sdelay $0x1  }
0x8a: {  	s1 =	srdreg.scid  }
0x8b: {  	s0 =	sand.u32 $0x1, s1  }
0x8c: {  	s16 =	sshll.u32 s0, $0xA;
	s2 =	sadd.s32 s3, s2  }
0x8d: {  	s2 =	sadd.s32 s2, s16  }
0x8e: {  	[smem:$0x3FBE] =	sst s2  }
0x8f: {  	_ = 	snop  }
0x90: {  	(tm) =	ssettm $0x1  }
0x91: {  	s17 =	sld [smem:$0x3FFB];
	_ =	sdelay $0x3  }
0x92: {  	_ =	strace s17  }
0x93: {  	s2 =	sld [smem:$0x3FFC];
	_ =	sdelay $0x3  }
0x94: {  	_ =	strace s2  }
0x95: {  	s2 =	sld [smem:$0x3FFD];
	_ =	sdelay $0x3  }
0x96: {  	_ =	strace s2  }
0x97: {  	_ =	strace $0x8FFFFFFF  }
0x98: {  	s18 =	sld [smem:$0x3FDB];
	_ =	sdelay $0x1  }
0x99: {  	s19 =	simm.s32 $_scs_section_size  }
0x9a: {  	s4 =	simm.s32 $_size__tile_overlayer_lowered;
	s5 =	simm.s32 $_tile_overlayer_lowered  }
0x9b: {  	s22 =	simm.s32 $0x1BFF;
	s21 =	sshll.u32 s5, $0x1;
	s2 =	sadd.s32 s19, s18  }
0x9c: {  	s6 =	simm.s32 $0x0;
	s20 =	sshll.u32 s4, $0x1;
	s4 =	sadd.s32 s21, s2  }
0x9d: {  	[timem:s6], [sflag:s22] =	dma.local [hbm:s4], s20  }
0x9e: {  	_ =	swait.ge [sflag:s22], s20  }
0x9f: {  	s3 =	ssub.s32 $0x0, s20;
	[sflag:s22] =	ssyncset.done $0x0  }
0xa0: {  	[sflag:s22] =	ssyncadd.s32 s3;
	_ =	sdelay $0x1  }
0xa1: {  	s23 =	simm.s32 $0x1B8B  }
0xa2: {  	_ =	swait.ge [sflag:s23], $0x1  }
0xa3: {  	[sflag:s23] =	ssyncset.done $0x0  }
0xa4: {  	s25 =	simm.s32 $0x1B8E;
	s24 =	sld [smem:$0x3FFE];
	[sflag:s23] =	ssyncadd.s32 $0xFFFFFFFF  }
0xa5: {  	s26 =	simm.s32 $execute0_lowered;
	[smem:$0x3FD2] =	sst s25  }
0xa6: {  	s4 =	sshll.u32 s26, $0x1;
	_ =	strace $0x8000004F;
	[dreg:$0x1] =	wrdreg $0xFFFFFFFF  }
0xa7: {  	s28 =	simm.s32 $_size_execute0_lowered;
	s2 =	sadd.s32 s2, s4;
	[dreg:$0x0] =	wrdreg $0x0  }
0xa8: {  	s4 =	sshll.u32 s28, $0x1;
	[dreg:$0x2] =	wrdreg s2  }
0xa9: {  	[dreg:$0x3] =	wrdreg s4  }
0xaa: {  	[dreg:$0x4] =	wrdreg $0xC0  }
0xab: {  	_ =	task [dreg:s6], $0x5FFFF  }
0xac: {  	[dreg:$0x1] =	wrdreg $0xFFFFFFFF  }
0xad: {  	[dreg:$0x0] =	wrdreg $0x60  }
0xae: {  	[dreg:$0x2] =	wrdreg s24  }
0xaf: {  	[dreg:$0x3] =	wrdreg $0x9  }
0xb0: {  	_ =	task.clear_ibuf [dreg:s6], $0x4FFFF;
	_ =	strace $0x9000004F  }
0xb1: {  	s29 =	simm.s32 $0x9;
	_ =	strace $0x80000051  }
0xb2: {  	_ =	swait.ge [sflag:s29], $0x1  }
0xb3: {  	[sflag:s29] =	ssyncadd.s32 $0xFFFFFFFF  }
0xb4: {  	_ =	strace $0x90000051  }
0xb5: {  	_ =	sfence  }
0xb6: {  	s30 =	sld [smem:$0x0];
	_ =	sdelay $0x2  }
0xb7: {  	s31 =	sshll.u32 s1, $0xD;
	s1 =	sshrl.u32 s1, $0x2  }
0xb8: {  	s3 =	sand.u32 $0x4000, s31;
	s1 =	sadd.s32 s1, s30  }
0xb9: {  	s0 =	sor.u32 s3, s0;
	s1 =	sshll.u32 s1, $0x11  }
0xba: {  	s0 =	sor.u32 s1, s0  }
0xbb: {  	s0 =	sadd.s32 $0x8F2B, s0  }
0xbc: {  	[sflag:s0] =	ssyncadd.remote.s32 $0x1  }
0xbd: {  	_ =	sfence.sel $0xFFFF  }
0xbe: {  	[dreg:$0x0] =	wrdreg $0xFFFFFFFF;
	(pc) =	sbr.abs _section_cstart, $3  }
0xbf: {  	[dreg:$0x1] =	wrdreg $0xFFFFFFFF  }
0xc0: {  	_ =	task.clear_ibuf [dreg:s6], $0x2FFFF;
	_ =	strace $0x9FFFFFFF  }
0xc1: {  	(tm) =	ssettm $0x7FFFFFFF  }
tec
execute0_lowered:
.L_overlay_start_1:
0x0: {  	(tag) =	ssettag $0x1  }
0x1: {  	s5 =	rddreg [dreg:$0x0]  }
0x2: {  	s0 =	rddreg [dreg:$0x1];
	s1 =	stileid.u32  }
0x3: {  	s3 =	srdreg.scid;
	s2 =	simm.s32 $0x0;
	s9 =	smul.u32 $0x8A00, s1  }
0x4: {  	s12 =	simm.s32 $0x1;
	s6 =	sand.u32 $0x1, s3;
	s30 =	smul.u32 $0x450000, s1  }
0x5: {  	s13 =	simm.s32 $0x2;
	s29 =	sshll.u32 s1, $0x1;
	s11 =	smul.u32 $0x4500, s6  }
0x6: {  	s14 =	simm.s32 $0x0;
	s3 =	sor.u32 s6, s29;
	s31 =	smul.u32 $0x228000, s6  }
0x7: {  	[smem:$0x7FF] =	sst s2;
	s4 =	sadd.s32 $0x2FD4E00, s5;
	s7 =	smul.u32 $0x4500, s3  }
.Ltmp0:
0x8: {  	_ =	strace $0x80000050;
	s8 =	ssub.s32 $0x2, s6;
	(pc) =	sbr.rel .LBB2_1-.Ltmp0, $4  }
0x9: {  	s3 =	sadd.s32 $0x2FE6200, s5;
	s10 =	sshrl.u32 s8, $0x1;
	s5 =	sadd.s32 $0x1A4B200, s5  }
0xa: {  	s8 =	ssub.s32 s8, s10;
	s9 =	sadd.s32 s11, s9;
	s7 =	sshrl.u32 s7, $0x3  }
0xb: {  	s10 =	simm.s32 $0x3;
	s11 =	simm.s32 $0x80;
	s6 =	sadd.s32 s4, s7  }
0xc: {  	s7 =	smax.u32 s8, $0x1;
	s8 =	sor.u32 $0x80, s9;
	s9 =	sadd.s32 s31, s30  }
.LBB2_4:
0xd: {  	s14 =	sadd.s32 $0x1, s14  }
0xe: {  	p0 =	sne.s32 s14, s7  }
.Ltmp1:
0xf: {  	_ = 	snop;
	(pc) =	sbr.rel @!p0 .LBB2_5-.Ltmp1, $4  }
0x10: {  	_ = 	snop  }
0x11: {  	_ =	swait.ge [sflag:s13], $0x4000  }
0x12: {  	[sflag:s13] =	ssyncset.done $0x0  }
0x13: {  	[sflag:s13] =	ssyncadd.s32 $0xFFFFC000  }
.LBB2_1:
0x14: {  	[tilespmem:s2], [sflag:$0x3] =	stream.linear.gather [hbm4b:s6+s2], $0x80, $0x38;
	[tilespmem:$0x8080] =	vst v63  }
0x15: {  	_ =	swait.ge [sflag:s10], $0x80  }
0x16: {  	s15 =	simm.s32 $0x89;
	s16 =	simm.s32 $0x0;
	[sflag:s10] =	ssyncset.done $0x0  }
0x17: {  	s17 =	smov.u32 s8;
	s18 =	simm.s32 $0x80;
	[sflag:s10] =	ssyncadd.s32 $0xFFFFFF80  }
.LBB2_2:
0x18: {  	[tilespmem:s18], [sflag:$0x1] =	stream.indirect.gather [hbm4b:s3+s11], $0x80, s2, s11, $0xb8;
	[tilespmem:$0x8080] =	vst v63  }
0x19: {  	s31 =	sadd.s32 s16, s9;
	s19 =	sand.u32 $0x4000, s16  }
0x1a: {  	p0 =	seq.s32 s15, $0x89;
	_ =	swait.ge [sflag:s12], $0x4000;
	s18 =	sshrl.u32 s31, $0x3  }
0x1b: {  	s19 =	sor.u32 $0x80, s19;
	p1 =	seq.s32 @!p0 s15, $0x0;
	[sflag:s12] =	ssyncset.done $0x0  }
0x1c: {  	s18 =	sadd.s32 s5, s18;
	p1 =	por p0, !p1;
	[sflag:s12] =	ssyncadd.s32 $0xFFFFC000  }
0x1d: {  	[hbm4b:s18+s2] =	stream.linear.scatter [tilespmem:s19], [sflag:$0x2], $0x4000, $0x38;
	[tilespmem:$0x8080] =	vst v63  }
.Ltmp2:
0x1e: {  	_ = 	snop;
	(pc) =	sbr.rel @!p1 .LBB2_4-.Ltmp2, $4  }
0x1f: {  	s18 =	simm.s32 @!p0 $0x2  }
0x20: {  	_ =	swait.ge @!p0 [sflag:s18], $0x4000  }
0x21: {  	[sflag:s18] =	ssyncset.done @!p0 $0x0  }
0x22: {  	[sflag:s18] =	ssyncadd.s32 @!p0 $0xFFFFC000  }
0x23: {  	s18 =	sshrl.u32 s17, $0x3  }
.Ltmp3:
0x24: {  	s18 =	sadd.s32 s4, s18;
	(pc) =	sbr.rel .LBB2_2-.Ltmp3, $4  }
0x25: {  	[tilespmem:s2], [sflag:$0x3] =	stream.linear.gather [hbm4b:s18+s2], $0x80, $0x38;
	[tilespmem:$0x8080] =	vst v63  }
0x26: {  	s16 =	sadd.s32 $0x4000, s16;
	_ =	swait.ge [sflag:s10], $0x80  }
0x27: {  	s17 =	sadd.s32 $0x80, s17;
	s31 =	sand.u32 $0x4000, s16;
	[sflag:s10] =	ssyncset.done $0x0  }
0x28: {  	s15 =	sadd.s32 $0xFFFFFFFF, s15;
	s18 =	sor.u32 $0x80, s31;
	[sflag:s10] =	ssyncadd.s32 $0xFFFFFF80  }
.LBB2_5:
0x29: {  	_ =	sfence.sel $0x180000  }
0x2a: {  	[bflag:$0x0] =	sbarrier.arrive $0xFFFF  }
0x2b: {  	p0 =	sne.s32 s1, $0x0;
	_ =	strace $0x90000050  }
0x2c: {  	s0 =	sadd.s32 @!p0 $0x100000, s0;
	[bflag:$0x2] =	sbarrier.arrive $0xFFFF  }
0x2d: {  	[sflag:s0] =	ssyncadd.tile.s32 @!p0 $0x1;
	_ =	shalt  }
.Lfunc_end2:
_tile_overlayer_lowered:
.L_overlay_start_2:
0x2e: {  	(tag) =	ssettag $0x2  }
0x2f: {  	s0 =	rddreg [dreg:$0x0];
	s2 =	stileid.u32  }
0x30: {  	s1 =	rddreg [dreg:$0x1];
	p0 =	sne.s32 s2, $0x0  }
0x31: {  	s3 =	rddreg [dreg:$0x2];
	[bflag:$0x3] =	sbarrier.arrive $0xFFFF;
	s2 =	simm.s32 @!p0 $0x1C03  }
0x32: {  	[timem:s3], [sflag:s2] =	dma.local @!p0 [hbm:s0], s1  }
0x33: {  	s0 =	simm.s32 @!p0 $0x3  }
0x34: {  	_ =	swait.ge @!p0 [sflag:s0], s1  }
0x35: {  	s1 =	ssub.s32 @!p0 $0x0, s1;
	[sflag:s0] =	ssyncset.done @!p0 $0x0  }
0x36: {  	[sflag:s0] =	ssyncadd.s32 @!p0 s1  }
0x37: {  	[bflag:$0x3] =	sbarrier.arrive $0xFFFF  }
0x38: {  	_ =	shalt  }

// kernel: kernel.20.cloned.1.call-start
scs
__scs_entry_jumppad:
0x0: {  	(pc) =	sbr.rel $0x88, $3  }
0x1: {  	(tag) =	ssettag $0x0;
	lr =	simm.s32 $0x1  }
0x2: {  	[smem:$0x3F97] =	sst lr;
	_ =	strace $0xD0000000  }
0x3: {  	_ = 	snop  }
0x4: {  	_ = 	snop  }
0x5: {  	_ = 	snop  }
0x6: {  	_ = 	snop  }
0x7: {  	_ = 	snop  }
__scs_overlays_trampoline_lowered:
0x8: {  	[smem:$0x3FA6] =	sst s0  }
0x9: {  	[smem:$0x3FA7] =	sst s1  }
0xa: {  	[smem:$0x3FA8] =	sst s2  }
0xb: {  	[smem:$0x3FA9] =	sst s3  }
0xc: {  	[smem:$0x3FAA] =	sst s4  }
0xd: {  	[smem:$0x3FAB] =	sst s5  }
0xe: {  	[smem:$0x3FAC] =	sst s6  }
0xf: {  	[smem:$0x3FAD] =	sst s7  }
0x10: {  	[smem:$0x3FAE] =	sst s8  }
0x11: {  	[smem:$0x3FAF] =	sst s9;
	s0 =	simm.s32 @!p0 $0x0  }
0x12: {  	s1 =	sld [smem:$0x3F95];
	s0 =	simm.s32 @p0 $0x1  }
0x13: {  	[smem:$0x3FB0] =	sst s0;
	s0 =	simm.s32 @!p1 $0x0  }
0x14: {  	s2 =	sld [smem:$0x3F94];
	s0 =	simm.s32 @p1 $0x1  }
0x15: {  	[smem:$0x3FB1] =	sst s0;
	s0 =	simm.s32 @!p2 $0x0  }
0x16: {  	s3 =	sld [smem:$0x3FDB];
	s0 =	simm.s32 @p2 $0x1  }
0x17: {  	s4 =	simm.s32 $0x1BF5;
	[smem:$0x3FB3] =	sst s0  }
0x18: {  	s0 =	sld [smem:$0x3F96];
	_ =	swait.ge [sflag:s4], $0x0  }
0x19: {  	s7 =	sld [smem:$0x3F97]  }
0x1a: {  	s8 =	sadd.s32 $0xFFFFE003, lr  }
0x1b: {  	s9 =	sadd.s32 $0xFFFFFEF7, lr;
	s5 =	simm.s32 $0xFFFFFFFF;
	p2 =	slt.u32 s8, $0xFFFFF086  }
0x1c: {  	p1 =	slt.u32 s9, $0xF7A;
	s5 =	simm.s32 @!p2 $0x0  }
0x1d: {  	s5 =	simm.s32 @p1 $0x1;
	p0 =	seq.s32 s7, s2  }
0x1e: {  	s7 =	smul.u32 @!p0 $0xF7A, s2;
	p2 =	seq.s32 @!p0 s5, $0x0  }
0x1f: {  	s9 =	smul.u32 $0xF7A, s1;
	s8 =	simm.s32 @!p0 $0x1BF5;
	p2 =	por !p2, p0  }
0x20: {  	[sflag:s8] =	ssyncset.s32 @!p0 $0xFFFFF086;
	s6 =	sadd.s32 @!p0 s3, s7;
	s7 =	simm.s32 @!p0 $0x108  }
0x21: {  	s3 =	sadd.s32 s3, s9;
	s6 =	sadd.s32 @!p0 $0x88, s6;
	s7 =	simm.s32 @p2 $0x1082  }
0x22: {  	[simem:s7], [sflag:s8] =	dma.local @!p0 [hbm:s6], $0xF7A  }
0x23: {  	s9 =	sor.u32 $0xD0000000, s2;
	s6 =	simm.s32 $0x108;
	_ =	swait.ge @!p0 [sflag:s8], $0x0  }
0x24: {  	s3 =	sadd.s32 $0x88, s3;
	s6 =	simm.s32 @!p1 $0x1082;
	[sflag:s4] =	ssyncset.s32 $0xFFFFF086  }
0x25: {  	[simem:s6], [sflag:s4] =	dma.local [hbm:s3], $0xF7A  }
0x26: {  	[smem:$0x3F97] =	sst s1;
	(tag) =	ssettag s2;
	_ =	strace s9  }
0x27: {  	s1 =	sld [smem:$0x3FA7]  }
0x28: {  	s2 =	sld [smem:$0x3FA8]  }
0x29: {  	s4 =	sld [smem:$0x3FAA]  }
0x2a: {  	p0 =	seq.s32 s5, $0x0;
	s5 =	sld [smem:$0x3FAB]  }
0x2b: {  	s6 =	sld [smem:$0x3FAC]  }
0x2c: {  	s7 =	sld [smem:$0x3FAD]  }
0x2d: {  	s3 =	simm.s32 $0x108;
	s8 =	sld [smem:$0x3FAE]  }
0x2e: {  	s3 =	simm.s32 @!p0 $0x1082;
	s9 =	sld [smem:$0x3FAF]  }
0x2f: {  	lr =	sadd.s32 s0, s3;
	s0 =	sld [smem:$0x3FA6]  }
0x30: {  	s3 =	sld [smem:$0x3FA9]  }
0x31: {  	[smem:$0x3FB2] =	sst s10  }
0x32: {  	s10 =	sld [smem:$0x3FB0];
	_ =	sdelay $0x3  }
0x33: {  	p0 =	seq.s32 s10, $0x1;
	s10 =	sld [smem:$0x3FB2];
	_ =	sdelay $0x3  }
0x34: {  	[smem:$0x3FB2] =	sst s10  }
0x35: {  	s10 =	sld [smem:$0x3FB1];
	_ =	sdelay $0x3  }
0x36: {  	p1 =	seq.s32 s10, $0x1;
	s10 =	sld [smem:$0x3FB2];
	_ =	sdelay $0x3  }
0x37: {  	[smem:$0x3FB2] =	sst s10  }
0x38: {  	s10 =	sld [smem:$0x3FB3]  }
0x39: {  	_ = 	snop;
	(pc) =	sbr.ind lr, $3  }
0x3a: {  	_ = 	snop  }
0x3b: {  	_ = 	snop  }
0x3c: {  	p2 =	seq.s32 s10, $0x1;
	s10 =	sld [smem:$0x3FB2]  }
0x3d: {  	_ =	shalt  }
0x3e: {  	_ =	shalt  }
0x3f: {  	_ =	shalt  }
0x40: {  	_ =	shalt  }
0x41: {  	_ =	shalt  }
0x42: {  	_ =	shalt  }
0x43: {  	_ =	shalt  }
0x44: {  	_ =	shalt  }
0x45: {  	_ =	shalt  }
0x46: {  	_ =	shalt  }
0x47: {  	_ =	shalt  }
0x48: {  	_ =	shalt  }
0x49: {  	_ =	shalt  }
0x4a: {  	_ =	shalt  }
0x4b: {  	_ =	shalt  }
0x4c: {  	_ =	shalt  }
0x4d: {  	_ =	shalt  }
0x4e: {  	_ =	shalt  }
0x4f: {  	_ =	shalt  }
0x50: {  	_ =	shalt  }
0x51: {  	_ =	shalt  }
0x52: {  	_ =	shalt  }
0x53: {  	_ =	shalt  }
0x54: {  	_ =	shalt  }
0x55: {  	_ =	shalt  }
0x56: {  	_ =	shalt  }
0x57: {  	_ =	shalt  }
0x58: {  	_ =	shalt  }
0x59: {  	_ =	shalt  }
0x5a: {  	_ =	shalt  }
0x5b: {  	_ =	shalt  }
0x5c: {  	_ =	shalt  }
0x5d: {  	_ =	shalt  }
0x5e: {  	_ =	shalt  }
0x5f: {  	_ =	shalt  }
0x60: {  	_ =	shalt  }
0x61: {  	_ =	shalt  }
0x62: {  	_ =	shalt  }
0x63: {  	_ =	shalt  }
0x64: {  	_ =	shalt  }
0x65: {  	_ =	shalt  }
0x66: {  	_ =	shalt  }
0x67: {  	_ =	shalt  }
0x68: {  	_ =	shalt  }
0x69: {  	_ =	shalt  }
0x6a: {  	_ =	shalt  }
0x6b: {  	_ =	shalt  }
0x6c: {  	_ =	shalt  }
0x6d: {  	_ =	shalt  }
0x6e: {  	_ =	shalt  }
0x6f: {  	_ =	shalt  }
0x70: {  	_ =	shalt  }
0x71: {  	_ =	shalt  }
0x72: {  	_ =	shalt  }
0x73: {  	_ =	shalt  }
0x74: {  	_ =	shalt  }
0x75: {  	_ =	shalt  }
0x76: {  	_ =	shalt  }
0x77: {  	_ =	shalt  }
0x78: {  	_ =	shalt  }
0x79: {  	_ =	shalt  }
0x7a: {  	_ =	shalt  }
0x7b: {  	_ =	shalt  }
0x7c: {  	_ =	shalt  }
0x7d: {  	_ =	shalt  }
0x7e: {  	_ =	shalt  }
0x7f: {  	_ =	shalt  }
0x80: {  	_ =	shalt  }
0x81: {  	_ =	shalt  }
0x82: {  	_ =	shalt  }
0x83: {  	_ =	shalt  }
0x84: {  	_ =	shalt  }
0x85: {  	_ =	shalt  }
0x86: {  	_ =	shalt  }
0x87: {  	_ =	shalt  }
.Lfunc_end0:
.L_simem_size_0:
called_computation.4_lowered:
.L_overlay_start_0:
0x88: {  	s2 =	sld [smem:$0x3FD9]  }
0x89: {  	s3 =	sld [smem:$0x3FFE];
	_ =	sdelay $0x1  }
0x8a: {  	s1 =	srdreg.scid  }
0x8b: {  	s0 =	sand.u32 $0x1, s1  }
0x8c: {  	s16 =	sshll.u32 s0, $0xA;
	s2 =	sadd.s32 s3, s2  }
0x8d: {  	s2 =	sadd.s32 s2, s16  }
0x8e: {  	[smem:$0x3FBE] =	sst s2  }
0x8f: {  	_ = 	snop  }
0x90: {  	(tm) =	ssettm $0x1  }
0x91: {  	s17 =	sld [smem:$0x3FFB];
	_ =	sdelay $0x3  }
0x92: {  	_ =	strace s17  }
0x93: {  	s2 =	sld [smem:$0x3FFC];
	_ =	sdelay $0x3  }
0x94: {  	_ =	strace s2  }
0x95: {  	s2 =	sld [smem:$0x3FFD];
	_ =	sdelay $0x3  }
0x96: {  	_ =	strace s2  }
0x97: {  	_ =	strace $0x8FFFFFFF  }
0x98: {  	s18 =	sld [smem:$0x3FDB];
	_ =	sdelay $0x1  }
0x99: {  	s19 =	simm.s32 $_scs_section_size  }
0x9a: {  	s4 =	simm.s32 $_size__tile_overlayer_lowered;
	s5 =	simm.s32 $_tile_overlayer_lowered  }
0x9b: {  	s22 =	simm.s32 $0x1BFF;
	s21 =	sshll.u32 s5, $0x1;
	s2 =	sadd.s32 s19, s18  }
0x9c: {  	s6 =	simm.s32 $0x0;
	s20 =	sshll.u32 s4, $0x1;
	s4 =	sadd.s32 s21, s2  }
0x9d: {  	[timem:s6], [sflag:s22] =	dma.local [hbm:s4], s20  }
0x9e: {  	_ =	swait.ge [sflag:s22], s20  }
0x9f: {  	s3 =	ssub.s32 $0x0, s20;
	[sflag:s22] =	ssyncset.done $0x0  }
0xa0: {  	[sflag:s22] =	ssyncadd.s32 s3;
	_ =	sdelay $0x1  }
0xa1: {  	s23 =	simm.s32 $0x1B8B  }
0xa2: {  	_ =	swait.ge [sflag:s23], $0x1  }
0xa3: {  	[sflag:s23] =	ssyncset.done $0x0  }
0xa4: {  	s25 =	simm.s32 $0x1B8E;
	s24 =	sld [smem:$0x3FFE];
	[sflag:s23] =	ssyncadd.s32 $0xFFFFFFFF  }
0xa5: {  	s26 =	simm.s32 $execute0_lowered;
	[smem:$0x3FD2] =	sst s25  }
0xa6: {  	s4 =	sshll.u32 s26, $0x1;
	_ =	strace $0x80000052;
	[dreg:$0x1] =	wrdreg $0xFFFFFFFF  }
0xa7: {  	s28 =	simm.s32 $_size_execute0_lowered;
	s2 =	sadd.s32 s2, s4;
	[dreg:$0x0] =	wrdreg $0x0  }
0xa8: {  	s4 =	sshll.u32 s28, $0x1;
	[dreg:$0x2] =	wrdreg s2  }
0xa9: {  	[dreg:$0x3] =	wrdreg s4  }
0xaa: {  	[dreg:$0x4] =	wrdreg $0xC0  }
0xab: {  	_ =	task [dreg:s6], $0x5FFFF  }
0xac: {  	[dreg:$0x1] =	wrdreg $0xFFFFFFFF  }
0xad: {  	[dreg:$0x0] =	wrdreg $0x60  }
0xae: {  	[dreg:$0x2] =	wrdreg s24  }
0xaf: {  	[dreg:$0x3] =	wrdreg $0x9  }
0xb0: {  	_ =	task.clear_ibuf [dreg:s6], $0x4FFFF;
	_ =	strace $0x90000052  }
0xb1: {  	s29 =	simm.s32 $0x9;
	_ =	strace $0x80000054  }
0xb2: {  	_ =	swait.ge [sflag:s29], $0x1  }
0xb3: {  	[sflag:s29] =	ssyncadd.s32 $0xFFFFFFFF  }
0xb4: {  	_ =	strace $0x90000054  }
0xb5: {  	_ =	sfence  }
0xb6: {  	s30 =	sld [smem:$0x0];
	_ =	sdelay $0x2  }
0xb7: {  	s31 =	sshll.u32 s1, $0xD;
	s1 =	sshrl.u32 s1, $0x2  }
0xb8: {  	s3 =	sand.u32 $0x4000, s31;
	s1 =	sadd.s32 s1, s30  }
0xb9: {  	s0 =	sor.u32 s3, s0;
	s1 =	sshll.u32 s1, $0x11  }
0xba: {  	s0 =	sor.u32 s1, s0  }
0xbb: {  	s0 =	sadd.s32 $0x8F2B, s0  }
0xbc: {  	[sflag:s0] =	ssyncadd.remote.s32 $0x1  }
0xbd: {  	_ =	sfence.sel $0xFFFF  }
0xbe: {  	[dreg:$0x0] =	wrdreg $0xFFFFFFFF;
	(pc) =	sbr.abs _section_cstart, $3  }
0xbf: {  	[dreg:$0x1] =	wrdreg $0xFFFFFFFF  }
0xc0: {  	_ =	task.clear_ibuf [dreg:s6], $0x2FFFF;
	_ =	strace $0x9FFFFFFF  }
0xc1: {  	(tm) =	ssettm $0x7FFFFFFF  }
tec
execute0_lowered:
.L_overlay_start_1:
0x0: {  	(tag) =	ssettag $0x1  }
0x1: {  	s5 =	rddreg [dreg:$0x0]  }
0x2: {  	s0 =	rddreg [dreg:$0x1];
	s1 =	stileid.u32  }
0x3: {  	s3 =	srdreg.scid;
	s2 =	simm.s32 $0x0;
	s9 =	smul.u32 $0x8A00, s1  }
0x4: {  	s12 =	simm.s32 $0x1;
	s6 =	sand.u32 $0x1, s3;
	s30 =	smul.u32 $0x450000, s1  }
0x5: {  	s13 =	simm.s32 $0x2;
	s29 =	sshll.u32 s1, $0x1;
	s11 =	smul.u32 $0x4500, s6  }
0x6: {  	s14 =	simm.s32 $0x0;
	s3 =	sor.u32 s6, s29;
	s31 =	smul.u32 $0x228000, s6  }
0x7: {  	[smem:$0x7FF] =	sst s2;
	s4 =	sadd.s32 $0x2FD4E00, s5;
	s7 =	smul.u32 $0x4500, s3  }
.Ltmp0:
0x8: {  	_ =	strace $0x80000053;
	s8 =	ssub.s32 $0x2, s6;
	(pc) =	sbr.rel .LBB2_1-.Ltmp0, $4  }
0x9: {  	s3 =	sadd.s32 $0x18C3200, s5;
	s10 =	sshrl.u32 s8, $0x1;
	s5 =	sadd.s32 $0x2FE6200, s5  }
0xa: {  	s8 =	ssub.s32 s8, s10;
	s9 =	sadd.s32 s11, s9;
	s7 =	sshrl.u32 s7, $0x3  }
0xb: {  	s10 =	simm.s32 $0x3;
	s11 =	simm.s32 $0x80;
	s6 =	sadd.s32 s4, s7  }
0xc: {  	s7 =	smax.u32 s8, $0x1;
	s8 =	sor.u32 $0x80, s9;
	s9 =	sadd.s32 s31, s30  }
.LBB2_4:
0xd: {  	s14 =	sadd.s32 $0x1, s14  }
0xe: {  	p0 =	sne.s32 s14, s7  }
.Ltmp1:
0xf: {  	_ = 	snop;
	(pc) =	sbr.rel @!p0 .LBB2_5-.Ltmp1, $4  }
0x10: {  	_ = 	snop  }
0x11: {  	_ =	swait.ge [sflag:s13], $0x4000  }
0x12: {  	[sflag:s13] =	ssyncset.done $0x0  }
0x13: {  	[sflag:s13] =	ssyncadd.s32 $0xFFFFC000  }
.LBB2_1:
0x14: {  	[tilespmem:s2], [sflag:$0x3] =	stream.linear.gather [hbm4b:s6+s2], $0x80, $0x38;
	[tilespmem:$0x8080] =	vst v63  }
0x15: {  	_ =	swait.ge [sflag:s10], $0x80  }
0x16: {  	s15 =	simm.s32 $0x89;
	s16 =	simm.s32 $0x0;
	[sflag:s10] =	ssyncset.done $0x0  }
0x17: {  	s17 =	smov.u32 s8;
	s18 =	simm.s32 $0x80;
	[sflag:s10] =	ssyncadd.s32 $0xFFFFFF80  }
.LBB2_2:
0x18: {  	[tilespmem:s18], [sflag:$0x1] =	stream.indirect.gather [hbm4b:s3+s11], $0x80, s2, s11, $0xb8;
	[tilespmem:$0x8080] =	vst v63  }
0x19: {  	s31 =	sadd.s32 s16, s9;
	s19 =	sand.u32 $0x4000, s16  }
0x1a: {  	p0 =	seq.s32 s15, $0x89;
	_ =	swait.ge [sflag:s12], $0x4000;
	s18 =	sshrl.u32 s31, $0x3  }
0x1b: {  	s19 =	sor.u32 $0x80, s19;
	p1 =	seq.s32 @!p0 s15, $0x0;
	[sflag:s12] =	ssyncset.done $0x0  }
0x1c: {  	s18 =	sadd.s32 s5, s18;
	p1 =	por p0, !p1;
	[sflag:s12] =	ssyncadd.s32 $0xFFFFC000  }
0x1d: {  	[hbm4b:s18+s2] =	stream.linear.scatter [tilespmem:s19], [sflag:$0x2], $0x4000, $0x38;
	[tilespmem:$0x8080] =	vst v63  }
.Ltmp2:
0x1e: {  	_ = 	snop;
	(pc) =	sbr.rel @!p1 .LBB2_4-.Ltmp2, $4  }
0x1f: {  	s18 =	simm.s32 @!p0 $0x2  }
0x20: {  	_ =	swait.ge @!p0 [sflag:s18], $0x4000  }
0x21: {  	[sflag:s18] =	ssyncset.done @!p0 $0x0  }
0x22: {  	[sflag:s18] =	ssyncadd.s32 @!p0 $0xFFFFC000  }
0x23: {  	s18 =	sshrl.u32 s17, $0x3  }
.Ltmp3:
0x24: {  	s18 =	sadd.s32 s4, s18;
	(pc) =	sbr.rel .LBB2_2-.Ltmp3, $4  }
0x25: {  	[tilespmem:s2], [sflag:$0x3] =	stream.linear.gather [hbm4b:s18+s2], $0x80, $0x38;
	[tilespmem:$0x8080] =	vst v63  }
0x26: {  	s16 =	sadd.s32 $0x4000, s16;
	_ =	swait.ge [sflag:s10], $0x80  }
0x27: {  	s17 =	sadd.s32 $0x80, s17;
	s31 =	sand.u32 $0x4000, s16;
	[sflag:s10] =	ssyncset.done $0x0  }
0x28: {  	s15 =	sadd.s32 $0xFFFFFFFF, s15;
	s18 =	sor.u32 $0x80, s31;
	[sflag:s10] =	ssyncadd.s32 $0xFFFFFF80  }
.LBB2_5:
0x29: {  	_ =	sfence.sel $0x180000  }
0x2a: {  	[bflag:$0x0] =	sbarrier.arrive $0xFFFF  }
0x2b: {  	p0 =	sne.s32 s1, $0x0;
	_ =	strace $0x90000053  }
0x2c: {  	s0 =	sadd.s32 @!p0 $0x100000, s0;
	[bflag:$0x2] =	sbarrier.arrive $0xFFFF  }
0x2d: {  	[sflag:s0] =	ssyncadd.tile.s32 @!p0 $0x1;
	_ =	shalt  }
.Lfunc_end2:
_tile_overlayer_lowered:
.L_overlay_start_2:
0x2e: {  	(tag) =	ssettag $0x2  }
0x2f: {  	s0 =	rddreg [dreg:$0x0];
	s2 =	stileid.u32  }
0x30: {  	s1 =	rddreg [dreg:$0x1];
	p0 =	sne.s32 s2, $0x0  }
0x31: {  	s3 =	rddreg [dreg:$0x2];
	[bflag:$0x3] =	sbarrier.arrive $0xFFFF;
	s2 =	simm.s32 @!p0 $0x1C03  }
0x32: {  	[timem:s3], [sflag:s2] =	dma.local @!p0 [hbm:s0], s1  }
0x33: {  	s0 =	simm.s32 @!p0 $0x3  }
0x34: {  	_ =	swait.ge @!p0 [sflag:s0], s1  }
0x35: {  	s1 =	ssub.s32 @!p0 $0x0, s1;
	[sflag:s0] =	ssyncset.done @!p0 $0x0  }
0x36: {  	[sflag:s0] =	ssyncadd.s32 @!p0 s1  }
0x37: {  	[bflag:$0x3] =	sbarrier.arrive $0xFFFF  }
0x38: {  	_ =	shalt  }

// kernel: kernel.23.cloned.1.call-start
scs
__scs_entry_jumppad:
0x0: {  	(pc) =	sbr.rel $0x88, $3  }
0x1: {  	(tag) =	ssettag $0x0;
	lr =	simm.s32 $0x1  }
0x2: {  	[smem:$0x3F97] =	sst lr;
	_ =	strace $0xD0000000  }
0x3: {  	_ = 	snop  }
0x4: {  	_ = 	snop  }
0x5: {  	_ = 	snop  }
0x6: {  	_ = 	snop  }
0x7: {  	_ = 	snop  }
__scs_overlays_trampoline_lowered:
0x8: {  	[smem:$0x3FA6] =	sst s0  }
0x9: {  	[smem:$0x3FA7] =	sst s1  }
0xa: {  	[smem:$0x3FA8] =	sst s2  }
0xb: {  	[smem:$0x3FA9] =	sst s3  }
0xc: {  	[smem:$0x3FAA] =	sst s4  }
0xd: {  	[smem:$0x3FAB] =	sst s5  }
0xe: {  	[smem:$0x3FAC] =	sst s6  }
0xf: {  	[smem:$0x3FAD] =	sst s7  }
0x10: {  	[smem:$0x3FAE] =	sst s8  }
0x11: {  	[smem:$0x3FAF] =	sst s9;
	s0 =	simm.s32 @!p0 $0x0  }
0x12: {  	s1 =	sld [smem:$0x3F95];
	s0 =	simm.s32 @p0 $0x1  }
0x13: {  	[smem:$0x3FB0] =	sst s0;
	s0 =	simm.s32 @!p1 $0x0  }
0x14: {  	s2 =	sld [smem:$0x3F94];
	s0 =	simm.s32 @p1 $0x1  }
0x15: {  	[smem:$0x3FB1] =	sst s0;
	s0 =	simm.s32 @!p2 $0x0  }
0x16: {  	s3 =	sld [smem:$0x3FDB];
	s0 =	simm.s32 @p2 $0x1  }
0x17: {  	s4 =	simm.s32 $0x1BF5;
	[smem:$0x3FB3] =	sst s0  }
0x18: {  	s0 =	sld [smem:$0x3F96];
	_ =	swait.ge [sflag:s4], $0x0  }
0x19: {  	s7 =	sld [smem:$0x3F97]  }
0x1a: {  	s8 =	sadd.s32 $0xFFFFE003, lr  }
0x1b: {  	s9 =	sadd.s32 $0xFFFFFEF7, lr;
	s5 =	simm.s32 $0xFFFFFFFF;
	p2 =	slt.u32 s8, $0xFFFFF086  }
0x1c: {  	p1 =	slt.u32 s9, $0xF7A;
	s5 =	simm.s32 @!p2 $0x0  }
0x1d: {  	s5 =	simm.s32 @p1 $0x1;
	p0 =	seq.s32 s7, s2  }
0x1e: {  	s7 =	smul.u32 @!p0 $0xF7A, s2;
	p2 =	seq.s32 @!p0 s5, $0x0  }
0x1f: {  	s9 =	smul.u32 $0xF7A, s1;
	s8 =	simm.s32 @!p0 $0x1BF5;
	p2 =	por !p2, p0  }
0x20: {  	[sflag:s8] =	ssyncset.s32 @!p0 $0xFFFFF086;
	s6 =	sadd.s32 @!p0 s3, s7;
	s7 =	simm.s32 @!p0 $0x108  }
0x21: {  	s3 =	sadd.s32 s3, s9;
	s6 =	sadd.s32 @!p0 $0x88, s6;
	s7 =	simm.s32 @p2 $0x1082  }
0x22: {  	[simem:s7], [sflag:s8] =	dma.local @!p0 [hbm:s6], $0xF7A  }
0x23: {  	s9 =	sor.u32 $0xD0000000, s2;
	s6 =	simm.s32 $0x108;
	_ =	swait.ge @!p0 [sflag:s8], $0x0  }
0x24: {  	s3 =	sadd.s32 $0x88, s3;
	s6 =	simm.s32 @!p1 $0x1082;
	[sflag:s4] =	ssyncset.s32 $0xFFFFF086  }
0x25: {  	[simem:s6], [sflag:s4] =	dma.local [hbm:s3], $0xF7A  }
0x26: {  	[smem:$0x3F97] =	sst s1;
	(tag) =	ssettag s2;
	_ =	strace s9  }
0x27: {  	s1 =	sld [smem:$0x3FA7]  }
0x28: {  	s2 =	sld [smem:$0x3FA8]  }
0x29: {  	s4 =	sld [smem:$0x3FAA]  }
0x2a: {  	p0 =	seq.s32 s5, $0x0;
	s5 =	sld [smem:$0x3FAB]  }
0x2b: {  	s6 =	sld [smem:$0x3FAC]  }
0x2c: {  	s7 =	sld [smem:$0x3FAD]  }
0x2d: {  	s3 =	simm.s32 $0x108;
	s8 =	sld [smem:$0x3FAE]  }
0x2e: {  	s3 =	simm.s32 @!p0 $0x1082;
	s9 =	sld [smem:$0x3FAF]  }
0x2f: {  	lr =	sadd.s32 s0, s3;
	s0 =	sld [smem:$0x3FA6]  }
0x30: {  	s3 =	sld [smem:$0x3FA9]  }
0x31: {  	[smem:$0x3FB2] =	sst s10  }
0x32: {  	s10 =	sld [smem:$0x3FB0];
	_ =	sdelay $0x3  }
0x33: {  	p0 =	seq.s32 s10, $0x1;
	s10 =	sld [smem:$0x3FB2];
	_ =	sdelay $0x3  }
0x34: {  	[smem:$0x3FB2] =	sst s10  }
0x35: {  	s10 =	sld [smem:$0x3FB1];
	_ =	sdelay $0x3  }
0x36: {  	p1 =	seq.s32 s10, $0x1;
	s10 =	sld [smem:$0x3FB2];
	_ =	sdelay $0x3  }
0x37: {  	[smem:$0x3FB2] =	sst s10  }
0x38: {  	s10 =	sld [smem:$0x3FB3]  }
0x39: {  	_ = 	snop;
	(pc) =	sbr.ind lr, $3  }
0x3a: {  	_ = 	snop  }
0x3b: {  	_ = 	snop  }
0x3c: {  	p2 =	seq.s32 s10, $0x1;
	s10 =	sld [smem:$0x3FB2]  }
0x3d: {  	_ =	shalt  }
0x3e: {  	_ =	shalt  }
0x3f: {  	_ =	shalt  }
0x40: {  	_ =	shalt  }
0x41: {  	_ =	shalt  }
0x42: {  	_ =	shalt  }
0x43: {  	_ =	shalt  }
0x44: {  	_ =	shalt  }
0x45: {  	_ =	shalt  }
0x46: {  	_ =	shalt  }
0x47: {  	_ =	shalt  }
0x48: {  	_ =	shalt  }
0x49: {  	_ =	shalt  }
0x4a: {  	_ =	shalt  }
0x4b: {  	_ =	shalt  }
0x4c: {  	_ =	shalt  }
0x4d: {  	_ =	shalt  }
0x4e: {  	_ =	shalt  }
0x4f: {  	_ =	shalt  }
0x50: {  	_ =	shalt  }
0x51: {  	_ =	shalt  }
0x52: {  	_ =	shalt  }
0x53: {  	_ =	shalt  }
0x54: {  	_ =	shalt  }
0x55: {  	_ =	shalt  }
0x56: {  	_ =	shalt  }
0x57: {  	_ =	shalt  }
0x58: {  	_ =	shalt  }
0x59: {  	_ =	shalt  }
0x5a: {  	_ =	shalt  }
0x5b: {  	_ =	shalt  }
0x5c: {  	_ =	shalt  }
0x5d: {  	_ =	shalt  }
0x5e: {  	_ =	shalt  }
0x5f: {  	_ =	shalt  }
0x60: {  	_ =	shalt  }
0x61: {  	_ =	shalt  }
0x62: {  	_ =	shalt  }
0x63: {  	_ =	shalt  }
0x64: {  	_ =	shalt  }
0x65: {  	_ =	shalt  }
0x66: {  	_ =	shalt  }
0x67: {  	_ =	shalt  }
0x68: {  	_ =	shalt  }
0x69: {  	_ =	shalt  }
0x6a: {  	_ =	shalt  }
0x6b: {  	_ =	shalt  }
0x6c: {  	_ =	shalt  }
0x6d: {  	_ =	shalt  }
0x6e: {  	_ =	shalt  }
0x6f: {  	_ =	shalt  }
0x70: {  	_ =	shalt  }
0x71: {  	_ =	shalt  }
0x72: {  	_ =	shalt  }
0x73: {  	_ =	shalt  }
0x74: {  	_ =	shalt  }
0x75: {  	_ =	shalt  }
0x76: {  	_ =	shalt  }
0x77: {  	_ =	shalt  }
0x78: {  	_ =	shalt  }
0x79: {  	_ =	shalt  }
0x7a: {  	_ =	shalt  }
0x7b: {  	_ =	shalt  }
0x7c: {  	_ =	shalt  }
0x7d: {  	_ =	shalt  }
0x7e: {  	_ =	shalt  }
0x7f: {  	_ =	shalt  }
0x80: {  	_ =	shalt  }
0x81: {  	_ =	shalt  }
0x82: {  	_ =	shalt  }
0x83: {  	_ =	shalt  }
0x84: {  	_ =	shalt  }
0x85: {  	_ =	shalt  }
0x86: {  	_ =	shalt  }
0x87: {  	_ =	shalt  }
.Lfunc_end0:
.L_simem_size_0:
called_computation.5_lowered:
.L_overlay_start_0:
0x88: {  	s2 =	sld [smem:$0x3FD9]  }
0x89: {  	s3 =	sld [smem:$0x3FFE];
	_ =	sdelay $0x1  }
0x8a: {  	s1 =	srdreg.scid  }
0x8b: {  	s0 =	sand.u32 $0x1, s1  }
0x8c: {  	s16 =	sshll.u32 s0, $0xA;
	s2 =	sadd.s32 s3, s2  }
0x8d: {  	s2 =	sadd.s32 s2, s16  }
0x8e: {  	[smem:$0x3FBE] =	sst s2  }
0x8f: {  	_ = 	snop  }
0x90: {  	(tm) =	ssettm $0x1  }
0x91: {  	s17 =	sld [smem:$0x3FFB];
	_ =	sdelay $0x3  }
0x92: {  	_ =	strace s17  }
0x93: {  	s2 =	sld [smem:$0x3FFC];
	_ =	sdelay $0x3  }
0x94: {  	_ =	strace s2  }
0x95: {  	s2 =	sld [smem:$0x3FFD];
	_ =	sdelay $0x3  }
0x96: {  	_ =	strace s2  }
0x97: {  	_ =	strace $0x8FFFFFFF  }
0x98: {  	s18 =	sld [smem:$0x3FDB];
	_ =	sdelay $0x1  }
0x99: {  	s19 =	simm.s32 $_scs_section_size  }
0x9a: {  	s4 =	simm.s32 $_size__tile_overlayer_lowered;
	s5 =	simm.s32 $_tile_overlayer_lowered  }
0x9b: {  	s22 =	simm.s32 $0x1BFF;
	s21 =	sshll.u32 s5, $0x1;
	s2 =	sadd.s32 s19, s18  }
0x9c: {  	s6 =	simm.s32 $0x0;
	s20 =	sshll.u32 s4, $0x1;
	s4 =	sadd.s32 s21, s2  }
0x9d: {  	[timem:s6], [sflag:s22] =	dma.local [hbm:s4], s20  }
0x9e: {  	_ =	swait.ge [sflag:s22], s20  }
0x9f: {  	s3 =	ssub.s32 $0x0, s20;
	[sflag:s22] =	ssyncset.done $0x0  }
0xa0: {  	[sflag:s22] =	ssyncadd.s32 s3;
	_ =	sdelay $0x1  }
0xa1: {  	s23 =	simm.s32 $0x1B8B  }
0xa2: {  	_ =	swait.ge [sflag:s23], $0x1  }
0xa3: {  	[sflag:s23] =	ssyncset.done $0x0  }
0xa4: {  	s25 =	simm.s32 $0x1B8E;
	s24 =	sld [smem:$0x3FFE];
	[sflag:s23] =	ssyncadd.s32 $0xFFFFFFFF  }
0xa5: {  	s26 =	simm.s32 $execute0_lowered;
	[smem:$0x3FD2] =	sst s25  }
0xa6: {  	s4 =	sshll.u32 s26, $0x1;
	_ =	strace $0x80000055;
	[dreg:$0x1] =	wrdreg $0xFFFFFFFF  }
0xa7: {  	s28 =	simm.s32 $_size_execute0_lowered;
	s2 =	sadd.s32 s2, s4;
	[dreg:$0x0] =	wrdreg $0x0  }
0xa8: {  	s4 =	sshll.u32 s28, $0x1;
	[dreg:$0x2] =	wrdreg s2  }
0xa9: {  	[dreg:$0x3] =	wrdreg s4  }
0xaa: {  	[dreg:$0x4] =	wrdreg $0xC0  }
0xab: {  	_ =	task [dreg:s6], $0x5FFFF  }
0xac: {  	[dreg:$0x1] =	wrdreg $0xFFFFFFFF  }
0xad: {  	[dreg:$0x0] =	wrdreg $0x60  }
0xae: {  	[dreg:$0x2] =	wrdreg s24  }
0xaf: {  	[dreg:$0x3] =	wrdreg $0x9  }
0xb0: {  	_ =	task.clear_ibuf [dreg:s6], $0x4FFFF;
	_ =	strace $0x90000055  }
0xb1: {  	s29 =	simm.s32 $0x9;
	_ =	strace $0x80000057  }
0xb2: {  	_ =	swait.ge [sflag:s29], $0x1  }
0xb3: {  	[sflag:s29] =	ssyncadd.s32 $0xFFFFFFFF  }
0xb4: {  	_ =	strace $0x90000057  }
0xb5: {  	_ =	sfence  }
0xb6: {  	s30 =	sld [smem:$0x0];
	_ =	sdelay $0x2  }
0xb7: {  	s31 =	sshll.u32 s1, $0xD;
	s1 =	sshrl.u32 s1, $0x2  }
0xb8: {  	s3 =	sand.u32 $0x4000, s31;
	s1 =	sadd.s32 s1, s30  }
0xb9: {  	s0 =	sor.u32 s3, s0;
	s1 =	sshll.u32 s1, $0x11  }
0xba: {  	s0 =	sor.u32 s1, s0  }
0xbb: {  	s0 =	sadd.s32 $0x8F2B, s0  }
0xbc: {  	[sflag:s0] =	ssyncadd.remote.s32 $0x1  }
0xbd: {  	_ =	sfence.sel $0xFFFF  }
0xbe: {  	[dreg:$0x0] =	wrdreg $0xFFFFFFFF;
	(pc) =	sbr.abs _section_cstart, $3  }
0xbf: {  	[dreg:$0x1] =	wrdreg $0xFFFFFFFF  }
0xc0: {  	_ =	task.clear_ibuf [dreg:s6], $0x2FFFF;
	_ =	strace $0x9FFFFFFF  }
0xc1: {  	(tm) =	ssettm $0x7FFFFFFF  }
tec
execute0_lowered:
.L_overlay_start_1:
0x0: {  	(tag) =	ssettag $0x1  }
0x1: {  	s5 =	rddreg [dreg:$0x0]  }
0x2: {  	s0 =	rddreg [dreg:$0x1];
	s1 =	stileid.u32  }
0x3: {  	s3 =	srdreg.scid;
	s2 =	simm.s32 $0x0;
	s9 =	smul.u32 $0x8A00, s1  }
0x4: {  	s12 =	simm.s32 $0x1;
	s6 =	sand.u32 $0x1, s3;
	s30 =	smul.u32 $0x450000, s1  }
0x5: {  	s13 =	simm.s32 $0x2;
	s29 =	sshll.u32 s1, $0x1;
	s11 =	smul.u32 $0x4500, s6  }
0x6: {  	s14 =	simm.s32 $0x0;
	s3 =	sor.u32 s6, s29;
	s31 =	smul.u32 $0x228000, s6  }
0x7: {  	[smem:$0x7FF] =	sst s2;
	s4 =	sadd.s32 $0x2FD4E00, s5;
	s7 =	smul.u32 $0x4500, s3  }
.Ltmp0:
0x8: {  	_ =	strace $0x80000056;
	s8 =	ssub.s32 $0x2, s6;
	(pc) =	sbr.rel .LBB2_1-.Ltmp0, $4  }
0x9: {  	s3 =	sadd.s32 $0x2FE6200, s5;
	s10 =	sshrl.u32 s8, $0x1;
	s5 =	sadd.s32 $0x1A4B200, s5  }
0xa: {  	s8 =	ssub.s32 s8, s10;
	s9 =	sadd.s32 s11, s9;
	s7 =	sshrl.u32 s7, $0x3  }
0xb: {  	s10 =	simm.s32 $0x3;
	s11 =	simm.s32 $0x80;
	s6 =	sadd.s32 s4, s7  }
0xc: {  	s7 =	smax.u32 s8, $0x1;
	s8 =	sor.u32 $0x80, s9;
	s9 =	sadd.s32 s31, s30  }
.LBB2_4:
0xd: {  	s14 =	sadd.s32 $0x1, s14  }
0xe: {  	p0 =	sne.s32 s14, s7  }
.Ltmp1:
0xf: {  	_ = 	snop;
	(pc) =	sbr.rel @!p0 .LBB2_5-.Ltmp1, $4  }
0x10: {  	_ = 	snop  }
0x11: {  	_ =	swait.ge [sflag:s13], $0x4000  }
0x12: {  	[sflag:s13] =	ssyncset.done $0x0  }
0x13: {  	[sflag:s13] =	ssyncadd.s32 $0xFFFFC000  }
.LBB2_1:
0x14: {  	[tilespmem:s2], [sflag:$0x3] =	stream.linear.gather [hbm4b:s6+s2], $0x80, $0x38;
	[tilespmem:$0x8080] =	vst v63  }
0x15: {  	_ =	swait.ge [sflag:s10], $0x80  }
0x16: {  	s15 =	simm.s32 $0x89;
	s16 =	simm.s32 $0x0;
	[sflag:s10] =	ssyncset.done $0x0  }
0x17: {  	s17 =	smov.u32 s8;
	s18 =	simm.s32 $0x80;
	[sflag:s10] =	ssyncadd.s32 $0xFFFFFF80  }
.LBB2_2:
0x18: {  	[tilespmem:s18], [sflag:$0x1] =	stream.indirect.gather [hbm4b:s3+s11], $0x80, s2, s11, $0xb8;
	[tilespmem:$0x8080] =	vst v63  }
0x19: {  	s31 =	sadd.s32 s16, s9;
	s19 =	sand.u32 $0x4000, s16  }
0x1a: {  	p0 =	seq.s32 s15, $0x89;
	_ =	swait.ge [sflag:s12], $0x4000;
	s18 =	sshrl.u32 s31, $0x3  }
0x1b: {  	s19 =	sor.u32 $0x80, s19;
	p1 =	seq.s32 @!p0 s15, $0x0;
	[sflag:s12] =	ssyncset.done $0x0  }
0x1c: {  	s18 =	sadd.s32 s5, s18;
	p1 =	por p0, !p1;
	[sflag:s12] =	ssyncadd.s32 $0xFFFFC000  }
0x1d: {  	[hbm4b:s18+s2] =	stream.linear.scatter [tilespmem:s19], [sflag:$0x2], $0x4000, $0x38;
	[tilespmem:$0x8080] =	vst v63  }
.Ltmp2:
0x1e: {  	_ = 	snop;
	(pc) =	sbr.rel @!p1 .LBB2_4-.Ltmp2, $4  }
0x1f: {  	s18 =	simm.s32 @!p0 $0x2  }
0x20: {  	_ =	swait.ge @!p0 [sflag:s18], $0x4000  }
0x21: {  	[sflag:s18] =	ssyncset.done @!p0 $0x0  }
0x22: {  	[sflag:s18] =	ssyncadd.s32 @!p0 $0xFFFFC000  }
0x23: {  	s18 =	sshrl.u32 s17, $0x3  }
.Ltmp3:
0x24: {  	s18 =	sadd.s32 s4, s18;
	(pc) =	sbr.rel .LBB2_2-.Ltmp3, $4  }
0x25: {  	[tilespmem:s2], [sflag:$0x3] =	stream.linear.gather [hbm4b:s18+s2], $0x80, $0x38;
	[tilespmem:$0x8080] =	vst v63  }
0x26: {  	s16 =	sadd.s32 $0x4000, s16;
	_ =	swait.ge [sflag:s10], $0x80  }
0x27: {  	s17 =	sadd.s32 $0x80, s17;
	s31 =	sand.u32 $0x4000, s16;
	[sflag:s10] =	ssyncset.done $0x0  }
0x28: {  	s15 =	sadd.s32 $0xFFFFFFFF, s15;
	s18 =	sor.u32 $0x80, s31;
	[sflag:s10] =	ssyncadd.s32 $0xFFFFFF80  }
.LBB2_5:
0x29: {  	_ =	sfence.sel $0x180000  }
0x2a: {  	[bflag:$0x0] =	sbarrier.arrive $0xFFFF  }
0x2b: {  	p0 =	sne.s32 s1, $0x0;
	_ =	strace $0x90000056  }
0x2c: {  	s0 =	sadd.s32 @!p0 $0x100000, s0;
	[bflag:$0x2] =	sbarrier.arrive $0xFFFF  }
0x2d: {  	[sflag:s0] =	ssyncadd.tile.s32 @!p0 $0x1;
	_ =	shalt  }
.Lfunc_end2:
_tile_overlayer_lowered:
.L_overlay_start_2:
0x2e: {  	(tag) =	ssettag $0x2  }
0x2f: {  	s0 =	rddreg [dreg:$0x0];
	s2 =	stileid.u32  }
0x30: {  	s1 =	rddreg [dreg:$0x1];
	p0 =	sne.s32 s2, $0x0  }
0x31: {  	s3 =	rddreg [dreg:$0x2];
	[bflag:$0x3] =	sbarrier.arrive $0xFFFF;
	s2 =	simm.s32 @!p0 $0x1C03  }
0x32: {  	[timem:s3], [sflag:s2] =	dma.local @!p0 [hbm:s0], s1  }
0x33: {  	s0 =	simm.s32 @!p0 $0x3  }
0x34: {  	_ =	swait.ge @!p0 [sflag:s0], s1  }
0x35: {  	s1 =	ssub.s32 @!p0 $0x0, s1;
	[sflag:s0] =	ssyncset.done @!p0 $0x0  }
0x36: {  	[sflag:s0] =	ssyncadd.s32 @!p0 s1  }
0x37: {  	[bflag:$0x3] =	sbarrier.arrive $0xFFFF  }
0x38: {  	_ =	shalt  }

</sc_bundles>
